<compile_context>
chip_gen: v7x
topology: tpu7x:2x2x1
jax: 0.10.2.dev20260603
libtpu: 0.0.44.dev20260713+nightly
codegen_flags: <defaults>
</compile_context>

<pallas_src>
import functools

import jax
import jax.numpy as jnp
from jax import lax
from jax.experimental import pallas as pl
from jax.experimental.pallas import tpu as pltpu
from jax.experimental.pallas import tpu_sc as plsc

B, S, D = 2, 2048, 768
H = 2 * D
A = H // 16
E = 8
G = 4
NG = max(1, E // G)
K = 2
N = B * S
TF = 512

SC_NC = 2
SC_NS = 16
SC_L = 16
SC_NW = SC_NC * SC_NS
SC_TPW = N // SC_NW


def _silu(x):
    return x * (0.5 * jnp.tanh(0.5 * x) + 0.5)


def _ln(x, g, b):
    mu = jnp.mean(x, axis=-1, keepdims=True)
    d = x - mu
    v = jnp.mean(d * d, axis=-1, keepdims=True)
    return d * jax.lax.rsqrt(v + 1e-5) * g + b


def _pre_body(wadapt_ref, wdown_ref, wep_ref, wop_ref, wawd_ref, wepwop_ref):
    wawd_ref[...] = jnp.dot(wadapt_ref[...], wdown_ref[...],
                            preferred_element_type=jnp.float32)
    wepwop_ref[...] = jnp.dot(wep_ref[...], wop_ref[...],
                              preferred_element_type=jnp.float32)


def _rlog_body(x_ref, wr_ref, rlogt_ref):
    rlogt_ref[...] = jax.lax.dot_general(
        wr_ref[...], x_ref[...], (((0,), (1,)), ((), ())),
        preferred_element_type=jnp.float32)


def _sc_router_body(rlogt_hbm, dmt_hbm, rin, rout):
    wid = lax.axis_index("s") * SC_NC + lax.axis_index("c")
    base = wid * SC_TPW
    pltpu.sync_copy(rlogt_hbm.at[:, pl.ds(base, SC_TPW)], rin)

    kvec = [jnp.full((SC_L,), k, jnp.int32) for k in range(G)]
    for grp in range(SC_TPW // SC_L):
        cols = pl.ds(grp * SC_L, SC_L)
        gl0 = rin[0, cols]
        gl1 = rin[1, cols]
        ll = [rin[2 + k, cols] for k in range(G)]
        gm = jnp.maximum(gl0, gl1)
        ex0 = jnp.exp(gl0 - gm)
        ex1 = jnp.exp(gl1 - gm)
        cw = jnp.maximum(ex0, ex1) / (ex0 + ex1)
        is1 = gl1 > gl0
        lm = jnp.maximum(jnp.maximum(ll[0], ll[1]), jnp.maximum(ll[2], ll[3]))
        le = [jnp.exp(l - lm) for l in ll]
        lsum = (le[0] + le[1]) + (le[2] + le[3])
        lp = [l / lsum for l in le]
        p0 = jnp.maximum(jnp.maximum(lp[0], lp[1]), jnp.maximum(lp[2], lp[3]))
        ti0 = jnp.where(lp[0] == p0, kvec[0],
                        jnp.where(lp[1] == p0, kvec[1],
                                  jnp.where(lp[2] == p0, kvec[2], kvec[3])))
        lpx = [jnp.where(ti0 == kvec[k], -1.0, lp[k]) for k in range(G)]
        p1 = jnp.maximum(jnp.maximum(lpx[0], lpx[1]),
                         jnp.maximum(lpx[2], lpx[3]))
        ti1 = jnp.where(lpx[0] == p1, kvec[0],
                        jnp.where(lpx[1] == p1, kvec[1],
                                  jnp.where(lpx[2] == p1, kvec[2], kvec[3])))
        inv = 1.0 / (p0 + p1 + 1e-7)
        fw0 = cw * p0 * inv
        fw1 = cw * p1 * inv
        for e in range(E):
            l_id = e % G
            wl = (jnp.where(ti0 == kvec[l_id], fw0, 0.0)
                  + jnp.where(ti1 == kvec[l_id], fw1, 0.0))
            if e // G == 1:
                dme = jnp.where(is1, wl, 0.0)
            else:
                dme = jnp.where(is1, 0.0, wl)
            rout[e, cols] = dme
    pltpu.sync_copy(rout, dmt_hbm.at[:, pl.ds(base, SC_TPW)])


def _fused_body(x_ref, dmt_ref, wup_ref, wgate_ref, wdown_ref, wpre_ref,
                wpost_ref, gn_ref, bn_ref,
                adw_ref, adgf_ref, adb_ref, ub_ref, bb_ref,
                wawd_ref, wepwop_ref,
                out_ref,
                sh_s, pre_s, ai_s, ao_s):
    p = pl.program_id(1)
    i = pl.program_id(2)
    rows = pl.ds(i * TF, TF)

    @pl.when(p == 0)
    def _main():
        xt = x_ref[0]
        xb = xt.astype(jnp.bfloat16)
        up = jnp.dot(xb, wup_ref[...], preferred_element_type=jnp.float32)
        gate = jnp.dot(xb, wgate_ref[...], preferred_element_type=jnp.float32)
        hidden = (_silu(gate) * up).astype(jnp.bfloat16)
        sh_s[rows, :] = jnp.dot(hidden, wdown_ref[...],
                                preferred_element_type=jnp.float32)
        pre = jnp.dot(xb, wpre_ref[...], preferred_element_type=jnp.float32)
        pre_s[rows, :] = pre
        g = gn_ref[...]
        b = bn_ref[...]
        ai_s[rows, :] = _ln(pre, g, b)
        po = jnp.dot(hidden, wpost_ref[...],
                     preferred_element_type=jnp.float32)
        ao_s[rows, :] = _ln(po, g, b)

    @pl.when(p == 1)
    def _tail():
        ai_b = ai_s[...]
        ao_b = ao_s[...]
        ai_t = ai_s[rows, :]

        aw = jax.lax.dot_general(ai_t.astype(jnp.bfloat16),
                                 ao_b.astype(jnp.bfloat16),
                                 (((1,), (1,)), ((), ())),
                                 preferred_element_type=jnp.float32)
        aw = _silu(jnp.clip(aw, -5.0, 5.0)).astype(jnp.bfloat16)
        ac = jnp.dot(aw, ai_b.astype(jnp.bfloat16),
                     preferred_element_type=jnp.float32)
        adapt_contrib = jnp.dot(ac, wawd_ref[...],
                                preferred_element_type=jnp.float32)
        shared = sh_s[rows, :] + 0.1 * adapt_contrib

        dm = jnp.transpose(dmt_ref[...])
        wsum = jnp.sum(dm, axis=1, keepdims=True)

        pre_t = pre_s[rows, :]
        P = jnp.dot(pre_t, adw_ref[...],
                    preferred_element_type=jnp.float32)
        sums = jnp.dot(P, ub_ref[...], preferred_element_type=jnp.float32)
        sums2 = jnp.dot(P * P, ub_ref[...],
                        preferred_element_type=jnp.float32)
        mu = sums * (1.0 / A)
        var = sums2 * (1.0 / A) - mu * mu
        rs = jax.lax.rsqrt(var + 1e-5)
        sc = dm * rs
        uc = sc * mu
        Sb = jnp.dot(sc, bb_ref[...], preferred_element_type=jnp.float32)
        Ub = jnp.dot(uc, bb_ref[...], preferred_element_type=jnp.float32)
        zfull = (P * Sb - Ub) * adgf_ref[...]
        z = zfull[:, 0:A]
        for e in range(1, E):
            z = z + zfull[:, e * A:(e + 1) * A]
        z = z + jnp.dot(dm, adb_ref[...], preferred_element_type=jnp.float32)
        expert = jnp.dot(z, wepwop_ref[...],
                         preferred_element_type=jnp.float32)
        out_ref[0] = shared * wsum + 0.1 * expert


@jax.jit
def _run(x, Wup, Wgate, Wdown, Wpre, Wpost, g_norm, b_norm, Wadapt, adW,
         adg, adb, Wep, Wop, Wrg, Wre):
    xf = x.reshape(N, D)
    wr = jnp.concatenate(
        [Wrg, Wre, jnp.zeros((D, 8 - NG - G), jnp.float32)], axis=1)
    adw_all = jnp.transpose(adW, (1, 0, 2)).reshape(A, E * A)
    gn = g_norm.reshape(1, A)
    bn = b_norm.reshape(1, A)
    ub = jnp.repeat(jnp.eye(E, dtype=jnp.float32), A, axis=0)
    bb = ub.T
    adgf = adg.reshape(1, E * A)
    wup_b = Wup.astype(jnp.bfloat16)
    wgate_b = Wgate.astype(jnp.bfloat16)
    wdown_b = Wdown.astype(jnp.bfloat16)
    wpost_b = Wpost.astype(jnp.bfloat16)
    wpre_b = Wpre.astype(jnp.bfloat16)

    wawd, wepwop = pl.pallas_call(
        _pre_body,
        out_shape=(jax.ShapeDtypeStruct((A, D), jnp.float32),
                   jax.ShapeDtypeStruct((A, D), jnp.float32)),
    )(Wadapt, Wdown, Wep, Wop)

    nt = N // TF
    rlogt = pl.pallas_call(
        _rlog_body,
        grid=(nt,),
        in_specs=[
            pl.BlockSpec((TF, D), lambda i: (i, 0)),
            pl.BlockSpec((D, 8), lambda i: (0, 0)),
        ],
        out_specs=pl.BlockSpec((8, TF), lambda i: (0, i)),
        out_shape=jax.ShapeDtypeStruct((8, N), jnp.float32),
    )(xf, wr)

    sc_router = functools.partial(
        pl.kernel,
        mesh=plsc.VectorSubcoreMesh(core_axis_name="c", subcore_axis_name="s"),
        out_type=jax.ShapeDtypeStruct((E, N), jnp.float32),
        scratch_types=[
            pltpu.VMEM((8, SC_TPW), jnp.float32),
            pltpu.VMEM((E, SC_TPW), jnp.float32),
        ],
    )(_sc_router_body)
    dmt = sc_router(rlogt)

    npb = S // TF
    out = pl.pallas_call(
        _fused_body,
        grid=(B, 2, npb),
        in_specs=[
            pl.BlockSpec((1, TF, D), lambda b, p, i: (b, i * (1 - p), 0)),
            pl.BlockSpec((E, TF), lambda b, p, i: (0, (b * (S // TF) + i) * p)),
            pl.BlockSpec((D, H), lambda b, p, i: (0, 0)),
            pl.BlockSpec((D, H), lambda b, p, i: (0, 0)),
            pl.BlockSpec((H, D), lambda b, p, i: (0, 0)),
            pl.BlockSpec((D, A), lambda b, p, i: (0, 0)),
            pl.BlockSpec((H, A), lambda b, p, i: (0, 0)),
            pl.BlockSpec((1, A), lambda b, p, i: (0, 0)),
            pl.BlockSpec((1, A), lambda b, p, i: (0, 0)),
            pl.BlockSpec((A, E * A), lambda b, p, i: (0, 0)),
            pl.BlockSpec((1, E * A), lambda b, p, i: (0, 0)),
            pl.BlockSpec((E, A), lambda b, p, i: (0, 0)),
            pl.BlockSpec((E * A, E), lambda b, p, i: (0, 0)),
            pl.BlockSpec((E, E * A), lambda b, p, i: (0, 0)),
            pl.BlockSpec((A, D), lambda b, p, i: (0, 0)),
            pl.BlockSpec((A, D), lambda b, p, i: (0, 0)),
        ],
        out_specs=pl.BlockSpec((1, TF, D), lambda b, p, i: (b, i * p, 0)),
        out_shape=jax.ShapeDtypeStruct((B, S, D), jnp.float32),
        scratch_shapes=[
            pltpu.VMEM((S, D), jnp.float32),
            pltpu.VMEM((S, A), jnp.float32),
            pltpu.VMEM((S, A), jnp.float32),
            pltpu.VMEM((S, A), jnp.float32),
        ],
    )(x, dmt, wup_b, wgate_b, wdown_b, wpre_b, wpost_b, gn, bn,
      adw_all, adgf, adb, ub, bb, wawd, wepwop)
    return out


def kernel(x, Wup, Wgate, Wdown, Wpre, Wpost, g_norm, b_norm, Wadapt, adW,
           adg, adb, Wep, Wop, Wrg, Wre):
    return _run(x, Wup, Wgate, Wdown, Wpre, Wpost, g_norm, b_norm, Wadapt,
                adW, adg, adb, Wep, Wop, Wrg, Wre)

# --- scband reference (transcript-rebuilt; emitter-appended) ---
"""Pipeline reference for scband-mo-eencoder-decoder-gpt-71133248356530 (READ-ONLY COPY).

The authoritative reference and input builder live on the scoring server;
editing this copy changes nothing except your own understanding.
"""

import jax, jax.numpy as jnp
import numpy as np

B, S, D = 2, 2048, 768
H = 2 * D
A = H // 16
E = 8
G = 4
NG = max(1, E // G)
K = 2

def _silu(x):
    return x * jax.nn.sigmoid(x)

def _ln(x, g, b):
    mu = jnp.mean(x, axis=-1, keepdims=True)
    v = jnp.var(x, axis=-1, keepdims=True)
    return (x - mu) / jnp.sqrt(v + 1e-5) * g + b

def setup_inputs(seed: int = 0):
    key = jax.random.key(seed)
    ks = jax.random.split(key, 16)
    sc = 1.0 / np.sqrt(D)
    asc = sc * 0.01
    asc2 = 0.01 / np.sqrt(A)
    inp = {}
    inp["x"] = jax.random.normal(ks[0], (B, S, D), jnp.float32)
    inp["Wup"] = jax.random.normal(ks[1], (D, H), jnp.float32) * sc
    inp["Wgate"] = jax.random.normal(ks[2], (D, H), jnp.float32) * sc
    inp["Wdown"] = jax.random.normal(ks[3], (H, D), jnp.float32) * sc
    inp["Wpre"] = jax.random.normal(ks[4], (D, A), jnp.float32) * asc
    inp["Wpost"] = jax.random.normal(ks[5], (H, A), jnp.float32) * asc
    inp["g_norm"] = jnp.ones((A,), jnp.float32)
    inp["b_norm"] = jnp.zeros((A,), jnp.float32)
    inp["Wadapt"] = jax.random.normal(ks[6], (A, H), jnp.float32) * asc
    inp["adW"] = jax.random.normal(ks[7], (E, A, A), jnp.float32) * asc2
    inp["adg"] = jnp.ones((E, A), jnp.float32)
    inp["adb"] = jnp.zeros((E, A), jnp.float32)
    inp["Wep"] = jax.random.normal(ks[8], (A, H), jnp.float32) * asc2
    inp["Wop"] = jax.random.normal(ks[9], (H, D), jnp.float32) * asc2
    inp["Wrg"] = jax.random.normal(ks[10], (D, NG), jnp.float32) * 0.001
    inp["Wre"] = jax.random.normal(ks[11], (D, G), jnp.float32) * 0.001
    return inp

def _forward(x, Wup, Wgate, Wdown, Wpre, Wpost, g_norm, b_norm, Wadapt, adW, adg, adb, Wep, Wop, Wrg, Wre):
    # SharedExpertMLP
    up = x @ Wup
    gate = x @ Wgate
    hidden = _silu(gate) * up
    adapt_in = _ln(x @ Wpre, g_norm, b_norm)
    adapt_out = _ln(hidden @ Wpost, g_norm, b_norm)
    aw = jnp.einsum("bia,bja->bij", adapt_in, adapt_out)
    aw = _silu(jnp.clip(aw, -5.0, 5.0))
    adapt = jnp.einsum("bij,bja->bia", aw, adapt_in) @ Wadapt
    shared_out = (hidden + 0.1 * adapt) @ Wdown
    # HierarchicalRouter
    xf = x.reshape(-1, D)
    N = xf.shape[0]
    group_probs = jax.nn.softmax(xf @ Wrg, axis=-1)
    cgw, cgi = jax.lax.top_k(group_probs, 1)
    chosen = cgi[:, 0]
    cw = cgw[:, 0]
    local_probs = jax.nn.softmax(xf @ Wre, axis=-1)
    tw, ti = jax.lax.top_k(local_probs, K)
    eidx = chosen[:, None] * G + ti
    tw = tw / (jnp.sum(tw, axis=-1, keepdims=True) + 1e-7)
    fw = cw[:, None] * tw
    dm = jnp.zeros((N, E), jnp.float32)
    rows = jnp.arange(N)
    for i in range(K):
        dm = dm.at[rows, eidx[:, i]].set(fw[:, i])
    # ExpertGroup (dense, mathematically identical to masked-gather version)
    ew = dm.reshape(B, S, E)
    pre = x @ Wpre
    out = jnp.zeros_like(shared_out)
    for i in range(E):
        m = ew[:, :, i] > 0
        h = pre @ adW[i]
        h = _ln(h, adg[i], adb[i])
        h = (h @ Wep) @ Wop
        contrib = jnp.where(m[..., None], h, 0.0)
        out = out + (shared_out + 0.1 * contrib) * ew[:, :, i:i + 1]
    return out

def reference(x, Wup, Wgate, Wdown, Wpre, Wpost, g_norm, b_norm, Wadapt, adW, adg, adb, Wep, Wop, Wrg, Wre):
    return _forward(x, Wup, Wgate, Wdown, Wpre, Wpost, g_norm, b_norm, Wadapt, adW, adg, adb, Wep, Wop, Wrg, Wre)

if __name__ == "__main__":
    import jax
    _d = setup_inputs()
    print(jax.jit(kernel)(*tuple(_d.values())))

</pallas_src>

<mosaic_0001>
#map = affine_map<(d0, d1) -> (0, 0)>
module attributes {stable_mosaic.version = 14 : i64} {
  func.func @_sc_router_body(%arg0: i32, %arg1: i32, %arg2: memref<8x4096xf32, #tpu.memory_space<hbm>>, %arg3: memref<8x4096xf32, #tpu.memory_space<hbm>>, %arg4: memref<8x128xf32, #tpu.memory_space<vmem>>, %arg5: memref<8x128xf32, #tpu.memory_space<vmem>>) attributes {dimension_semantics = [#tpu.dimension_semantics<core_parallel>, #tpu.dimension_semantics<subcore_parallel>], iteration_bounds = array<i64: 2, 16>, scalar_prefetch = 0 : i64, scratch_operands = 2 : i64, tpu.core_type = #tpu.core_type<sc_vector_subcore>, window_params = [{transform_indices = #map}, {transform_indices = #map}]} {
    %mul3A = arith.constant 2 : i32
    %mul3A_0 = arith.muli %arg1, %mul3A : i32
    %add3A = arith.addi %mul3A_0, %arg0 : i32
    %mul3A_1 = arith.constant 128 : i32
    %mul3A_2 = arith.muli %add3A, %mul3A_1 : i32
    "tpu.region"() ({
      %run_scoped3A = tpu.sem_alloc : memref<!tpu.dma_semaphore, #tpu.memory_space<semaphore_mem>>
      %dma_start3A = arith.constant 0 : i32
      %dma_start3A_1968 = tpu.memref_slice %arg2[%dma_start3A, %mul3A_2] : memref<8x4096xf32, #tpu.memory_space<hbm>> -> memref<8x128xf32, #tpu.memory_space<hbm>>
      %dma_start3A_1969 = arith.constant 0 : i32
      %dma_start3A_1970 = tpu.memref_slice %arg2[%dma_start3A_1969, %mul3A_2] : memref<8x4096xf32, #tpu.memory_space<hbm>> -> memref<8x128xf32, #tpu.memory_space<hbm>>
      tpu.enqueue_dma source(%dma_start3A_1970 : memref<8x128xf32, #tpu.memory_space<hbm>>) target(%arg4 : memref<8x128xf32, #tpu.memory_space<vmem>>) target_semaphore(%run_scoped3A : memref<!tpu.dma_semaphore, #tpu.memory_space<semaphore_mem>>)
      %dma_wait3A = arith.constant 0 : i32
      %dma_wait3A_1971 = tpu.memref_slice %arg2[%dma_wait3A, %mul3A_2] : memref<8x4096xf32, #tpu.memory_space<hbm>> -> memref<8x128xf32, #tpu.memory_space<hbm>>
      %dma_wait3A_1972 = arith.constant 0 : i32
      %dma_wait3A_1973 = tpu.memref_slice %arg2[%dma_wait3A_1972, %mul3A_2] : memref<8x4096xf32, #tpu.memory_space<hbm>> -> memref<8x128xf32, #tpu.memory_space<hbm>>
      tpu.wait_dma2 semaphore(%run_scoped3A : memref<!tpu.dma_semaphore, #tpu.memory_space<semaphore_mem>>) src(%dma_wait3A_1973 : memref<8x128xf32, #tpu.memory_space<hbm>>) dst(%arg4 : memref<8x128xf32, #tpu.memory_space<vmem>>)
      tpu.yield
    }) : () -> ()
    %broadcast_in_dim3A = arith.constant 0 : i32
    %broadcast_in_dim3A_3 = vector.broadcast %broadcast_in_dim3A : i32 to vector<16xi32>
    %broadcast_in_dim3A_4 = arith.constant 1 : i32
    %broadcast_in_dim3A_5 = vector.broadcast %broadcast_in_dim3A_4 : i32 to vector<16xi32>
    %broadcast_in_dim3A_6 = arith.constant 2 : i32
    %broadcast_in_dim3A_7 = vector.broadcast %broadcast_in_dim3A_6 : i32 to vector<16xi32>
    %broadcast_in_dim3A_8 = arith.constant 3 : i32
    %broadcast_in_dim3A_9 = vector.broadcast %broadcast_in_dim3A_8 : i32 to vector<16xi32>
    %get3A = arith.constant 0 : i32
    %get3A_10 = arith.index_cast %get3A : i32 to index
    %get3A_11 = arith.constant 0 : index
    %get3A_12 = tpu.vector_load %arg4[%get3A_10, %get3A_11] {strides = array<i32>} : memref<8x128xf32, #tpu.memory_space<vmem>>, vector<1x16xf32>,
    %get3A_13 = vector.shape_cast %get3A_12 : vector<1x16xf32> to vector<16xf32>
    %get3A_14 = arith.constant 1 : i32
    %get3A_15 = arith.index_cast %get3A_14 : i32 to index
    %get3A_16 = arith.constant 0 : index
    %get3A_17 = tpu.vector_load %arg4[%get3A_15, %get3A_16] {strides = array<i32>} : memref<8x128xf32, #tpu.memory_space<vmem>>, vector<1x16xf32>,
    %get3A_18 = vector.shape_cast %get3A_17 : vector<1x16xf32> to vector<16xf32>
    %get3A_19 = arith.constant 2 : i32
    %get3A_20 = arith.index_cast %get3A_19 : i32 to index
    %get3A_21 = arith.constant 0 : index
    %get3A_22 = tpu.vector_load %arg4[%get3A_20, %get3A_21] {strides = array<i32>} : memref<8x128xf32, #tpu.memory_space<vmem>>, vector<1x16xf32>,
    %get3A_23 = vector.shape_cast %get3A_22 : vector<1x16xf32> to vector<16xf32>
    %get3A_24 = arith.constant 3 : i32
    %get3A_25 = arith.index_cast %get3A_24 : i32 to index
    %get3A_26 = arith.constant 0 : index
    %get3A_27 = tpu.vector_load %arg4[%get3A_25, %get3A_26] {strides = array<i32>} : memref<8x128xf32, #tpu.memory_space<vmem>>, vector<1x16xf32>,
    %get3A_28 = vector.shape_cast %get3A_27 : vector<1x16xf32> to vector<16xf32>
    %get3A_29 = arith.constant 4 : i32
    %get3A_30 = arith.index_cast %get3A_29 : i32 to index
    %get3A_31 = arith.constant 0 : index
    %get3A_32 = tpu.vector_load %arg4[%get3A_30, %get3A_31] {strides = array<i32>} : memref<8x128xf32, #tpu.memory_space<vmem>>, vector<1x16xf32>,
    %get3A_33 = vector.shape_cast %get3A_32 : vector<1x16xf32> to vector<16xf32>
    %get3A_34 = arith.constant 5 : i32
    %get3A_35 = arith.index_cast %get3A_34 : i32 to index
    %get3A_36 = arith.constant 0 : index
    %get3A_37 = tpu.vector_load %arg4[%get3A_35, %get3A_36] {strides = array<i32>} : memref<8x128xf32, #tpu.memory_space<vmem>>, vector<1x16xf32>,
    %get3A_38 = vector.shape_cast %get3A_37 : vector<1x16xf32> to vector<16xf32>
    %max3A = arith.maximumf %get3A_13, %get3A_18 : vector<16xf32>
    %sub3A = arith.subf %get3A_13, %max3A : vector<16xf32>
    %exp3A = math.exp %sub3A : vector<16xf32>
    %sub3A_39 = arith.subf %get3A_18, %max3A : vector<16xf32>
    %exp3A_40 = math.exp %sub3A_39 : vector<16xf32>
    %max3A_41 = arith.maximumf %exp3A, %exp3A_40 : vector<16xf32>
    %add3A_42 = arith.addf %exp3A, %exp3A_40 : vector<16xf32>
    %div3A = arith.divf %max3A_41, %add3A_42 : vector<16xf32>
    %gt3A = arith.cmpf ogt, %get3A_18, %get3A_13 : vector<16xf32>
    %max3A_43 = arith.maximumf %get3A_23, %get3A_28 : vector<16xf32>
    %max3A_44 = arith.maximumf %get3A_33, %get3A_38 : vector<16xf32>
    %max3A_45 = arith.maximumf %max3A_43, %max3A_44 : vector<16xf32>
    %sub3A_46 = arith.subf %get3A_23, %max3A_45 : vector<16xf32>
    %exp3A_47 = math.exp %sub3A_46 : vector<16xf32>
    %sub3A_48 = arith.subf %get3A_28, %max3A_45 : vector<16xf32>
    %exp3A_49 = math.exp %sub3A_48 : vector<16xf32>
    %sub3A_50 = arith.subf %get3A_33, %max3A_45 : vector<16xf32>
    %exp3A_51 = math.exp %sub3A_50 : vector<16xf32>
    %sub3A_52 = arith.subf %get3A_38, %max3A_45 : vector<16xf32>
    %exp3A_53 = math.exp %sub3A_52 : vector<16xf32>
    %add3A_54 = arith.addf %exp3A_47, %exp3A_49 : vector<16xf32>
    %add3A_55 = arith.addf %exp3A_51, %exp3A_53 : vector<16xf32>
    %add3A_56 = arith.addf %add3A_54, %add3A_55 : vector<16xf32>
    %div3A_57 = arith.divf %exp3A_47, %add3A_56 : vector<16xf32>
    %div3A_58 = arith.divf %exp3A_49, %add3A_56 : vector<16xf32>
    %div3A_59 = arith.divf %exp3A_51, %add3A_56 : vector<16xf32>
    %div3A_60 = arith.divf %exp3A_53, %add3A_56 : vector<16xf32>
    %max3A_61 = arith.maximumf %div3A_57, %div3A_58 : vector<16xf32>
    %max3A_62 = arith.maximumf %div3A_59, %div3A_60 : vector<16xf32>
    %max3A_63 = arith.maximumf %max3A_61, %max3A_62 : vector<16xf32>
    %eq3A = arith.cmpf oeq, %div3A_57, %max3A_63 : vector<16xf32>
    %eq3A_64 = arith.cmpf oeq, %div3A_58, %max3A_63 : vector<16xf32>
    %eq3A_65 = arith.cmpf oeq, %div3A_59, %max3A_63 : vector<16xf32>
    %select_n3A = arith.select %eq3A_65, %broadcast_in_dim3A_7, %broadcast_in_dim3A_9 : vector<16xi1>, vector<16xi32>
    %select_n3A_66 = arith.select %eq3A_64, %broadcast_in_dim3A_5, %select_n3A : vector<16xi1>, vector<16xi32>
    %select_n3A_67 = arith.select %eq3A, %broadcast_in_dim3A_3, %select_n3A_66 : vector<16xi1>, vector<16xi32>
    %eq3A_68 = arith.cmpi eq, %select_n3A_67, %broadcast_in_dim3A_3 : vector<16xi32>
    %jit3A = arith.constant -1.000000e+00 : f32
    %broadcast_in_dim3A_69 = vector.broadcast %jit3A : f32 to vector<16xf32>
    %select_n3A_70 = arith.select %eq3A_68, %broadcast_in_dim3A_69, %div3A_57 : vector<16xi1>, vector<16xf32>
    %eq3A_71 = arith.cmpi eq, %select_n3A_67, %broadcast_in_dim3A_5 : vector<16xi32>
    %jit3A_72 = arith.constant -1.000000e+00 : f32
    %broadcast_in_dim3A_73 = vector.broadcast %jit3A_72 : f32 to vector<16xf32>
    %select_n3A_74 = arith.select %eq3A_71, %broadcast_in_dim3A_73, %div3A_58 : vector<16xi1>, vector<16xf32>
    %eq3A_75 = arith.cmpi eq, %select_n3A_67, %broadcast_in_dim3A_7 : vector<16xi32>
    %jit3A_76 = arith.constant -1.000000e+00 : f32
    %broadcast_in_dim3A_77 = vector.broadcast %jit3A_76 : f32 to vector<16xf32>
    %select_n3A_78 = arith.select %eq3A_75, %broadcast_in_dim3A_77, %div3A_59 : vector<16xi1>, vector<16xf32>
    %eq3A_79 = arith.cmpi eq, %select_n3A_67, %broadcast_in_dim3A_9 : vector<16xi32>
    %jit3A_80 = arith.constant -1.000000e+00 : f32
    %broadcast_in_dim3A_81 = vector.broadcast %jit3A_80 : f32 to vector<16xf32>
    %select_n3A_82 = arith.select %eq3A_79, %broadcast_in_dim3A_81, %div3A_60 : vector<16xi1>, vector<16xf32>
    %max3A_83 = arith.maximumf %select_n3A_70, %select_n3A_74 : vector<16xf32>
    %max3A_84 = arith.maximumf %select_n3A_78, %select_n3A_82 : vector<16xf32>
    %max3A_85 = arith.maximumf %max3A_83, %max3A_84 : vector<16xf32>
    %eq3A_86 = arith.cmpf oeq, %select_n3A_70, %max3A_85 : vector<16xf32>
    %eq3A_87 = arith.cmpf oeq, %select_n3A_74, %max3A_85 : vector<16xf32>
    %eq3A_88 = arith.cmpf oeq, %select_n3A_78, %max3A_85 : vector<16xf32>
    %select_n3A_89 = arith.select %eq3A_88, %broadcast_in_dim3A_7, %broadcast_in_dim3A_9 : vector<16xi1>, vector<16xi32>
    %select_n3A_90 = arith.select %eq3A_87, %broadcast_in_dim3A_5, %select_n3A_89 : vector<16xi1>, vector<16xi32>
    %select_n3A_91 = arith.select %eq3A_86, %broadcast_in_dim3A_3, %select_n3A_90 : vector<16xi1>, vector<16xi32>
    %add3A_92 = arith.addf %max3A_63, %max3A_85 : vector<16xf32>
    %add3A_93 = arith.constant 1.000000e-07 : f32
    %add3A_94 = vector.broadcast %add3A_93 : f32 to vector<16xf32>
    %add3A_95 = arith.addf %add3A_92, %add3A_94 : vector<16xf32>
    %div3A_96 = arith.constant 1.000000e+00 : f32
    %div3A_97 = vector.broadcast %div3A_96 : f32 to vector<16xf32>
    %div3A_98 = arith.divf %div3A_97, %add3A_95 : vector<16xf32>
    %mul3A_99 = arith.mulf %div3A, %max3A_63 : vector<16xf32>
    %mul3A_100 = arith.mulf %mul3A_99, %div3A_98 : vector<16xf32>
    %mul3A_101 = arith.mulf %div3A, %max3A_85 : vector<16xf32>
    %mul3A_102 = arith.mulf %mul3A_101, %div3A_98 : vector<16xf32>
    %eq3A_103 = arith.cmpi eq, %select_n3A_67, %broadcast_in_dim3A_3 : vector<16xi32>
    %jit3A_104 = arith.constant 0.000000e+00 : f32
    %broadcast_in_dim3A_105 = vector.broadcast %jit3A_104 : f32 to vector<16xf32>
    %select_n3A_106 = arith.select %eq3A_103, %mul3A_100, %broadcast_in_dim3A_105 : vector<16xi1>, vector<16xf32>
    %eq3A_107 = arith.cmpi eq, %select_n3A_91, %broadcast_in_dim3A_3 : vector<16xi32>
    %jit3A_108 = arith.constant 0.000000e+00 : f32
    %broadcast_in_dim3A_109 = vector.broadcast %jit3A_108 : f32 to vector<16xf32>
    %select_n3A_110 = arith.select %eq3A_107, %mul3A_102, %broadcast_in_dim3A_109 : vector<16xi1>, vector<16xf32>
    %add3A_111 = arith.addf %select_n3A_106, %select_n3A_110 : vector<16xf32>
    %jit3A_112 = arith.constant 0.000000e+00 : f32
    %broadcast_in_dim3A_113 = vector.broadcast %jit3A_112 : f32 to vector<16xf32>
    %select_n3A_114 = arith.select %gt3A, %broadcast_in_dim3A_113, %add3A_111 : vector<16xi1>, vector<16xf32>
    %swap3A = arith.constant 0 : i32
    %swap3A_115 = arith.index_cast %swap3A : i32 to index
    %swap3A_116 = arith.constant 0 : index
    %swap3A_117 = tpu.vector_load %arg5[%swap3A_115, %swap3A_116] {strides = array<i32>} : memref<8x128xf32, #tpu.memory_space<vmem>>, vector<1x16xf32>,
    %swap3A_118 = vector.shape_cast %swap3A_117 : vector<1x16xf32> to vector<16xf32>
    %swap3A_119 = vector.shape_cast %select_n3A_114 : vector<16xf32> to vector<1x16xf32>
    tpu.vector_store %arg5[%swap3A_115, %swap3A_116], %swap3A_119 {strides = array<i32>} : memref<8x128xf32, #tpu.memory_space<vmem>>, vector<1x16xf32>,
    %eq3A_120 = arith.cmpi eq, %select_n3A_67, %broadcast_in_dim3A_5 : vector<16xi32>
    %jit3A_121 = arith.constant 0.000000e+00 : f32
    %broadcast_in_dim3A_122 = vector.broadcast %jit3A_121 : f32 to vector<16xf32>
    %select_n3A_123 = arith.select %eq3A_120, %mul3A_100, %broadcast_in_dim3A_122 : vector<16xi1>, vector<16xf32>
    %eq3A_124 = arith.cmpi eq, %select_n3A_91, %broadcast_in_dim3A_5 : vector<16xi32>
    %jit3A_125 = arith.constant 0.000000e+00 : f32
    %broadcast_in_dim3A_126 = vector.broadcast %jit3A_125 : f32 to vector<16xf32>
    %select_n3A_127 = arith.select %eq3A_124, %mul3A_102, %broadcast_in_dim3A_126 : vector<16xi1>, vector<16xf32>
    %add3A_128 = arith.addf %select_n3A_123, %select_n3A_127 : vector<16xf32>
    %jit3A_129 = arith.constant 0.000000e+00 : f32
    %broadcast_in_dim3A_130 = vector.broadcast %jit3A_129 : f32 to vector<16xf32>
    %select_n3A_131 = arith.select %gt3A, %broadcast_in_dim3A_130, %add3A_128 : vector<16xi1>, vector<16xf32>
    %swap3A_132 = arith.constant 1 : i32
    %swap3A_133 = arith.index_cast %swap3A_132 : i32 to index
    %swap3A_134 = arith.constant 0 : index
    %swap3A_135 = tpu.vector_load %arg5[%swap3A_133, %swap3A_134] {strides = array<i32>} : memref<8x128xf32, #tpu.memory_space<vmem>>, vector<1x16xf32>,
    %swap3A_136 = vector.shape_cast %swap3A_135 : vector<1x16xf32> to vector<16xf32>
    %swap3A_137 = vector.shape_cast %select_n3A_131 : vector<16xf32> to vector<1x16xf32>
    tpu.vector_store %arg5[%swap3A_133, %swap3A_134], %swap3A_137 {strides = array<i32>} : memref<8x128xf32, #tpu.memory_space<vmem>>, vector<1x16xf32>,
    %eq3A_138 = arith.cmpi eq, %select_n3A_67, %broadcast_in_dim3A_7 : vector<16xi32>
    %jit3A_139 = arith.constant 0.000000e+00 : f32
    %broadcast_in_dim3A_140 = vector.broadcast %jit3A_139 : f32 to vector<16xf32>
    %select_n3A_141 = arith.select %eq3A_138, %mul3A_100, %broadcast_in_dim3A_140 : vector<16xi1>, vector<16xf32>
    %eq3A_142 = arith.cmpi eq, %select_n3A_91, %broadcast_in_dim3A_7 : vector<16xi32>
    %jit3A_143 = arith.constant 0.000000e+00 : f32
    %broadcast_in_dim3A_144 = vector.broadcast %jit3A_143 : f32 to vector<16xf32>
    %select_n3A_145 = arith.select %eq3A_142, %mul3A_102, %broadcast_in_dim3A_144 : vector<16xi1>, vector<16xf32>
    %add3A_146 = arith.addf %select_n3A_141, %select_n3A_145 : vector<16xf32>
    %jit3A_147 = arith.constant 0.000000e+00 : f32
    %broadcast_in_dim3A_148 = vector.broadcast %jit3A_147 : f32 to vector<16xf32>
    %select_n3A_149 = arith.select %gt3A, %broadcast_in_dim3A_148, %add3A_146 : vector<16xi1>, vector<16xf32>
    %swap3A_150 = arith.constant 2 : i32
    %swap3A_151 = arith.index_cast %swap3A_150 : i32 to index
    %swap3A_152 = arith.constant 0 : index
    %swap3A_153 = tpu.vector_load %arg5[%swap3A_151, %swap3A_152] {strides = array<i32>} : memref<8x128xf32, #tpu.memory_space<vmem>>, vector<1x16xf32>,
    %swap3A_154 = vector.shape_cast %swap3A_153 : vector<1x16xf32> to vector<16xf32>
    %swap3A_155 = vector.shape_cast %select_n3A_149 : vector<16xf32> to vector<1x16xf32>
    tpu.vector_store %arg5[%swap3A_151, %swap3A_152], %swap3A_155 {strides = array<i32>} : memref<8x128xf32, #tpu.memory_space<vmem>>, vector<1x16xf32>,
    %eq3A_156 = arith.cmpi eq, %select_n3A_67, %broadcast_in_dim3A_9 : vector<16xi32>
    %jit3A_157 = arith.constant 0.000000e+00 : f32
    %broadcast_in_dim3A_158 = vector.broadcast %jit3A_157 : f32 to vector<16xf32>
    %select_n3A_159 = arith.select %eq3A_156, %mul3A_100, %broadcast_in_dim3A_158 : vector<16xi1>, vector<16xf32>
    %eq3A_160 = arith.cmpi eq, %select_n3A_91, %broadcast_in_dim3A_9 : vector<16xi32>
    %jit3A_161 = arith.constant 0.000000e+00 : f32
    %broadcast_in_dim3A_162 = vector.broadcast %jit3A_161 : f32 to vector<16xf32>
    %select_n3A_163 = arith.select %eq3A_160, %mul3A_102, %broadcast_in_dim3A_162 : vector<16xi1>, vector<16xf32>
    %add3A_164 = arith.addf %select_n3A_159, %select_n3A_163 : vector<16xf32>
    %jit3A_165 = arith.constant 0.000000e+00 : f32
    %broadcast_in_dim3A_166 = vector.broadcast %jit3A_165 : f32 to vector<16xf32>
    %select_n3A_167 = arith.select %gt3A, %broadcast_in_dim3A_166, %add3A_164 : vector<16xi1>, vector<16xf32>
    %swap3A_168 = arith.constant 3 : i32
    %swap3A_169 = arith.index_cast %swap3A_168 : i32 to index
    %swap3A_170 = arith.constant 0 : index
    %swap3A_171 = tpu.vector_load %arg5[%swap3A_169, %swap3A_170] {strides = array<i32>} : memref<8x128xf32, #tpu.memory_space<vmem>>, vector<1x16xf32>,
    %swap3A_172 = vector.shape_cast %swap3A_171 : vector<1x16xf32> to vector<16xf32>
    %swap3A_173 = vector.shape_cast %select_n3A_167 : vector<16xf32> to vector<1x16xf32>
    tpu.vector_store %arg5[%swap3A_169, %swap3A_170], %swap3A_173 {strides = array<i32>} : memref<8x128xf32, #tpu.memory_space<vmem>>, vector<1x16xf32>,
    %eq3A_174 = arith.cmpi eq, %select_n3A_67, %broadcast_in_dim3A_3 : vector<16xi32>
    %jit3A_175 = arith.constant 0.000000e+00 : f32
    %broadcast_in_dim3A_176 = vector.broadcast %jit3A_175 : f32 to vector<16xf32>
    %select_n3A_177 = arith.select %eq3A_174, %mul3A_100, %broadcast_in_dim3A_176 : vector<16xi1>, vector<16xf32>
    %eq3A_178 = arith.cmpi eq, %select_n3A_91, %broadcast_in_dim3A_3 : vector<16xi32>
    %jit3A_179 = arith.constant 0.000000e+00 : f32
    %broadcast_in_dim3A_180 = vector.broadcast %jit3A_179 : f32 to vector<16xf32>
    %select_n3A_181 = arith.select %eq3A_178, %mul3A_102, %broadcast_in_dim3A_180 : vector<16xi1>, vector<16xf32>
    %add3A_182 = arith.addf %select_n3A_177, %select_n3A_181 : vector<16xf32>
    %jit3A_183 = arith.constant 0.000000e+00 : f32
    %broadcast_in_dim3A_184 = vector.broadcast %jit3A_183 : f32 to vector<16xf32>
    %select_n3A_185 = arith.select %gt3A, %add3A_182, %broadcast_in_dim3A_184 : vector<16xi1>, vector<16xf32>
    %swap3A_186 = arith.constant 4 : i32
    %swap3A_187 = arith.index_cast %swap3A_186 : i32 to index
    %swap3A_188 = arith.constant 0 : index
    %swap3A_189 = tpu.vector_load %arg5[%swap3A_187, %swap3A_188] {strides = array<i32>} : memref<8x128xf32, #tpu.memory_space<vmem>>, vector<1x16xf32>,
    %swap3A_190 = vector.shape_cast %swap3A_189 : vector<1x16xf32> to vector<16xf32>
    %swap3A_191 = vector.shape_cast %select_n3A_185 : vector<16xf32> to vector<1x16xf32>
    tpu.vector_store %arg5[%swap3A_187, %swap3A_188], %swap3A_191 {strides = array<i32>} : memref<8x128xf32, #tpu.memory_space<vmem>>, vector<1x16xf32>,
    %eq3A_192 = arith.cmpi eq, %select_n3A_67, %broadcast_in_dim3A_5 : vector<16xi32>
    %jit3A_193 = arith.constant 0.000000e+00 : f32
    %broadcast_in_dim3A_194 = vector.broadcast %jit3A_193 : f32 to vector<16xf32>
    %select_n3A_195 = arith.select %eq3A_192, %mul3A_100, %broadcast_in_dim3A_194 : vector<16xi1>, vector<16xf32>
    %eq3A_196 = arith.cmpi eq, %select_n3A_91, %broadcast_in_dim3A_5 : vector<16xi32>
    %jit3A_197 = arith.constant 0.000000e+00 : f32
    %broadcast_in_dim3A_198 = vector.broadcast %jit3A_197 : f32 to vector<16xf32>
    %select_n3A_199 = arith.select %eq3A_196, %mul3A_102, %broadcast_in_dim3A_198 : vector<16xi1>, vector<16xf32>
    %add3A_200 = arith.addf %select_n3A_195, %select_n3A_199 : vector<16xf32>
    %jit3A_201 = arith.constant 0.000000e+00 : f32
    %broadcast_in_dim3A_202 = vector.broadcast %jit3A_201 : f32 to vector<16xf32>
    %select_n3A_203 = arith.select %gt3A, %add3A_200, %broadcast_in_dim3A_202 : vector<16xi1>, vector<16xf32>
    %swap3A_204 = arith.constant 5 : i32
    %swap3A_205 = arith.index_cast %swap3A_204 : i32 to index
    %swap3A_206 = arith.constant 0 : index
    %swap3A_207 = tpu.vector_load %arg5[%swap3A_205, %swap3A_206] {strides = array<i32>} : memref<8x128xf32, #tpu.memory_space<vmem>>, vector<1x16xf32>,
    %swap3A_208 = vector.shape_cast %swap3A_207 : vector<1x16xf32> to vector<16xf32>
    %swap3A_209 = vector.shape_cast %select_n3A_203 : vector<16xf32> to vector<1x16xf32>
    tpu.vector_store %arg5[%swap3A_205, %swap3A_206], %swap3A_209 {strides = array<i32>} : memref<8x128xf32, #tpu.memory_space<vmem>>, vector<1x16xf32>,
    %eq3A_210 = arith.cmpi eq, %select_n3A_67, %broadcast_in_dim3A_7 : vector<16xi32>
    %jit3A_211 = arith.constant 0.000000e+00 : f32
    %broadcast_in_dim3A_212 = vector.broadcast %jit3A_211 : f32 to vector<16xf32>
    %select_n3A_213 = arith.select %eq3A_210, %mul3A_100, %broadcast_in_dim3A_212 : vector<16xi1>, vector<16xf32>
    %eq3A_214 = arith.cmpi eq, %select_n3A_91, %broadcast_in_dim3A_7 : vector<16xi32>
    %jit3A_215 = arith.constant 0.000000e+00 : f32
    %broadcast_in_dim3A_216 = vector.broadcast %jit3A_215 : f32 to vector<16xf32>
    %select_n3A_217 = arith.select %eq3A_214, %mul3A_102, %broadcast_in_dim3A_216 : vector<16xi1>, vector<16xf32>
    %add3A_218 = arith.addf %select_n3A_213, %select_n3A_217 : vector<16xf32>
    %jit3A_219 = arith.constant 0.000000e+00 : f32
    %broadcast_in_dim3A_220 = vector.broadcast %jit3A_219 : f32 to vector<16xf32>
    %select_n3A_221 = arith.select %gt3A, %add3A_218, %broadcast_in_dim3A_220 : vector<16xi1>, vector<16xf32>
    %swap3A_222 = arith.constant 6 : i32
    %swap3A_223 = arith.index_cast %swap3A_222 : i32 to index
    %swap3A_224 = arith.constant 0 : index
    %swap3A_225 = tpu.vector_load %arg5[%swap3A_223, %swap3A_224] {strides = array<i32>} : memref<8x128xf32, #tpu.memory_space<vmem>>, vector<1x16xf32>,
    %swap3A_226 = vector.shape_cast %swap3A_225 : vector<1x16xf32> to vector<16xf32>
    %swap3A_227 = vector.shape_cast %select_n3A_221 : vector<16xf32> to vector<1x16xf32>
    tpu.vector_store %arg5[%swap3A_223, %swap3A_224], %swap3A_227 {strides = array<i32>} : memref<8x128xf32, #tpu.memory_space<vmem>>, vector<1x16xf32>,
    %eq3A_228 = arith.cmpi eq, %select_n3A_67, %broadcast_in_dim3A_9 : vector<16xi32>
    %jit3A_229 = arith.constant 0.000000e+00 : f32
    %broadcast_in_dim3A_230 = vector.broadcast %jit3A_229 : f32 to vector<16xf32>
    %select_n3A_231 = arith.select %eq3A_228, %mul3A_100, %broadcast_in_dim3A_230 : vector<16xi1>, vector<16xf32>
    %eq3A_232 = arith.cmpi eq, %select_n3A_91, %broadcast_in_dim3A_9 : vector<16xi32>
    %jit3A_233 = arith.constant 0.000000e+00 : f32
    %broadcast_in_dim3A_234 = vector.broadcast %jit3A_233 : f32 to vector<16xf32>
    %select_n3A_235 = arith.select %eq3A_232, %mul3A_102, %broadcast_in_dim3A_234 : vector<16xi1>, vector<16xf32>
    %add3A_236 = arith.addf %select_n3A_231, %select_n3A_235 : vector<16xf32>
    %jit3A_237 = arith.constant 0.000000e+00 : f32
    %broadcast_in_dim3A_238 = vector.broadcast %jit3A_237 : f32 to vector<16xf32>
    %select_n3A_239 = arith.select %gt3A, %add3A_236, %broadcast_in_dim3A_238 : vector<16xi1>, vector<16xf32>
    %swap3A_240 = arith.constant 7 : i32
    %swap3A_241 = arith.index_cast %swap3A_240 : i32 to index
    %swap3A_242 = arith.constant 0 : index
    %swap3A_243 = tpu.vector_load %arg5[%swap3A_241, %swap3A_242] {strides = array<i32>} : memref<8x128xf32, #tpu.memory_space<vmem>>, vector<1x16xf32>,
    %swap3A_244 = vector.shape_cast %swap3A_243 : vector<1x16xf32> to vector<16xf32>
    %swap3A_245 = vector.shape_cast %select_n3A_239 : vector<16xf32> to vector<1x16xf32>
    tpu.vector_store %arg5[%swap3A_241, %swap3A_242], %swap3A_245 {strides = array<i32>} : memref<8x128xf32, #tpu.memory_space<vmem>>, vector<1x16xf32>,
    %get3A_246 = arith.constant 0 : i32
    %get3A_247 = arith.index_cast %get3A_246 : i32 to index
    %get3A_248 = arith.constant 16 : index
    %get3A_249 = tpu.vector_load %arg4[%get3A_247, %get3A_248] {strides = array<i32>} : memref<8x128xf32, #tpu.memory_space<vmem>>, vector<1x16xf32>,
    %get3A_250 = vector.shape_cast %get3A_249 : vector<1x16xf32> to vector<16xf32>
    %get3A_251 = arith.constant 1 : i32
    %get3A_252 = arith.index_cast %get3A_251 : i32 to index
    %get3A_253 = arith.constant 16 : index
    %get3A_254 = tpu.vector_load %arg4[%get3A_252, %get3A_253] {strides = array<i32>} : memref<8x128xf32, #tpu.memory_space<vmem>>, vector<1x16xf32>,
    %get3A_255 = vector.shape_cast %get3A_254 : vector<1x16xf32> to vector<16xf32>
    %get3A_256 = arith.constant 2 : i32
    %get3A_257 = arith.index_cast %get3A_256 : i32 to index
    %get3A_258 = arith.constant 16 : index
    %get3A_259 = tpu.vector_load %arg4[%get3A_257, %get3A_258] {strides = array<i32>} : memref<8x128xf32, #tpu.memory_space<vmem>>, vector<1x16xf32>,
    %get3A_260 = vector.shape_cast %get3A_259 : vector<1x16xf32> to vector<16xf32>
    %get3A_261 = arith.constant 3 : i32
    %get3A_262 = arith.index_cast %get3A_261 : i32 to index
    %get3A_263 = arith.constant 16 : index
    %get3A_264 = tpu.vector_load %arg4[%get3A_262, %get3A_263] {strides = array<i32>} : memref<8x128xf32, #tpu.memory_space<vmem>>, vector<1x16xf32>,
    %get3A_265 = vector.shape_cast %get3A_264 : vector<1x16xf32> to vector<16xf32>
    %get3A_266 = arith.constant 4 : i32
    %get3A_267 = arith.index_cast %get3A_266 : i32 to index
    %get3A_268 = arith.constant 16 : index
    %get3A_269 = tpu.vector_load %arg4[%get3A_267, %get3A_268] {strides = array<i32>} : memref<8x128xf32, #tpu.memory_space<vmem>>, vector<1x16xf32>,
    %get3A_270 = vector.shape_cast %get3A_269 : vector<1x16xf32> to vector<16xf32>
    %get3A_271 = arith.constant 5 : i32
    %get3A_272 = arith.index_cast %get3A_271 : i32 to index
    %get3A_273 = arith.constant 16 : index
    %get3A_274 = tpu.vector_load %arg4[%get3A_272, %get3A_273] {strides = array<i32>} : memref<8x128xf32, #tpu.memory_space<vmem>>, vector<1x16xf32>,
    %get3A_275 = vector.shape_cast %get3A_274 : vector<1x16xf32> to vector<16xf32>
    %max3A_276 = arith.maximumf %get3A_250, %get3A_255 : vector<16xf32>
    %sub3A_277 = arith.subf %get3A_250, %max3A_276 : vector<16xf32>
    %exp3A_278 = math.exp %sub3A_277 : vector<16xf32>
    %sub3A_279 = arith.subf %get3A_255, %max3A_276 : vector<16xf32>
    %exp3A_280 = math.exp %sub3A_279 : vector<16xf32>
    %max3A_281 = arith.maximumf %exp3A_278, %exp3A_280 : vector<16xf32>
    %add3A_282 = arith.addf %exp3A_278, %exp3A_280 : vector<16xf32>
    %div3A_283 = arith.divf %max3A_281, %add3A_282 : vector<16xf32>
    %gt3A_284 = arith.cmpf ogt, %get3A_255, %get3A_250 : vector<16xf32>
    %max3A_285 = arith.maximumf %get3A_260, %get3A_265 : vector<16xf32>
    %max3A_286 = arith.maximumf %get3A_270, %get3A_275 : vector<16xf32>
    %max3A_287 = arith.maximumf %max3A_285, %max3A_286 : vector<16xf32>
    %sub3A_288 = arith.subf %get3A_260, %max3A_287 : vector<16xf32>
    %exp3A_289 = math.exp %sub3A_288 : vector<16xf32>
    %sub3A_290 = arith.subf %get3A_265, %max3A_287 : vector<16xf32>
    %exp3A_291 = math.exp %sub3A_290 : vector<16xf32>
    %sub3A_292 = arith.subf %get3A_270, %max3A_287 : vector<16xf32>
    %exp3A_293 = math.exp %sub3A_292 : vector<16xf32>
    %sub3A_294 = arith.subf %get3A_275, %max3A_287 : vector<16xf32>
    %exp3A_295 = math.exp %sub3A_294 : vector<16xf32>
    %add3A_296 = arith.addf %exp3A_289, %exp3A_291 : vector<16xf32>
    %add3A_297 = arith.addf %exp3A_293, %exp3A_295 : vector<16xf32>
    %add3A_298 = arith.addf %add3A_296, %add3A_297 : vector<16xf32>
    %div3A_299 = arith.divf %exp3A_289, %add3A_298 : vector<16xf32>
    %div3A_300 = arith.divf %exp3A_291, %add3A_298 : vector<16xf32>
    %div3A_301 = arith.divf %exp3A_293, %add3A_298 : vector<16xf32>
    %div3A_302 = arith.divf %exp3A_295, %add3A_298 : vector<16xf32>
    %max3A_303 = arith.maximumf %div3A_299, %div3A_300 : vector<16xf32>
    %max3A_304 = arith.maximumf %div3A_301, %div3A_302 : vector<16xf32>
    %max3A_305 = arith.maximumf %max3A_303, %max3A_304 : vector<16xf32>
    %eq3A_306 = arith.cmpf oeq, %div3A_299, %max3A_305 : vector<16xf32>
    %eq3A_307 = arith.cmpf oeq, %div3A_300, %max3A_305 : vector<16xf32>
    %eq3A_308 = arith.cmpf oeq, %div3A_301, %max3A_305 : vector<16xf32>
    %select_n3A_309 = arith.select %eq3A_308, %broadcast_in_dim3A_7, %broadcast_in_dim3A_9 : vector<16xi1>, vector<16xi32>
    %select_n3A_310 = arith.select %eq3A_307, %broadcast_in_dim3A_5, %select_n3A_309 : vector<16xi1>, vector<16xi32>
    %select_n3A_311 = arith.select %eq3A_306, %broadcast_in_dim3A_3, %select_n3A_310 : vector<16xi1>, vector<16xi32>
    %eq3A_312 = arith.cmpi eq, %select_n3A_311, %broadcast_in_dim3A_3 : vector<16xi32>
    %jit3A_313 = arith.constant -1.000000e+00 : f32
    %broadcast_in_dim3A_314 = vector.broadcast %jit3A_313 : f32 to vector<16xf32>
    %select_n3A_315 = arith.select %eq3A_312, %broadcast_in_dim3A_314, %div3A_299 : vector<16xi1>, vector<16xf32>
    %eq3A_316 = arith.cmpi eq, %select_n3A_311, %broadcast_in_dim3A_5 : vector<16xi32>
    %jit3A_317 = arith.constant -1.000000e+00 : f32
    %broadcast_in_dim3A_318 = vector.broadcast %jit3A_317 : f32 to vector<16xf32>
    %select_n3A_319 = arith.select %eq3A_316, %broadcast_in_dim3A_318, %div3A_300 : vector<16xi1>, vector<16xf32>
    %eq3A_320 = arith.cmpi eq, %select_n3A_311, %broadcast_in_dim3A_7 : vector<16xi32>
    %jit3A_321 = arith.constant -1.000000e+00 : f32
    %broadcast_in_dim3A_322 = vector.broadcast %jit3A_321 : f32 to vector<16xf32>
    %select_n3A_323 = arith.select %eq3A_320, %broadcast_in_dim3A_322, %div3A_301 : vector<16xi1>, vector<16xf32>
    %eq3A_324 = arith.cmpi eq, %select_n3A_311, %broadcast_in_dim3A_9 : vector<16xi32>
    %jit3A_325 = arith.constant -1.000000e+00 : f32
    %broadcast_in_dim3A_326 = vector.broadcast %jit3A_325 : f32 to vector<16xf32>
    %select_n3A_327 = arith.select %eq3A_324, %broadcast_in_dim3A_326, %div3A_302 : vector<16xi1>, vector<16xf32>
    %max3A_328 = arith.maximumf %select_n3A_315, %select_n3A_319 : vector<16xf32>
    %max3A_329 = arith.maximumf %select_n3A_323, %select_n3A_327 : vector<16xf32>
    %max3A_330 = arith.maximumf %max3A_328, %max3A_329 : vector<16xf32>
    %eq3A_331 = arith.cmpf oeq, %select_n3A_315, %max3A_330 : vector<16xf32>
    %eq3A_332 = arith.cmpf oeq, %select_n3A_319, %max3A_330 : vector<16xf32>
    %eq3A_333 = arith.cmpf oeq, %select_n3A_323, %max3A_330 : vector<16xf32>
    %select_n3A_334 = arith.select %eq3A_333, %broadcast_in_dim3A_7, %broadcast_in_dim3A_9 : vector<16xi1>, vector<16xi32>
    %select_n3A_335 = arith.select %eq3A_332, %broadcast_in_dim3A_5, %select_n3A_334 : vector<16xi1>, vector<16xi32>
    %select_n3A_336 = arith.select %eq3A_331, %broadcast_in_dim3A_3, %select_n3A_335 : vector<16xi1>, vector<16xi32>
    %add3A_337 = arith.addf %max3A_305, %max3A_330 : vector<16xf32>
    %add3A_338 = arith.constant 1.000000e-07 : f32
    %add3A_339 = vector.broadcast %add3A_338 : f32 to vector<16xf32>
    %add3A_340 = arith.addf %add3A_337, %add3A_339 : vector<16xf32>
    %div3A_341 = arith.constant 1.000000e+00 : f32
    %div3A_342 = vector.broadcast %div3A_341 : f32 to vector<16xf32>
    %div3A_343 = arith.divf %div3A_342, %add3A_340 : vector<16xf32>
    %mul3A_344 = arith.mulf %div3A_283, %max3A_305 : vector<16xf32>
    %mul3A_345 = arith.mulf %mul3A_344, %div3A_343 : vector<16xf32>
    %mul3A_346 = arith.mulf %div3A_283, %max3A_330 : vector<16xf32>
    %mul3A_347 = arith.mulf %mul3A_346, %div3A_343 : vector<16xf32>
    %eq3A_348 = arith.cmpi eq, %select_n3A_311, %broadcast_in_dim3A_3 : vector<16xi32>
    %jit3A_349 = arith.constant 0.000000e+00 : f32
    %broadcast_in_dim3A_350 = vector.broadcast %jit3A_349 : f32 to vector<16xf32>
    %select_n3A_351 = arith.select %eq3A_348, %mul3A_345, %broadcast_in_dim3A_350 : vector<16xi1>, vector<16xf32>
    %eq3A_352 = arith.cmpi eq, %select_n3A_336, %broadcast_in_dim3A_3 : vector<16xi32>
    %jit3A_353 = arith.constant 0.000000e+00 : f32
    %broadcast_in_dim3A_354 = vector.broadcast %jit3A_353 : f32 to vector<16xf32>
    %select_n3A_355 = arith.select %eq3A_352, %mul3A_347, %broadcast_in_dim3A_354 : vector<16xi1>, vector<16xf32>
    %add3A_356 = arith.addf %select_n3A_351, %select_n3A_355 : vector<16xf32>
    %jit3A_357 = arith.constant 0.000000e+00 : f32
    %broadcast_in_dim3A_358 = vector.broadcast %jit3A_357 : f32 to vector<16xf32>
    %select_n3A_359 = arith.select %gt3A_284, %broadcast_in_dim3A_358, %add3A_356 : vector<16xi1>, vector<16xf32>
    %swap3A_360 = arith.constant 0 : i32
    %swap3A_361 = arith.index_cast %swap3A_360 : i32 to index
    %swap3A_362 = arith.constant 16 : index
    %swap3A_363 = tpu.vector_load %arg5[%swap3A_361, %swap3A_362] {strides = array<i32>} : memref<8x128xf32, #tpu.memory_space<vmem>>, vector<1x16xf32>,
    %swap3A_364 = vector.shape_cast %swap3A_363 : vector<1x16xf32> to vector<16xf32>
    %swap3A_365 = vector.shape_cast %select_n3A_359 : vector<16xf32> to vector<1x16xf32>
    tpu.vector_store %arg5[%swap3A_361, %swap3A_362], %swap3A_365 {strides = array<i32>} : memref<8x128xf32, #tpu.memory_space<vmem>>, vector<1x16xf32>,
    %eq3A_366 = arith.cmpi eq, %select_n3A_311, %broadcast_in_dim3A_5 : vector<16xi32>
    %jit3A_367 = arith.constant 0.000000e+00 : f32
    %broadcast_in_dim3A_368 = vector.broadcast %jit3A_367 : f32 to vector<16xf32>
    %select_n3A_369 = arith.select %eq3A_366, %mul3A_345, %broadcast_in_dim3A_368 : vector<16xi1>, vector<16xf32>
    %eq3A_370 = arith.cmpi eq, %select_n3A_336, %broadcast_in_dim3A_5 : vector<16xi32>
    %jit3A_371 = arith.constant 0.000000e+00 : f32
    %broadcast_in_dim3A_372 = vector.broadcast %jit3A_371 : f32 to vector<16xf32>
    %select_n3A_373 = arith.select %eq3A_370, %mul3A_347, %broadcast_in_dim3A_372 : vector<16xi1>, vector<16xf32>
    %add3A_374 = arith.addf %select_n3A_369, %select_n3A_373 : vector<16xf32>
    %jit3A_375 = arith.constant 0.000000e+00 : f32
    %broadcast_in_dim3A_376 = vector.broadcast %jit3A_375 : f32 to vector<16xf32>
    %select_n3A_377 = arith.select %gt3A_284, %broadcast_in_dim3A_376, %add3A_374 : vector<16xi1>, vector<16xf32>
    %swap3A_378 = arith.constant 1 : i32
    %swap3A_379 = arith.index_cast %swap3A_378 : i32 to index
    %swap3A_380 = arith.constant 16 : index
    %swap3A_381 = tpu.vector_load %arg5[%swap3A_379, %swap3A_380] {strides = array<i32>} : memref<8x128xf32, #tpu.memory_space<vmem>>, vector<1x16xf32>,
    %swap3A_382 = vector.shape_cast %swap3A_381 : vector<1x16xf32> to vector<16xf32>
    %swap3A_383 = vector.shape_cast %select_n3A_377 : vector<16xf32> to vector<1x16xf32>
    tpu.vector_store %arg5[%swap3A_379, %swap3A_380], %swap3A_383 {strides = array<i32>} : memref<8x128xf32, #tpu.memory_space<vmem>>, vector<1x16xf32>,
    %eq3A_384 = arith.cmpi eq, %select_n3A_311, %broadcast_in_dim3A_7 : vector<16xi32>
    %jit3A_385 = arith.constant 0.000000e+00 : f32
    %broadcast_in_dim3A_386 = vector.broadcast %jit3A_385 : f32 to vector<16xf32>
    %select_n3A_387 = arith.select %eq3A_384, %mul3A_345, %broadcast_in_dim3A_386 : vector<16xi1>, vector<16xf32>
    %eq3A_388 = arith.cmpi eq, %select_n3A_336, %broadcast_in_dim3A_7 : vector<16xi32>
    %jit3A_389 = arith.constant 0.000000e+00 : f32
    %broadcast_in_dim3A_390 = vector.broadcast %jit3A_389 : f32 to vector<16xf32>
    %select_n3A_391 = arith.select %eq3A_388, %mul3A_347, %broadcast_in_dim3A_390 : vector<16xi1>, vector<16xf32>
    %add3A_392 = arith.addf %select_n3A_387, %select_n3A_391 : vector<16xf32>
    %jit3A_393 = arith.constant 0.000000e+00 : f32
    %broadcast_in_dim3A_394 = vector.broadcast %jit3A_393 : f32 to vector<16xf32>
    %select_n3A_395 = arith.select %gt3A_284, %broadcast_in_dim3A_394, %add3A_392 : vector<16xi1>, vector<16xf32>
    %swap3A_396 = arith.constant 2 : i32
    %swap3A_397 = arith.index_cast %swap3A_396 : i32 to index
    %swap3A_398 = arith.constant 16 : index
    %swap3A_399 = tpu.vector_load %arg5[%swap3A_397, %swap3A_398] {strides = array<i32>} : memref<8x128xf32, #tpu.memory_space<vmem>>, vector<1x16xf32>,
    %swap3A_400 = vector.shape_cast %swap3A_399 : vector<1x16xf32> to vector<16xf32>
    %swap3A_401 = vector.shape_cast %select_n3A_395 : vector<16xf32> to vector<1x16xf32>
    tpu.vector_store %arg5[%swap3A_397, %swap3A_398], %swap3A_401 {strides = array<i32>} : memref<8x128xf32, #tpu.memory_space<vmem>>, vector<1x16xf32>,
    %eq3A_402 = arith.cmpi eq, %select_n3A_311, %broadcast_in_dim3A_9 : vector<16xi32>
    %jit3A_403 = arith.constant 0.000000e+00 : f32
    %broadcast_in_dim3A_404 = vector.broadcast %jit3A_403 : f32 to vector<16xf32>
    %select_n3A_405 = arith.select %eq3A_402, %mul3A_345, %broadcast_in_dim3A_404 : vector<16xi1>, vector<16xf32>
    %eq3A_406 = arith.cmpi eq, %select_n3A_336, %broadcast_in_dim3A_9 : vector<16xi32>
    %jit3A_407 = arith.constant 0.000000e+00 : f32
    %broadcast_in_dim3A_408 = vector.broadcast %jit3A_407 : f32 to vector<16xf32>
    %select_n3A_409 = arith.select %eq3A_406, %mul3A_347, %broadcast_in_dim3A_408 : vector<16xi1>, vector<16xf32>
    %add3A_410 = arith.addf %select_n3A_405, %select_n3A_409 : vector<16xf32>
    %jit3A_411 = arith.constant 0.000000e+00 : f32
    %broadcast_in_dim3A_412 = vector.broadcast %jit3A_411 : f32 to vector<16xf32>
    %select_n3A_413 = arith.select %gt3A_284, %broadcast_in_dim3A_412, %add3A_410 : vector<16xi1>, vector<16xf32>
    %swap3A_414 = arith.constant 3 : i32
    %swap3A_415 = arith.index_cast %swap3A_414 : i32 to index
    %swap3A_416 = arith.constant 16 : index
    %swap3A_417 = tpu.vector_load %arg5[%swap3A_415, %swap3A_416] {strides = array<i32>} : memref<8x128xf32, #tpu.memory_space<vmem>>, vector<1x16xf32>,
    %swap3A_418 = vector.shape_cast %swap3A_417 : vector<1x16xf32> to vector<16xf32>
    %swap3A_419 = vector.shape_cast %select_n3A_413 : vector<16xf32> to vector<1x16xf32>
    tpu.vector_store %arg5[%swap3A_415, %swap3A_416], %swap3A_419 {strides = array<i32>} : memref<8x128xf32, #tpu.memory_space<vmem>>, vector<1x16xf32>,
    %eq3A_420 = arith.cmpi eq, %select_n3A_311, %broadcast_in_dim3A_3 : vector<16xi32>
    %jit3A_421 = arith.constant 0.000000e+00 : f32
    %broadcast_in_dim3A_422 = vector.broadcast %jit3A_421 : f32 to vector<16xf32>
    %select_n3A_423 = arith.select %eq3A_420, %mul3A_345, %broadcast_in_dim3A_422 : vector<16xi1>, vector<16xf32>
    %eq3A_424 = arith.cmpi eq, %select_n3A_336, %broadcast_in_dim3A_3 : vector<16xi32>
    %jit3A_425 = arith.constant 0.000000e+00 : f32
    %broadcast_in_dim3A_426 = vector.broadcast %jit3A_425 : f32 to vector<16xf32>
    %select_n3A_427 = arith.select %eq3A_424, %mul3A_347, %broadcast_in_dim3A_426 : vector<16xi1>, vector<16xf32>
    %add3A_428 = arith.addf %select_n3A_423, %select_n3A_427 : vector<16xf32>
    %jit3A_429 = arith.constant 0.000000e+00 : f32
    %broadcast_in_dim3A_430 = vector.broadcast %jit3A_429 : f32 to vector<16xf32>
    %select_n3A_431 = arith.select %gt3A_284, %add3A_428, %broadcast_in_dim3A_430 : vector<16xi1>, vector<16xf32>
    %swap3A_432 = arith.constant 4 : i32
    %swap3A_433 = arith.index_cast %swap3A_432 : i32 to index
    %swap3A_434 = arith.constant 16 : index
    %swap3A_435 = tpu.vector_load %arg5[%swap3A_433, %swap3A_434] {strides = array<i32>} : memref<8x128xf32, #tpu.memory_space<vmem>>, vector<1x16xf32>,
    %swap3A_436 = vector.shape_cast %swap3A_435 : vector<1x16xf32> to vector<16xf32>
    %swap3A_437 = vector.shape_cast %select_n3A_431 : vector<16xf32> to vector<1x16xf32>
    tpu.vector_store %arg5[%swap3A_433, %swap3A_434], %swap3A_437 {strides = array<i32>} : memref<8x128xf32, #tpu.memory_space<vmem>>, vector<1x16xf32>,
    %eq3A_438 = arith.cmpi eq, %select_n3A_311, %broadcast_in_dim3A_5 : vector<16xi32>
    %jit3A_439 = arith.constant 0.000000e+00 : f32
    %broadcast_in_dim3A_440 = vector.broadcast %jit3A_439 : f32 to vector<16xf32>
    %select_n3A_441 = arith.select %eq3A_438, %mul3A_345, %broadcast_in_dim3A_440 : vector<16xi1>, vector<16xf32>
    %eq3A_442 = arith.cmpi eq, %select_n3A_336, %broadcast_in_dim3A_5 : vector<16xi32>
    %jit3A_443 = arith.constant 0.000000e+00 : f32
    %broadcast_in_dim3A_444 = vector.broadcast %jit3A_443 : f32 to vector<16xf32>
    %select_n3A_445 = arith.select %eq3A_442, %mul3A_347, %broadcast_in_dim3A_444 : vector<16xi1>, vector<16xf32>
    %add3A_446 = arith.addf %select_n3A_441, %select_n3A_445 : vector<16xf32>
    %jit3A_447 = arith.constant 0.000000e+00 : f32
    %broadcast_in_dim3A_448 = vector.broadcast %jit3A_447 : f32 to vector<16xf32>
    %select_n3A_449 = arith.select %gt3A_284, %add3A_446, %broadcast_in_dim3A_448 : vector<16xi1>, vector<16xf32>
    %swap3A_450 = arith.constant 5 : i32
    %swap3A_451 = arith.index_cast %swap3A_450 : i32 to index
    %swap3A_452 = arith.constant 16 : index
    %swap3A_453 = tpu.vector_load %arg5[%swap3A_451, %swap3A_452] {strides = array<i32>} : memref<8x128xf32, #tpu.memory_space<vmem>>, vector<1x16xf32>,
    %swap3A_454 = vector.shape_cast %swap3A_453 : vector<1x16xf32> to vector<16xf32>
    %swap3A_455 = vector.shape_cast %select_n3A_449 : vector<16xf32> to vector<1x16xf32>
    tpu.vector_store %arg5[%swap3A_451, %swap3A_452], %swap3A_455 {strides = array<i32>} : memref<8x128xf32, #tpu.memory_space<vmem>>, vector<1x16xf32>,
    %eq3A_456 = arith.cmpi eq, %select_n3A_311, %broadcast_in_dim3A_7 : vector<16xi32>
    %jit3A_457 = arith.constant 0.000000e+00 : f32
    %broadcast_in_dim3A_458 = vector.broadcast %jit3A_457 : f32 to vector<16xf32>
    %select_n3A_459 = arith.select %eq3A_456, %mul3A_345, %broadcast_in_dim3A_458 : vector<16xi1>, vector<16xf32>
    %eq3A_460 = arith.cmpi eq, %select_n3A_336, %broadcast_in_dim3A_7 : vector<16xi32>
    %jit3A_461 = arith.constant 0.000000e+00 : f32
    %broadcast_in_dim3A_462 = vector.broadcast %jit3A_461 : f32 to vector<16xf32>
    %select_n3A_463 = arith.select %eq3A_460, %mul3A_347, %broadcast_in_dim3A_462 : vector<16xi1>, vector<16xf32>
    %add3A_464 = arith.addf %select_n3A_459, %select_n3A_463 : vector<16xf32>
    %jit3A_465 = arith.constant 0.000000e+00 : f32
    %broadcast_in_dim3A_466 = vector.broadcast %jit3A_465 : f32 to vector<16xf32>
    %select_n3A_467 = arith.select %gt3A_284, %add3A_464, %broadcast_in_dim3A_466 : vector<16xi1>, vector<16xf32>
    %swap3A_468 = arith.constant 6 : i32
    %swap3A_469 = arith.index_cast %swap3A_468 : i32 to index
    %swap3A_470 = arith.constant 16 : index
    %swap3A_471 = tpu.vector_load %arg5[%swap3A_469, %swap3A_470] {strides = array<i32>} : memref<8x128xf32, #tpu.memory_space<vmem>>, vector<1x16xf32>,
    %swap3A_472 = vector.shape_cast %swap3A_471 : vector<1x16xf32> to vector<16xf32>
    %swap3A_473 = vector.shape_cast %select_n3A_467 : vector<16xf32> to vector<1x16xf32>
    tpu.vector_store %arg5[%swap3A_469, %swap3A_470], %swap3A_473 {strides = array<i32>} : memref<8x128xf32, #tpu.memory_space<vmem>>, vector<1x16xf32>,
    %eq3A_474 = arith.cmpi eq, %select_n3A_311, %broadcast_in_dim3A_9 : vector<16xi32>
    %jit3A_475 = arith.constant 0.000000e+00 : f32
    %broadcast_in_dim3A_476 = vector.broadcast %jit3A_475 : f32 to vector<16xf32>
    %select_n3A_477 = arith.select %eq3A_474, %mul3A_345, %broadcast_in_dim3A_476 : vector<16xi1>, vector<16xf32>
    %eq3A_478 = arith.cmpi eq, %select_n3A_336, %broadcast_in_dim3A_9 : vector<16xi32>
    %jit3A_479 = arith.constant 0.000000e+00 : f32
    %broadcast_in_dim3A_480 = vector.broadcast %jit3A_479 : f32 to vector<16xf32>
    %select_n3A_481 = arith.select %eq3A_478, %mul3A_347, %broadcast_in_dim3A_480 : vector<16xi1>, vector<16xf32>
    %add3A_482 = arith.addf %select_n3A_477, %select_n3A_481 : vector<16xf32>
    %jit3A_483 = arith.constant 0.000000e+00 : f32
    %broadcast_in_dim3A_484 = vector.broadcast %jit3A_483 : f32 to vector<16xf32>
    %select_n3A_485 = arith.select %gt3A_284, %add3A_482, %broadcast_in_dim3A_484 : vector<16xi1>, vector<16xf32>
    %swap3A_486 = arith.constant 7 : i32
    %swap3A_487 = arith.index_cast %swap3A_486 : i32 to index
    %swap3A_488 = arith.constant 16 : index
    %swap3A_489 = tpu.vector_load %arg5[%swap3A_487, %swap3A_488] {strides = array<i32>} : memref<8x128xf32, #tpu.memory_space<vmem>>, vector<1x16xf32>,
    %swap3A_490 = vector.shape_cast %swap3A_489 : vector<1x16xf32> to vector<16xf32>
    %swap3A_491 = vector.shape_cast %select_n3A_485 : vector<16xf32> to vector<1x16xf32>
    tpu.vector_store %arg5[%swap3A_487, %swap3A_488], %swap3A_491 {strides = array<i32>} : memref<8x128xf32, #tpu.memory_space<vmem>>, vector<1x16xf32>,
    %get3A_492 = arith.constant 0 : i32
    %get3A_493 = arith.index_cast %get3A_492 : i32 to index
    %get3A_494 = arith.constant 32 : index
    %get3A_495 = tpu.vector_load %arg4[%get3A_493, %get3A_494] {strides = array<i32>} : memref<8x128xf32, #tpu.memory_space<vmem>>, vector<1x16xf32>,
    %get3A_496 = vector.shape_cast %get3A_495 : vector<1x16xf32> to vector<16xf32>
    %get3A_497 = arith.constant 1 : i32
    %get3A_498 = arith.index_cast %get3A_497 : i32 to index
    %get3A_499 = arith.constant 32 : index
    %get3A_500 = tpu.vector_load %arg4[%get3A_498, %get3A_499] {strides = array<i32>} : memref<8x128xf32, #tpu.memory_space<vmem>>, vector<1x16xf32>,
    %get3A_501 = vector.shape_cast %get3A_500 : vector<1x16xf32> to vector<16xf32>
    %get3A_502 = arith.constant 2 : i32
    %get3A_503 = arith.index_cast %get3A_502 : i32 to index
    %get3A_504 = arith.constant 32 : index
    %get3A_505 = tpu.vector_load %arg4[%get3A_503, %get3A_504] {strides = array<i32>} : memref<8x128xf32, #tpu.memory_space<vmem>>, vector<1x16xf32>,
    %get3A_506 = vector.shape_cast %get3A_505 : vector<1x16xf32> to vector<16xf32>
    %get3A_507 = arith.constant 3 : i32
    %get3A_508 = arith.index_cast %get3A_507 : i32 to index
    %get3A_509 = arith.constant 32 : index
    %get3A_510 = tpu.vector_load %arg4[%get3A_508, %get3A_509] {strides = array<i32>} : memref<8x128xf32, #tpu.memory_space<vmem>>, vector<1x16xf32>,
    %get3A_511 = vector.shape_cast %get3A_510 : vector<1x16xf32> to vector<16xf32>
    %get3A_512 = arith.constant 4 : i32
    %get3A_513 = arith.index_cast %get3A_512 : i32 to index
    %get3A_514 = arith.constant 32 : index
    %get3A_515 = tpu.vector_load %arg4[%get3A_513, %get3A_514] {strides = array<i32>} : memref<8x128xf32, #tpu.memory_space<vmem>>, vector<1x16xf32>,
    %get3A_516 = vector.shape_cast %get3A_515 : vector<1x16xf32> to vector<16xf32>
    %get3A_517 = arith.constant 5 : i32
    %get3A_518 = arith.index_cast %get3A_517 : i32 to index
    %get3A_519 = arith.constant 32 : index
    %get3A_520 = tpu.vector_load %arg4[%get3A_518, %get3A_519] {strides = array<i32>} : memref<8x128xf32, #tpu.memory_space<vmem>>, vector<1x16xf32>,
    %get3A_521 = vector.shape_cast %get3A_520 : vector<1x16xf32> to vector<16xf32>
    %max3A_522 = arith.maximumf %get3A_496, %get3A_501 : vector<16xf32>
    %sub3A_523 = arith.subf %get3A_496, %max3A_522 : vector<16xf32>
    %exp3A_524 = math.exp %sub3A_523 : vector<16xf32>
    %sub3A_525 = arith.subf %get3A_501, %max3A_522 : vector<16xf32>
    %exp3A_526 = math.exp %sub3A_525 : vector<16xf32>
    %max3A_527 = arith.maximumf %exp3A_524, %exp3A_526 : vector<16xf32>
    %add3A_528 = arith.addf %exp3A_524, %exp3A_526 : vector<16xf32>
    %div3A_529 = arith.divf %max3A_527, %add3A_528 : vector<16xf32>
    %gt3A_530 = arith.cmpf ogt, %get3A_501, %get3A_496 : vector<16xf32>
    %max3A_531 = arith.maximumf %get3A_506, %get3A_511 : vector<16xf32>
    %max3A_532 = arith.maximumf %get3A_516, %get3A_521 : vector<16xf32>
    %max3A_533 = arith.maximumf %max3A_531, %max3A_532 : vector<16xf32>
    %sub3A_534 = arith.subf %get3A_506, %max3A_533 : vector<16xf32>
    %exp3A_535 = math.exp %sub3A_534 : vector<16xf32>
    %sub3A_536 = arith.subf %get3A_511, %max3A_533 : vector<16xf32>
    %exp3A_537 = math.exp %sub3A_536 : vector<16xf32>
    %sub3A_538 = arith.subf %get3A_516, %max3A_533 : vector<16xf32>
    %exp3A_539 = math.exp %sub3A_538 : vector<16xf32>
    %sub3A_540 = arith.subf %get3A_521, %max3A_533 : vector<16xf32>
    %exp3A_541 = math.exp %sub3A_540 : vector<16xf32>
    %add3A_542 = arith.addf %exp3A_535, %exp3A_537 : vector<16xf32>
    %add3A_543 = arith.addf %exp3A_539, %exp3A_541 : vector<16xf32>
    %add3A_544 = arith.addf %add3A_542, %add3A_543 : vector<16xf32>
    %div3A_545 = arith.divf %exp3A_535, %add3A_544 : vector<16xf32>
    %div3A_546 = arith.divf %exp3A_537, %add3A_544 : vector<16xf32>
    %div3A_547 = arith.divf %exp3A_539, %add3A_544 : vector<16xf32>
    %div3A_548 = arith.divf %exp3A_541, %add3A_544 : vector<16xf32>
    %max3A_549 = arith.maximumf %div3A_545, %div3A_546 : vector<16xf32>
    %max3A_550 = arith.maximumf %div3A_547, %div3A_548 : vector<16xf32>
    %max3A_551 = arith.maximumf %max3A_549, %max3A_550 : vector<16xf32>
    %eq3A_552 = arith.cmpf oeq, %div3A_545, %max3A_551 : vector<16xf32>
    %eq3A_553 = arith.cmpf oeq, %div3A_546, %max3A_551 : vector<16xf32>
    %eq3A_554 = arith.cmpf oeq, %div3A_547, %max3A_551 : vector<16xf32>
    %select_n3A_555 = arith.select %eq3A_554, %broadcast_in_dim3A_7, %broadcast_in_dim3A_9 : vector<16xi1>, vector<16xi32>
    %select_n3A_556 = arith.select %eq3A_553, %broadcast_in_dim3A_5, %select_n3A_555 : vector<16xi1>, vector<16xi32>
    %select_n3A_557 = arith.select %eq3A_552, %broadcast_in_dim3A_3, %select_n3A_556 : vector<16xi1>, vector<16xi32>
    %eq3A_558 = arith.cmpi eq, %select_n3A_557, %broadcast_in_dim3A_3 : vector<16xi32>
    %jit3A_559 = arith.constant -1.000000e+00 : f32
    %broadcast_in_dim3A_560 = vector.broadcast %jit3A_559 : f32 to vector<16xf32>
    %select_n3A_561 = arith.select %eq3A_558, %broadcast_in_dim3A_560, %div3A_545 : vector<16xi1>, vector<16xf32>
    %eq3A_562 = arith.cmpi eq, %select_n3A_557, %broadcast_in_dim3A_5 : vector<16xi32>
    %jit3A_563 = arith.constant -1.000000e+00 : f32
    %broadcast_in_dim3A_564 = vector.broadcast %jit3A_563 : f32 to vector<16xf32>
    %select_n3A_565 = arith.select %eq3A_562, %broadcast_in_dim3A_564, %div3A_546 : vector<16xi1>, vector<16xf32>
    %eq3A_566 = arith.cmpi eq, %select_n3A_557, %broadcast_in_dim3A_7 : vector<16xi32>
    %jit3A_567 = arith.constant -1.000000e+00 : f32
    %broadcast_in_dim3A_568 = vector.broadcast %jit3A_567 : f32 to vector<16xf32>
    %select_n3A_569 = arith.select %eq3A_566, %broadcast_in_dim3A_568, %div3A_547 : vector<16xi1>, vector<16xf32>
    %eq3A_570 = arith.cmpi eq, %select_n3A_557, %broadcast_in_dim3A_9 : vector<16xi32>
    %jit3A_571 = arith.constant -1.000000e+00 : f32
    %broadcast_in_dim3A_572 = vector.broadcast %jit3A_571 : f32 to vector<16xf32>
    %select_n3A_573 = arith.select %eq3A_570, %broadcast_in_dim3A_572, %div3A_548 : vector<16xi1>, vector<16xf32>
    %max3A_574 = arith.maximumf %select_n3A_561, %select_n3A_565 : vector<16xf32>
    %max3A_575 = arith.maximumf %select_n3A_569, %select_n3A_573 : vector<16xf32>
    %max3A_576 = arith.maximumf %max3A_574, %max3A_575 : vector<16xf32>
    %eq3A_577 = arith.cmpf oeq, %select_n3A_561, %max3A_576 : vector<16xf32>
    %eq3A_578 = arith.cmpf oeq, %select_n3A_565, %max3A_576 : vector<16xf32>
    %eq3A_579 = arith.cmpf oeq, %select_n3A_569, %max3A_576 : vector<16xf32>
    %select_n3A_580 = arith.select %eq3A_579, %broadcast_in_dim3A_7, %broadcast_in_dim3A_9 : vector<16xi1>, vector<16xi32>
    %select_n3A_581 = arith.select %eq3A_578, %broadcast_in_dim3A_5, %select_n3A_580 : vector<16xi1>, vector<16xi32>
    %select_n3A_582 = arith.select %eq3A_577, %broadcast_in_dim3A_3, %select_n3A_581 : vector<16xi1>, vector<16xi32>
    %add3A_583 = arith.addf %max3A_551, %max3A_576 : vector<16xf32>
    %add3A_584 = arith.constant 1.000000e-07 : f32
    %add3A_585 = vector.broadcast %add3A_584 : f32 to vector<16xf32>
    %add3A_586 = arith.addf %add3A_583, %add3A_585 : vector<16xf32>
    %div3A_587 = arith.constant 1.000000e+00 : f32
    %div3A_588 = vector.broadcast %div3A_587 : f32 to vector<16xf32>
    %div3A_589 = arith.divf %div3A_588, %add3A_586 : vector<16xf32>
    %mul3A_590 = arith.mulf %div3A_529, %max3A_551 : vector<16xf32>
    %mul3A_591 = arith.mulf %mul3A_590, %div3A_589 : vector<16xf32>
    %mul3A_592 = arith.mulf %div3A_529, %max3A_576 : vector<16xf32>
    %mul3A_593 = arith.mulf %mul3A_592, %div3A_589 : vector<16xf32>
    %eq3A_594 = arith.cmpi eq, %select_n3A_557, %broadcast_in_dim3A_3 : vector<16xi32>
    %jit3A_595 = arith.constant 0.000000e+00 : f32
    %broadcast_in_dim3A_596 = vector.broadcast %jit3A_595 : f32 to vector<16xf32>
    %select_n3A_597 = arith.select %eq3A_594, %mul3A_591, %broadcast_in_dim3A_596 : vector<16xi1>, vector<16xf32>
    %eq3A_598 = arith.cmpi eq, %select_n3A_582, %broadcast_in_dim3A_3 : vector<16xi32>
    %jit3A_599 = arith.constant 0.000000e+00 : f32
    %broadcast_in_dim3A_600 = vector.broadcast %jit3A_599 : f32 to vector<16xf32>
    %select_n3A_601 = arith.select %eq3A_598, %mul3A_593, %broadcast_in_dim3A_600 : vector<16xi1>, vector<16xf32>
    %add3A_602 = arith.addf %select_n3A_597, %select_n3A_601 : vector<16xf32>
    %jit3A_603 = arith.constant 0.000000e+00 : f32
    %broadcast_in_dim3A_604 = vector.broadcast %jit3A_603 : f32 to vector<16xf32>
    %select_n3A_605 = arith.select %gt3A_530, %broadcast_in_dim3A_604, %add3A_602 : vector<16xi1>, vector<16xf32>
    %swap3A_606 = arith.constant 0 : i32
    %swap3A_607 = arith.index_cast %swap3A_606 : i32 to index
    %swap3A_608 = arith.constant 32 : index
    %swap3A_609 = tpu.vector_load %arg5[%swap3A_607, %swap3A_608] {strides = array<i32>} : memref<8x128xf32, #tpu.memory_space<vmem>>, vector<1x16xf32>,
    %swap3A_610 = vector.shape_cast %swap3A_609 : vector<1x16xf32> to vector<16xf32>
    %swap3A_611 = vector.shape_cast %select_n3A_605 : vector<16xf32> to vector<1x16xf32>
    tpu.vector_store %arg5[%swap3A_607, %swap3A_608], %swap3A_611 {strides = array<i32>} : memref<8x128xf32, #tpu.memory_space<vmem>>, vector<1x16xf32>,
    %eq3A_612 = arith.cmpi eq, %select_n3A_557, %broadcast_in_dim3A_5 : vector<16xi32>
    %jit3A_613 = arith.constant 0.000000e+00 : f32
    %broadcast_in_dim3A_614 = vector.broadcast %jit3A_613 : f32 to vector<16xf32>
    %select_n3A_615 = arith.select %eq3A_612, %mul3A_591, %broadcast_in_dim3A_614 : vector<16xi1>, vector<16xf32>
    %eq3A_616 = arith.cmpi eq, %select_n3A_582, %broadcast_in_dim3A_5 : vector<16xi32>
    %jit3A_617 = arith.constant 0.000000e+00 : f32
    %broadcast_in_dim3A_618 = vector.broadcast %jit3A_617 : f32 to vector<16xf32>
    %select_n3A_619 = arith.select %eq3A_616, %mul3A_593, %broadcast_in_dim3A_618 : vector<16xi1>, vector<16xf32>
    %add3A_620 = arith.addf %select_n3A_615, %select_n3A_619 : vector<16xf32>
    %jit3A_621 = arith.constant 0.000000e+00 : f32
    %broadcast_in_dim3A_622 = vector.broadcast %jit3A_621 : f32 to vector<16xf32>
    %select_n3A_623 = arith.select %gt3A_530, %broadcast_in_dim3A_622, %add3A_620 : vector<16xi1>, vector<16xf32>
    %swap3A_624 = arith.constant 1 : i32
    %swap3A_625 = arith.index_cast %swap3A_624 : i32 to index
    %swap3A_626 = arith.constant 32 : index
    %swap3A_627 = tpu.vector_load %arg5[%swap3A_625, %swap3A_626] {strides = array<i32>} : memref<8x128xf32, #tpu.memory_space<vmem>>, vector<1x16xf32>,
    %swap3A_628 = vector.shape_cast %swap3A_627 : vector<1x16xf32> to vector<16xf32>
    %swap3A_629 = vector.shape_cast %select_n3A_623 : vector<16xf32> to vector<1x16xf32>
    tpu.vector_store %arg5[%swap3A_625, %swap3A_626], %swap3A_629 {strides = array<i32>} : memref<8x128xf32, #tpu.memory_space<vmem>>, vector<1x16xf32>,
    %eq3A_630 = arith.cmpi eq, %select_n3A_557, %broadcast_in_dim3A_7 : vector<16xi32>
    %jit3A_631 = arith.constant 0.000000e+00 : f32
    %broadcast_in_dim3A_632 = vector.broadcast %jit3A_631 : f32 to vector<16xf32>
    %select_n3A_633 = arith.select %eq3A_630, %mul3A_591, %broadcast_in_dim3A_632 : vector<16xi1>, vector<16xf32>
    %eq3A_634 = arith.cmpi eq, %select_n3A_582, %broadcast_in_dim3A_7 : vector<16xi32>
    %jit3A_635 = arith.constant 0.000000e+00 : f32
    %broadcast_in_dim3A_636 = vector.broadcast %jit3A_635 : f32 to vector<16xf32>
    %select_n3A_637 = arith.select %eq3A_634, %mul3A_593, %broadcast_in_dim3A_636 : vector<16xi1>, vector<16xf32>
    %add3A_638 = arith.addf %select_n3A_633, %select_n3A_637 : vector<16xf32>
    %jit3A_639 = arith.constant 0.000000e+00 : f32
    %broadcast_in_dim3A_640 = vector.broadcast %jit3A_639 : f32 to vector<16xf32>
    %select_n3A_641 = arith.select %gt3A_530, %broadcast_in_dim3A_640, %add3A_638 : vector<16xi1>, vector<16xf32>
    %swap3A_642 = arith.constant 2 : i32
    %swap3A_643 = arith.index_cast %swap3A_642 : i32 to index
    %swap3A_644 = arith.constant 32 : index
    %swap3A_645 = tpu.vector_load %arg5[%swap3A_643, %swap3A_644] {strides = array<i32>} : memref<8x128xf32, #tpu.memory_space<vmem>>, vector<1x16xf32>,
    %swap3A_646 = vector.shape_cast %swap3A_645 : vector<1x16xf32> to vector<16xf32>
    %swap3A_647 = vector.shape_cast %select_n3A_641 : vector<16xf32> to vector<1x16xf32>
    tpu.vector_store %arg5[%swap3A_643, %swap3A_644], %swap3A_647 {strides = array<i32>} : memref<8x128xf32, #tpu.memory_space<vmem>>, vector<1x16xf32>,
    %eq3A_648 = arith.cmpi eq, %select_n3A_557, %broadcast_in_dim3A_9 : vector<16xi32>
    %jit3A_649 = arith.constant 0.000000e+00 : f32
    %broadcast_in_dim3A_650 = vector.broadcast %jit3A_649 : f32 to vector<16xf32>
    %select_n3A_651 = arith.select %eq3A_648, %mul3A_591, %broadcast_in_dim3A_650 : vector<16xi1>, vector<16xf32>
    %eq3A_652 = arith.cmpi eq, %select_n3A_582, %broadcast_in_dim3A_9 : vector<16xi32>
    %jit3A_653 = arith.constant 0.000000e+00 : f32
    %broadcast_in_dim3A_654 = vector.broadcast %jit3A_653 : f32 to vector<16xf32>
    %select_n3A_655 = arith.select %eq3A_652, %mul3A_593, %broadcast_in_dim3A_654 : vector<16xi1>, vector<16xf32>
    %add3A_656 = arith.addf %select_n3A_651, %select_n3A_655 : vector<16xf32>
    %jit3A_657 = arith.constant 0.000000e+00 : f32
    %broadcast_in_dim3A_658 = vector.broadcast %jit3A_657 : f32 to vector<16xf32>
    %select_n3A_659 = arith.select %gt3A_530, %broadcast_in_dim3A_658, %add3A_656 : vector<16xi1>, vector<16xf32>
    %swap3A_660 = arith.constant 3 : i32
    %swap3A_661 = arith.index_cast %swap3A_660 : i32 to index
    %swap3A_662 = arith.constant 32 : index
    %swap3A_663 = tpu.vector_load %arg5[%swap3A_661, %swap3A_662] {strides = array<i32>} : memref<8x128xf32, #tpu.memory_space<vmem>>, vector<1x16xf32>,
    %swap3A_664 = vector.shape_cast %swap3A_663 : vector<1x16xf32> to vector<16xf32>
    %swap3A_665 = vector.shape_cast %select_n3A_659 : vector<16xf32> to vector<1x16xf32>
    tpu.vector_store %arg5[%swap3A_661, %swap3A_662], %swap3A_665 {strides = array<i32>} : memref<8x128xf32, #tpu.memory_space<vmem>>, vector<1x16xf32>,
    %eq3A_666 = arith.cmpi eq, %select_n3A_557, %broadcast_in_dim3A_3 : vector<16xi32>
    %jit3A_667 = arith.constant 0.000000e+00 : f32
    %broadcast_in_dim3A_668 = vector.broadcast %jit3A_667 : f32 to vector<16xf32>
    %select_n3A_669 = arith.select %eq3A_666, %mul3A_591, %broadcast_in_dim3A_668 : vector<16xi1>, vector<16xf32>
    %eq3A_670 = arith.cmpi eq, %select_n3A_582, %broadcast_in_dim3A_3 : vector<16xi32>
    %jit3A_671 = arith.constant 0.000000e+00 : f32
    %broadcast_in_dim3A_672 = vector.broadcast %jit3A_671 : f32 to vector<16xf32>
    %select_n3A_673 = arith.select %eq3A_670, %mul3A_593, %broadcast_in_dim3A_672 : vector<16xi1>, vector<16xf32>
    %add3A_674 = arith.addf %select_n3A_669, %select_n3A_673 : vector<16xf32>
    %jit3A_675 = arith.constant 0.000000e+00 : f32
    %broadcast_in_dim3A_676 = vector.broadcast %jit3A_675 : f32 to vector<16xf32>
    %select_n3A_677 = arith.select %gt3A_530, %add3A_674, %broadcast_in_dim3A_676 : vector<16xi1>, vector<16xf32>
    %swap3A_678 = arith.constant 4 : i32
    %swap3A_679 = arith.index_cast %swap3A_678 : i32 to index
    %swap3A_680 = arith.constant 32 : index
    %swap3A_681 = tpu.vector_load %arg5[%swap3A_679, %swap3A_680] {strides = array<i32>} : memref<8x128xf32, #tpu.memory_space<vmem>>, vector<1x16xf32>,
    %swap3A_682 = vector.shape_cast %swap3A_681 : vector<1x16xf32> to vector<16xf32>
    %swap3A_683 = vector.shape_cast %select_n3A_677 : vector<16xf32> to vector<1x16xf32>
    tpu.vector_store %arg5[%swap3A_679, %swap3A_680], %swap3A_683 {strides = array<i32>} : memref<8x128xf32, #tpu.memory_space<vmem>>, vector<1x16xf32>,
    %eq3A_684 = arith.cmpi eq, %select_n3A_557, %broadcast_in_dim3A_5 : vector<16xi32>
    %jit3A_685 = arith.constant 0.000000e+00 : f32
    %broadcast_in_dim3A_686 = vector.broadcast %jit3A_685 : f32 to vector<16xf32>
    %select_n3A_687 = arith.select %eq3A_684, %mul3A_591, %broadcast_in_dim3A_686 : vector<16xi1>, vector<16xf32>
    %eq3A_688 = arith.cmpi eq, %select_n3A_582, %broadcast_in_dim3A_5 : vector<16xi32>
    %jit3A_689 = arith.constant 0.000000e+00 : f32
    %broadcast_in_dim3A_690 = vector.broadcast %jit3A_689 : f32 to vector<16xf32>
    %select_n3A_691 = arith.select %eq3A_688, %mul3A_593, %broadcast_in_dim3A_690 : vector<16xi1>, vector<16xf32>
    %add3A_692 = arith.addf %select_n3A_687, %select_n3A_691 : vector<16xf32>
    %jit3A_693 = arith.constant 0.000000e+00 : f32
    %broadcast_in_dim3A_694 = vector.broadcast %jit3A_693 : f32 to vector<16xf32>
    %select_n3A_695 = arith.select %gt3A_530, %add3A_692, %broadcast_in_dim3A_694 : vector<16xi1>, vector<16xf32>
    %swap3A_696 = arith.constant 5 : i32
    %swap3A_697 = arith.index_cast %swap3A_696 : i32 to index
    %swap3A_698 = arith.constant 32 : index
    %swap3A_699 = tpu.vector_load %arg5[%swap3A_697, %swap3A_698] {strides = array<i32>} : memref<8x128xf32, #tpu.memory_space<vmem>>, vector<1x16xf32>,
    %swap3A_700 = vector.shape_cast %swap3A_699 : vector<1x16xf32> to vector<16xf32>
    %swap3A_701 = vector.shape_cast %select_n3A_695 : vector<16xf32> to vector<1x16xf32>
    tpu.vector_store %arg5[%swap3A_697, %swap3A_698], %swap3A_701 {strides = array<i32>} : memref<8x128xf32, #tpu.memory_space<vmem>>, vector<1x16xf32>,
    %eq3A_702 = arith.cmpi eq, %select_n3A_557, %broadcast_in_dim3A_7 : vector<16xi32>
    %jit3A_703 = arith.constant 0.000000e+00 : f32
    %broadcast_in_dim3A_704 = vector.broadcast %jit3A_703 : f32 to vector<16xf32>
    %select_n3A_705 = arith.select %eq3A_702, %mul3A_591, %broadcast_in_dim3A_704 : vector<16xi1>, vector<16xf32>
    %eq3A_706 = arith.cmpi eq, %select_n3A_582, %broadcast_in_dim3A_7 : vector<16xi32>
    %jit3A_707 = arith.constant 0.000000e+00 : f32
    %broadcast_in_dim3A_708 = vector.broadcast %jit3A_707 : f32 to vector<16xf32>
    %select_n3A_709 = arith.select %eq3A_706, %mul3A_593, %broadcast_in_dim3A_708 : vector<16xi1>, vector<16xf32>
    %add3A_710 = arith.addf %select_n3A_705, %select_n3A_709 : vector<16xf32>
    %jit3A_711 = arith.constant 0.000000e+00 : f32
    %broadcast_in_dim3A_712 = vector.broadcast %jit3A_711 : f32 to vector<16xf32>
    %select_n3A_713 = arith.select %gt3A_530, %add3A_710, %broadcast_in_dim3A_712 : vector<16xi1>, vector<16xf32>
    %swap3A_714 = arith.constant 6 : i32
    %swap3A_715 = arith.index_cast %swap3A_714 : i32 to index
    %swap3A_716 = arith.constant 32 : index
    %swap3A_717 = tpu.vector_load %arg5[%swap3A_715, %swap3A_716] {strides = array<i32>} : memref<8x128xf32, #tpu.memory_space<vmem>>, vector<1x16xf32>,
    %swap3A_718 = vector.shape_cast %swap3A_717 : vector<1x16xf32> to vector<16xf32>
    %swap3A_719 = vector.shape_cast %select_n3A_713 : vector<16xf32> to vector<1x16xf32>
    tpu.vector_store %arg5[%swap3A_715, %swap3A_716], %swap3A_719 {strides = array<i32>} : memref<8x128xf32, #tpu.memory_space<vmem>>, vector<1x16xf32>,
    %eq3A_720 = arith.cmpi eq, %select_n3A_557, %broadcast_in_dim3A_9 : vector<16xi32>
    %jit3A_721 = arith.constant 0.000000e+00 : f32
    %broadcast_in_dim3A_722 = vector.broadcast %jit3A_721 : f32 to vector<16xf32>
    %select_n3A_723 = arith.select %eq3A_720, %mul3A_591, %broadcast_in_dim3A_722 : vector<16xi1>, vector<16xf32>
    %eq3A_724 = arith.cmpi eq, %select_n3A_582, %broadcast_in_dim3A_9 : vector<16xi32>
    %jit3A_725 = arith.constant 0.000000e+00 : f32
    %broadcast_in_dim3A_726 = vector.broadcast %jit3A_725 : f32 to vector<16xf32>
    %select_n3A_727 = arith.select %eq3A_724, %mul3A_593, %broadcast_in_dim3A_726 : vector<16xi1>, vector<16xf32>
    %add3A_728 = arith.addf %select_n3A_723, %select_n3A_727 : vector<16xf32>
    %jit3A_729 = arith.constant 0.000000e+00 : f32
    %broadcast_in_dim3A_730 = vector.broadcast %jit3A_729 : f32 to vector<16xf32>
    %select_n3A_731 = arith.select %gt3A_530, %add3A_728, %broadcast_in_dim3A_730 : vector<16xi1>, vector<16xf32>
    %swap3A_732 = arith.constant 7 : i32
    %swap3A_733 = arith.index_cast %swap3A_732 : i32 to index
    %swap3A_734 = arith.constant 32 : index
    %swap3A_735 = tpu.vector_load %arg5[%swap3A_733, %swap3A_734] {strides = array<i32>} : memref<8x128xf32, #tpu.memory_space<vmem>>, vector<1x16xf32>,
    %swap3A_736 = vector.shape_cast %swap3A_735 : vector<1x16xf32> to vector<16xf32>
    %swap3A_737 = vector.shape_cast %select_n3A_731 : vector<16xf32> to vector<1x16xf32>
    tpu.vector_store %arg5[%swap3A_733, %swap3A_734], %swap3A_737 {strides = array<i32>} : memref<8x128xf32, #tpu.memory_space<vmem>>, vector<1x16xf32>,
    %get3A_738 = arith.constant 0 : i32
    %get3A_739 = arith.index_cast %get3A_738 : i32 to index
    %get3A_740 = arith.constant 48 : index
    %get3A_741 = tpu.vector_load %arg4[%get3A_739, %get3A_740] {strides = array<i32>} : memref<8x128xf32, #tpu.memory_space<vmem>>, vector<1x16xf32>,
    %get3A_742 = vector.shape_cast %get3A_741 : vector<1x16xf32> to vector<16xf32>
    %get3A_743 = arith.constant 1 : i32
    %get3A_744 = arith.index_cast %get3A_743 : i32 to index
    %get3A_745 = arith.constant 48 : index
    %get3A_746 = tpu.vector_load %arg4[%get3A_744, %get3A_745] {strides = array<i32>} : memref<8x128xf32, #tpu.memory_space<vmem>>, vector<1x16xf32>,
    %get3A_747 = vector.shape_cast %get3A_746 : vector<1x16xf32> to vector<16xf32>
    %get3A_748 = arith.constant 2 : i32
    %get3A_749 = arith.index_cast %get3A_748 : i32 to index
    %get3A_750 = arith.constant 48 : index
    %get3A_751 = tpu.vector_load %arg4[%get3A_749, %get3A_750] {strides = array<i32>} : memref<8x128xf32, #tpu.memory_space<vmem>>, vector<1x16xf32>,
    %get3A_752 = vector.shape_cast %get3A_751 : vector<1x16xf32> to vector<16xf32>
    %get3A_753 = arith.constant 3 : i32
    %get3A_754 = arith.index_cast %get3A_753 : i32 to index
    %get3A_755 = arith.constant 48 : index
    %get3A_756 = tpu.vector_load %arg4[%get3A_754, %get3A_755] {strides = array<i32>} : memref<8x128xf32, #tpu.memory_space<vmem>>, vector<1x16xf32>,
    %get3A_757 = vector.shape_cast %get3A_756 : vector<1x16xf32> to vector<16xf32>
    %get3A_758 = arith.constant 4 : i32
    %get3A_759 = arith.index_cast %get3A_758 : i32 to index
    %get3A_760 = arith.constant 48 : index
    %get3A_761 = tpu.vector_load %arg4[%get3A_759, %get3A_760] {strides = array<i32>} : memref<8x128xf32, #tpu.memory_space<vmem>>, vector<1x16xf32>,
    %get3A_762 = vector.shape_cast %get3A_761 : vector<1x16xf32> to vector<16xf32>
    %get3A_763 = arith.constant 5 : i32
    %get3A_764 = arith.index_cast %get3A_763 : i32 to index
    %get3A_765 = arith.constant 48 : index
    %get3A_766 = tpu.vector_load %arg4[%get3A_764, %get3A_765] {strides = array<i32>} : memref<8x128xf32, #tpu.memory_space<vmem>>, vector<1x16xf32>,
    %get3A_767 = vector.shape_cast %get3A_766 : vector<1x16xf32> to vector<16xf32>
    %max3A_768 = arith.maximumf %get3A_742, %get3A_747 : vector<16xf32>
    %sub3A_769 = arith.subf %get3A_742, %max3A_768 : vector<16xf32>
    %exp3A_770 = math.exp %sub3A_769 : vector<16xf32>
    %sub3A_771 = arith.subf %get3A_747, %max3A_768 : vector<16xf32>
    %exp3A_772 = math.exp %sub3A_771 : vector<16xf32>
    %max3A_773 = arith.maximumf %exp3A_770, %exp3A_772 : vector<16xf32>
    %add3A_774 = arith.addf %exp3A_770, %exp3A_772 : vector<16xf32>
    %div3A_775 = arith.divf %max3A_773, %add3A_774 : vector<16xf32>
    %gt3A_776 = arith.cmpf ogt, %get3A_747, %get3A_742 : vector<16xf32>
    %max3A_777 = arith.maximumf %get3A_752, %get3A_757 : vector<16xf32>
    %max3A_778 = arith.maximumf %get3A_762, %get3A_767 : vector<16xf32>
    %max3A_779 = arith.maximumf %max3A_777, %max3A_778 : vector<16xf32>
    %sub3A_780 = arith.subf %get3A_752, %max3A_779 : vector<16xf32>
    %exp3A_781 = math.exp %sub3A_780 : vector<16xf32>
    %sub3A_782 = arith.subf %get3A_757, %max3A_779 : vector<16xf32>
    %exp3A_783 = math.exp %sub3A_782 : vector<16xf32>
    %sub3A_784 = arith.subf %get3A_762, %max3A_779 : vector<16xf32>
    %exp3A_785 = math.exp %sub3A_784 : vector<16xf32>
    %sub3A_786 = arith.subf %get3A_767, %max3A_779 : vector<16xf32>
    %exp3A_787 = math.exp %sub3A_786 : vector<16xf32>
    %add3A_788 = arith.addf %exp3A_781, %exp3A_783 : vector<16xf32>
    %add3A_789 = arith.addf %exp3A_785, %exp3A_787 : vector<16xf32>
    %add3A_790 = arith.addf %add3A_788, %add3A_789 : vector<16xf32>
    %div3A_791 = arith.divf %exp3A_781, %add3A_790 : vector<16xf32>
    %div3A_792 = arith.divf %exp3A_783, %add3A_790 : vector<16xf32>
    %div3A_793 = arith.divf %exp3A_785, %add3A_790 : vector<16xf32>
    %div3A_794 = arith.divf %exp3A_787, %add3A_790 : vector<16xf32>
    %max3A_795 = arith.maximumf %div3A_791, %div3A_792 : vector<16xf32>
    %max3A_796 = arith.maximumf %div3A_793, %div3A_794 : vector<16xf32>
    %max3A_797 = arith.maximumf %max3A_795, %max3A_796 : vector<16xf32>
    %eq3A_798 = arith.cmpf oeq, %div3A_791, %max3A_797 : vector<16xf32>
    %eq3A_799 = arith.cmpf oeq, %div3A_792, %max3A_797 : vector<16xf32>
    %eq3A_800 = arith.cmpf oeq, %div3A_793, %max3A_797 : vector<16xf32>
    %select_n3A_801 = arith.select %eq3A_800, %broadcast_in_dim3A_7, %broadcast_in_dim3A_9 : vector<16xi1>, vector<16xi32>
    %select_n3A_802 = arith.select %eq3A_799, %broadcast_in_dim3A_5, %select_n3A_801 : vector<16xi1>, vector<16xi32>
    %select_n3A_803 = arith.select %eq3A_798, %broadcast_in_dim3A_3, %select_n3A_802 : vector<16xi1>, vector<16xi32>
    %eq3A_804 = arith.cmpi eq, %select_n3A_803, %broadcast_in_dim3A_3 : vector<16xi32>
    %jit3A_805 = arith.constant -1.000000e+00 : f32
    %broadcast_in_dim3A_806 = vector.broadcast %jit3A_805 : f32 to vector<16xf32>
    %select_n3A_807 = arith.select %eq3A_804, %broadcast_in_dim3A_806, %div3A_791 : vector<16xi1>, vector<16xf32>
    %eq3A_808 = arith.cmpi eq, %select_n3A_803, %broadcast_in_dim3A_5 : vector<16xi32>
    %jit3A_809 = arith.constant -1.000000e+00 : f32
    %broadcast_in_dim3A_810 = vector.broadcast %jit3A_809 : f32 to vector<16xf32>
    %select_n3A_811 = arith.select %eq3A_808, %broadcast_in_dim3A_810, %div3A_792 : vector<16xi1>, vector<16xf32>
    %eq3A_812 = arith.cmpi eq, %select_n3A_803, %broadcast_in_dim3A_7 : vector<16xi32>
    %jit3A_813 = arith.constant -1.000000e+00 : f32
    %broadcast_in_dim3A_814 = vector.broadcast %jit3A_813 : f32 to vector<16xf32>
    %select_n3A_815 = arith.select %eq3A_812, %broadcast_in_dim3A_814, %div3A_793 : vector<16xi1>, vector<16xf32>
    %eq3A_816 = arith.cmpi eq, %select_n3A_803, %broadcast_in_dim3A_9 : vector<16xi32>
    %jit3A_817 = arith.constant -1.000000e+00 : f32
    %broadcast_in_dim3A_818 = vector.broadcast %jit3A_817 : f32 to vector<16xf32>
    %select_n3A_819 = arith.select %eq3A_816, %broadcast_in_dim3A_818, %div3A_794 : vector<16xi1>, vector<16xf32>
    %max3A_820 = arith.maximumf %select_n3A_807, %select_n3A_811 : vector<16xf32>
    %max3A_821 = arith.maximumf %select_n3A_815, %select_n3A_819 : vector<16xf32>
    %max3A_822 = arith.maximumf %max3A_820, %max3A_821 : vector<16xf32>
    %eq3A_823 = arith.cmpf oeq, %select_n3A_807, %max3A_822 : vector<16xf32>
    %eq3A_824 = arith.cmpf oeq, %select_n3A_811, %max3A_822 : vector<16xf32>
    %eq3A_825 = arith.cmpf oeq, %select_n3A_815, %max3A_822 : vector<16xf32>
    %select_n3A_826 = arith.select %eq3A_825, %broadcast_in_dim3A_7, %broadcast_in_dim3A_9 : vector<16xi1>, vector<16xi32>
    %select_n3A_827 = arith.select %eq3A_824, %broadcast_in_dim3A_5, %select_n3A_826 : vector<16xi1>, vector<16xi32>
    %select_n3A_828 = arith.select %eq3A_823, %broadcast_in_dim3A_3, %select_n3A_827 : vector<16xi1>, vector<16xi32>
    %add3A_829 = arith.addf %max3A_797, %max3A_822 : vector<16xf32>
    %add3A_830 = arith.constant 1.000000e-07 : f32
    %add3A_831 = vector.broadcast %add3A_830 : f32 to vector<16xf32>
    %add3A_832 = arith.addf %add3A_829, %add3A_831 : vector<16xf32>
    %div3A_833 = arith.constant 1.000000e+00 : f32
    %div3A_834 = vector.broadcast %div3A_833 : f32 to vector<16xf32>
    %div3A_835 = arith.divf %div3A_834, %add3A_832 : vector<16xf32>
    %mul3A_836 = arith.mulf %div3A_775, %max3A_797 : vector<16xf32>
    %mul3A_837 = arith.mulf %mul3A_836, %div3A_835 : vector<16xf32>
    %mul3A_838 = arith.mulf %div3A_775, %max3A_822 : vector<16xf32>
    %mul3A_839 = arith.mulf %mul3A_838, %div3A_835 : vector<16xf32>
    %eq3A_840 = arith.cmpi eq, %select_n3A_803, %broadcast_in_dim3A_3 : vector<16xi32>
    %jit3A_841 = arith.constant 0.000000e+00 : f32
    %broadcast_in_dim3A_842 = vector.broadcast %jit3A_841 : f32 to vector<16xf32>
    %select_n3A_843 = arith.select %eq3A_840, %mul3A_837, %broadcast_in_dim3A_842 : vector<16xi1>, vector<16xf32>
    %eq3A_844 = arith.cmpi eq, %select_n3A_828, %broadcast_in_dim3A_3 : vector<16xi32>
    %jit3A_845 = arith.constant 0.000000e+00 : f32
    %broadcast_in_dim3A_846 = vector.broadcast %jit3A_845 : f32 to vector<16xf32>
    %select_n3A_847 = arith.select %eq3A_844, %mul3A_839, %broadcast_in_dim3A_846 : vector<16xi1>, vector<16xf32>
    %add3A_848 = arith.addf %select_n3A_843, %select_n3A_847 : vector<16xf32>
    %jit3A_849 = arith.constant 0.000000e+00 : f32
    %broadcast_in_dim3A_850 = vector.broadcast %jit3A_849 : f32 to vector<16xf32>
    %select_n3A_851 = arith.select %gt3A_776, %broadcast_in_dim3A_850, %add3A_848 : vector<16xi1>, vector<16xf32>
    %swap3A_852 = arith.constant 0 : i32
    %swap3A_853 = arith.index_cast %swap3A_852 : i32 to index
    %swap3A_854 = arith.constant 48 : index
    %swap3A_855 = tpu.vector_load %arg5[%swap3A_853, %swap3A_854] {strides = array<i32>} : memref<8x128xf32, #tpu.memory_space<vmem>>, vector<1x16xf32>,
    %swap3A_856 = vector.shape_cast %swap3A_855 : vector<1x16xf32> to vector<16xf32>
    %swap3A_857 = vector.shape_cast %select_n3A_851 : vector<16xf32> to vector<1x16xf32>
    tpu.vector_store %arg5[%swap3A_853, %swap3A_854], %swap3A_857 {strides = array<i32>} : memref<8x128xf32, #tpu.memory_space<vmem>>, vector<1x16xf32>,
    %eq3A_858 = arith.cmpi eq, %select_n3A_803, %broadcast_in_dim3A_5 : vector<16xi32>
    %jit3A_859 = arith.constant 0.000000e+00 : f32
    %broadcast_in_dim3A_860 = vector.broadcast %jit3A_859 : f32 to vector<16xf32>
    %select_n3A_861 = arith.select %eq3A_858, %mul3A_837, %broadcast_in_dim3A_860 : vector<16xi1>, vector<16xf32>
    %eq3A_862 = arith.cmpi eq, %select_n3A_828, %broadcast_in_dim3A_5 : vector<16xi32>
    %jit3A_863 = arith.constant 0.000000e+00 : f32
    %broadcast_in_dim3A_864 = vector.broadcast %jit3A_863 : f32 to vector<16xf32>
    %select_n3A_865 = arith.select %eq3A_862, %mul3A_839, %broadcast_in_dim3A_864 : vector<16xi1>, vector<16xf32>
    %add3A_866 = arith.addf %select_n3A_861, %select_n3A_865 : vector<16xf32>
    %jit3A_867 = arith.constant 0.000000e+00 : f32
    %broadcast_in_dim3A_868 = vector.broadcast %jit3A_867 : f32 to vector<16xf32>
    %select_n3A_869 = arith.select %gt3A_776, %broadcast_in_dim3A_868, %add3A_866 : vector<16xi1>, vector<16xf32>
    %swap3A_870 = arith.constant 1 : i32
    %swap3A_871 = arith.index_cast %swap3A_870 : i32 to index
    %swap3A_872 = arith.constant 48 : index
    %swap3A_873 = tpu.vector_load %arg5[%swap3A_871, %swap3A_872] {strides = array<i32>} : memref<8x128xf32, #tpu.memory_space<vmem>>, vector<1x16xf32>,
    %swap3A_874 = vector.shape_cast %swap3A_873 : vector<1x16xf32> to vector<16xf32>
    %swap3A_875 = vector.shape_cast %select_n3A_869 : vector<16xf32> to vector<1x16xf32>
    tpu.vector_store %arg5[%swap3A_871, %swap3A_872], %swap3A_875 {strides = array<i32>} : memref<8x128xf32, #tpu.memory_space<vmem>>, vector<1x16xf32>,
    %eq3A_876 = arith.cmpi eq, %select_n3A_803, %broadcast_in_dim3A_7 : vector<16xi32>
    %jit3A_877 = arith.constant 0.000000e+00 : f32
    %broadcast_in_dim3A_878 = vector.broadcast %jit3A_877 : f32 to vector<16xf32>
    %select_n3A_879 = arith.select %eq3A_876, %mul3A_837, %broadcast_in_dim3A_878 : vector<16xi1>, vector<16xf32>
    %eq3A_880 = arith.cmpi eq, %select_n3A_828, %broadcast_in_dim3A_7 : vector<16xi32>
    %jit3A_881 = arith.constant 0.000000e+00 : f32
    %broadcast_in_dim3A_882 = vector.broadcast %jit3A_881 : f32 to vector<16xf32>
    %select_n3A_883 = arith.select %eq3A_880, %mul3A_839, %broadcast_in_dim3A_882 : vector<16xi1>, vector<16xf32>
    %add3A_884 = arith.addf %select_n3A_879, %select_n3A_883 : vector<16xf32>
    %jit3A_885 = arith.constant 0.000000e+00 : f32
    %broadcast_in_dim3A_886 = vector.broadcast %jit3A_885 : f32 to vector<16xf32>
    %select_n3A_887 = arith.select %gt3A_776, %broadcast_in_dim3A_886, %add3A_884 : vector<16xi1>, vector<16xf32>
    %swap3A_888 = arith.constant 2 : i32
    %swap3A_889 = arith.index_cast %swap3A_888 : i32 to index
    %swap3A_890 = arith.constant 48 : index
    %swap3A_891 = tpu.vector_load %arg5[%swap3A_889, %swap3A_890] {strides = array<i32>} : memref<8x128xf32, #tpu.memory_space<vmem>>, vector<1x16xf32>,
    %swap3A_892 = vector.shape_cast %swap3A_891 : vector<1x16xf32> to vector<16xf32>
    %swap3A_893 = vector.shape_cast %select_n3A_887 : vector<16xf32> to vector<1x16xf32>
    tpu.vector_store %arg5[%swap3A_889, %swap3A_890], %swap3A_893 {strides = array<i32>} : memref<8x128xf32, #tpu.memory_space<vmem>>, vector<1x16xf32>,
    %eq3A_894 = arith.cmpi eq, %select_n3A_803, %broadcast_in_dim3A_9 : vector<16xi32>
    %jit3A_895 = arith.constant 0.000000e+00 : f32
    %broadcast_in_dim3A_896 = vector.broadcast %jit3A_895 : f32 to vector<16xf32>
    %select_n3A_897 = arith.select %eq3A_894, %mul3A_837, %broadcast_in_dim3A_896 : vector<16xi1>, vector<16xf32>
    %eq3A_898 = arith.cmpi eq, %select_n3A_828, %broadcast_in_dim3A_9 : vector<16xi32>
    %jit3A_899 = arith.constant 0.000000e+00 : f32
    %broadcast_in_dim3A_900 = vector.broadcast %jit3A_899 : f32 to vector<16xf32>
    %select_n3A_901 = arith.select %eq3A_898, %mul3A_839, %broadcast_in_dim3A_900 : vector<16xi1>, vector<16xf32>
    %add3A_902 = arith.addf %select_n3A_897, %select_n3A_901 : vector<16xf32>
    %jit3A_903 = arith.constant 0.000000e+00 : f32
    %broadcast_in_dim3A_904 = vector.broadcast %jit3A_903 : f32 to vector<16xf32>
    %select_n3A_905 = arith.select %gt3A_776, %broadcast_in_dim3A_904, %add3A_902 : vector<16xi1>, vector<16xf32>
    %swap3A_906 = arith.constant 3 : i32
    %swap3A_907 = arith.index_cast %swap3A_906 : i32 to index
    %swap3A_908 = arith.constant 48 : index
    %swap3A_909 = tpu.vector_load %arg5[%swap3A_907, %swap3A_908] {strides = array<i32>} : memref<8x128xf32, #tpu.memory_space<vmem>>, vector<1x16xf32>,
    %swap3A_910 = vector.shape_cast %swap3A_909 : vector<1x16xf32> to vector<16xf32>
    %swap3A_911 = vector.shape_cast %select_n3A_905 : vector<16xf32> to vector<1x16xf32>
    tpu.vector_store %arg5[%swap3A_907, %swap3A_908], %swap3A_911 {strides = array<i32>} : memref<8x128xf32, #tpu.memory_space<vmem>>, vector<1x16xf32>,
    %eq3A_912 = arith.cmpi eq, %select_n3A_803, %broadcast_in_dim3A_3 : vector<16xi32>
    %jit3A_913 = arith.constant 0.000000e+00 : f32
    %broadcast_in_dim3A_914 = vector.broadcast %jit3A_913 : f32 to vector<16xf32>
    %select_n3A_915 = arith.select %eq3A_912, %mul3A_837, %broadcast_in_dim3A_914 : vector<16xi1>, vector<16xf32>
    %eq3A_916 = arith.cmpi eq, %select_n3A_828, %broadcast_in_dim3A_3 : vector<16xi32>
    %jit3A_917 = arith.constant 0.000000e+00 : f32
    %broadcast_in_dim3A_918 = vector.broadcast %jit3A_917 : f32 to vector<16xf32>
    %select_n3A_919 = arith.select %eq3A_916, %mul3A_839, %broadcast_in_dim3A_918 : vector<16xi1>, vector<16xf32>
    %add3A_920 = arith.addf %select_n3A_915, %select_n3A_919 : vector<16xf32>
    %jit3A_921 = arith.constant 0.000000e+00 : f32
    %broadcast_in_dim3A_922 = vector.broadcast %jit3A_921 : f32 to vector<16xf32>
    %select_n3A_923 = arith.select %gt3A_776, %add3A_920, %broadcast_in_dim3A_922 : vector<16xi1>, vector<16xf32>
    %swap3A_924 = arith.constant 4 : i32
    %swap3A_925 = arith.index_cast %swap3A_924 : i32 to index
    %swap3A_926 = arith.constant 48 : index
    %swap3A_927 = tpu.vector_load %arg5[%swap3A_925, %swap3A_926] {strides = array<i32>} : memref<8x128xf32, #tpu.memory_space<vmem>>, vector<1x16xf32>,
    %swap3A_928 = vector.shape_cast %swap3A_927 : vector<1x16xf32> to vector<16xf32>
    %swap3A_929 = vector.shape_cast %select_n3A_923 : vector<16xf32> to vector<1x16xf32>
    tpu.vector_store %arg5[%swap3A_925, %swap3A_926], %swap3A_929 {strides = array<i32>} : memref<8x128xf32, #tpu.memory_space<vmem>>, vector<1x16xf32>,
    %eq3A_930 = arith.cmpi eq, %select_n3A_803, %broadcast_in_dim3A_5 : vector<16xi32>
    %jit3A_931 = arith.constant 0.000000e+00 : f32
    %broadcast_in_dim3A_932 = vector.broadcast %jit3A_931 : f32 to vector<16xf32>
    %select_n3A_933 = arith.select %eq3A_930, %mul3A_837, %broadcast_in_dim3A_932 : vector<16xi1>, vector<16xf32>
    %eq3A_934 = arith.cmpi eq, %select_n3A_828, %broadcast_in_dim3A_5 : vector<16xi32>
    %jit3A_935 = arith.constant 0.000000e+00 : f32
    %broadcast_in_dim3A_936 = vector.broadcast %jit3A_935 : f32 to vector<16xf32>
    %select_n3A_937 = arith.select %eq3A_934, %mul3A_839, %broadcast_in_dim3A_936 : vector<16xi1>, vector<16xf32>
    %add3A_938 = arith.addf %select_n3A_933, %select_n3A_937 : vector<16xf32>
    %jit3A_939 = arith.constant 0.000000e+00 : f32
    %broadcast_in_dim3A_940 = vector.broadcast %jit3A_939 : f32 to vector<16xf32>
    %select_n3A_941 = arith.select %gt3A_776, %add3A_938, %broadcast_in_dim3A_940 : vector<16xi1>, vector<16xf32>
    %swap3A_942 = arith.constant 5 : i32
    %swap3A_943 = arith.index_cast %swap3A_942 : i32 to index
    %swap3A_944 = arith.constant 48 : index
    %swap3A_945 = tpu.vector_load %arg5[%swap3A_943, %swap3A_944] {strides = array<i32>} : memref<8x128xf32, #tpu.memory_space<vmem>>, vector<1x16xf32>,
    %swap3A_946 = vector.shape_cast %swap3A_945 : vector<1x16xf32> to vector<16xf32>
    %swap3A_947 = vector.shape_cast %select_n3A_941 : vector<16xf32> to vector<1x16xf32>
    tpu.vector_store %arg5[%swap3A_943, %swap3A_944], %swap3A_947 {strides = array<i32>} : memref<8x128xf32, #tpu.memory_space<vmem>>, vector<1x16xf32>,
    %eq3A_948 = arith.cmpi eq, %select_n3A_803, %broadcast_in_dim3A_7 : vector<16xi32>
    %jit3A_949 = arith.constant 0.000000e+00 : f32
    %broadcast_in_dim3A_950 = vector.broadcast %jit3A_949 : f32 to vector<16xf32>
    %select_n3A_951 = arith.select %eq3A_948, %mul3A_837, %broadcast_in_dim3A_950 : vector<16xi1>, vector<16xf32>
    %eq3A_952 = arith.cmpi eq, %select_n3A_828, %broadcast_in_dim3A_7 : vector<16xi32>
    %jit3A_953 = arith.constant 0.000000e+00 : f32
    %broadcast_in_dim3A_954 = vector.broadcast %jit3A_953 : f32 to vector<16xf32>
    %select_n3A_955 = arith.select %eq3A_952, %mul3A_839, %broadcast_in_dim3A_954 : vector<16xi1>, vector<16xf32>
    %add3A_956 = arith.addf %select_n3A_951, %select_n3A_955 : vector<16xf32>
    %jit3A_957 = arith.constant 0.000000e+00 : f32
    %broadcast_in_dim3A_958 = vector.broadcast %jit3A_957 : f32 to vector<16xf32>
    %select_n3A_959 = arith.select %gt3A_776, %add3A_956, %broadcast_in_dim3A_958 : vector<16xi1>, vector<16xf32>
    %swap3A_960 = arith.constant 6 : i32
    %swap3A_961 = arith.index_cast %swap3A_960 : i32 to index
    %swap3A_962 = arith.constant 48 : index
    %swap3A_963 = tpu.vector_load %arg5[%swap3A_961, %swap3A_962] {strides = array<i32>} : memref<8x128xf32, #tpu.memory_space<vmem>>, vector<1x16xf32>,
    %swap3A_964 = vector.shape_cast %swap3A_963 : vector<1x16xf32> to vector<16xf32>
    %swap3A_965 = vector.shape_cast %select_n3A_959 : vector<16xf32> to vector<1x16xf32>
    tpu.vector_store %arg5[%swap3A_961, %swap3A_962], %swap3A_965 {strides = array<i32>} : memref<8x128xf32, #tpu.memory_space<vmem>>, vector<1x16xf32>,
    %eq3A_966 = arith.cmpi eq, %select_n3A_803, %broadcast_in_dim3A_9 : vector<16xi32>
    %jit3A_967 = arith.constant 0.000000e+00 : f32
    %broadcast_in_dim3A_968 = vector.broadcast %jit3A_967 : f32 to vector<16xf32>
    %select_n3A_969 = arith.select %eq3A_966, %mul3A_837, %broadcast_in_dim3A_968 : vector<16xi1>, vector<16xf32>
    %eq3A_970 = arith.cmpi eq, %select_n3A_828, %broadcast_in_dim3A_9 : vector<16xi32>
    %jit3A_971 = arith.constant 0.000000e+00 : f32
    %broadcast_in_dim3A_972 = vector.broadcast %jit3A_971 : f32 to vector<16xf32>
    %select_n3A_973 = arith.select %eq3A_970, %mul3A_839, %broadcast_in_dim3A_972 : vector<16xi1>, vector<16xf32>
    %add3A_974 = arith.addf %select_n3A_969, %select_n3A_973 : vector<16xf32>
    %jit3A_975 = arith.constant 0.000000e+00 : f32
    %broadcast_in_dim3A_976 = vector.broadcast %jit3A_975 : f32 to vector<16xf32>
    %select_n3A_977 = arith.select %gt3A_776, %add3A_974, %broadcast_in_dim3A_976 : vector<16xi1>, vector<16xf32>
    %swap3A_978 = arith.constant 7 : i32
    %swap3A_979 = arith.index_cast %swap3A_978 : i32 to index
    %swap3A_980 = arith.constant 48 : index
    %swap3A_981 = tpu.vector_load %arg5[%swap3A_979, %swap3A_980] {strides = array<i32>} : memref<8x128xf32, #tpu.memory_space<vmem>>, vector<1x16xf32>,
    %swap3A_982 = vector.shape_cast %swap3A_981 : vector<1x16xf32> to vector<16xf32>
    %swap3A_983 = vector.shape_cast %select_n3A_977 : vector<16xf32> to vector<1x16xf32>
    tpu.vector_store %arg5[%swap3A_979, %swap3A_980], %swap3A_983 {strides = array<i32>} : memref<8x128xf32, #tpu.memory_space<vmem>>, vector<1x16xf32>,
    %get3A_984 = arith.constant 0 : i32
    %get3A_985 = arith.index_cast %get3A_984 : i32 to index
    %get3A_986 = arith.constant 64 : index
    %get3A_987 = tpu.vector_load %arg4[%get3A_985, %get3A_986] {strides = array<i32>} : memref<8x128xf32, #tpu.memory_space<vmem>>, vector<1x16xf32>,
    %get3A_988 = vector.shape_cast %get3A_987 : vector<1x16xf32> to vector<16xf32>
    %get3A_989 = arith.constant 1 : i32
    %get3A_990 = arith.index_cast %get3A_989 : i32 to index
    %get3A_991 = arith.constant 64 : index
    %get3A_992 = tpu.vector_load %arg4[%get3A_990, %get3A_991] {strides = array<i32>} : memref<8x128xf32, #tpu.memory_space<vmem>>, vector<1x16xf32>,
    %get3A_993 = vector.shape_cast %get3A_992 : vector<1x16xf32> to vector<16xf32>
    %get3A_994 = arith.constant 2 : i32
    %get3A_995 = arith.index_cast %get3A_994 : i32 to index
    %get3A_996 = arith.constant 64 : index
    %get3A_997 = tpu.vector_load %arg4[%get3A_995, %get3A_996] {strides = array<i32>} : memref<8x128xf32, #tpu.memory_space<vmem>>, vector<1x16xf32>,
    %get3A_998 = vector.shape_cast %get3A_997 : vector<1x16xf32> to vector<16xf32>
    %get3A_999 = arith.constant 3 : i32
    %get3A_1000 = arith.index_cast %get3A_999 : i32 to index
    %get3A_1001 = arith.constant 64 : index
    %get3A_1002 = tpu.vector_load %arg4[%get3A_1000, %get3A_1001] {strides = array<i32>} : memref<8x128xf32, #tpu.memory_space<vmem>>, vector<1x16xf32>,
    %get3A_1003 = vector.shape_cast %get3A_1002 : vector<1x16xf32> to vector<16xf32>
    %get3A_1004 = arith.constant 4 : i32
    %get3A_1005 = arith.index_cast %get3A_1004 : i32 to index
    %get3A_1006 = arith.constant 64 : index
    %get3A_1007 = tpu.vector_load %arg4[%get3A_1005, %get3A_1006] {strides = array<i32>} : memref<8x128xf32, #tpu.memory_space<vmem>>, vector<1x16xf32>,
    %get3A_1008 = vector.shape_cast %get3A_1007 : vector<1x16xf32> to vector<16xf32>
    %get3A_1009 = arith.constant 5 : i32
    %get3A_1010 = arith.index_cast %get3A_1009 : i32 to index
    %get3A_1011 = arith.constant 64 : index
    %get3A_1012 = tpu.vector_load %arg4[%get3A_1010, %get3A_1011] {strides = array<i32>} : memref<8x128xf32, #tpu.memory_space<vmem>>, vector<1x16xf32>,
    %get3A_1013 = vector.shape_cast %get3A_1012 : vector<1x16xf32> to vector<16xf32>
    %max3A_1014 = arith.maximumf %get3A_988, %get3A_993 : vector<16xf32>
    %sub3A_1015 = arith.subf %get3A_988, %max3A_1014 : vector<16xf32>
    %exp3A_1016 = math.exp %sub3A_1015 : vector<16xf32>
    %sub3A_1017 = arith.subf %get3A_993, %max3A_1014 : vector<16xf32>
    %exp3A_1018 = math.exp %sub3A_1017 : vector<16xf32>
    %max3A_1019 = arith.maximumf %exp3A_1016, %exp3A_1018 : vector<16xf32>
    %add3A_1020 = arith.addf %exp3A_1016, %exp3A_1018 : vector<16xf32>
    %div3A_1021 = arith.divf %max3A_1019, %add3A_1020 : vector<16xf32>
    %gt3A_1022 = arith.cmpf ogt, %get3A_993, %get3A_988 : vector<16xf32>
    %max3A_1023 = arith.maximumf %get3A_998, %get3A_1003 : vector<16xf32>
    %max3A_1024 = arith.maximumf %get3A_1008, %get3A_1013 : vector<16xf32>
    %max3A_1025 = arith.maximumf %max3A_1023, %max3A_1024 : vector<16xf32>
    %sub3A_1026 = arith.subf %get3A_998, %max3A_1025 : vector<16xf32>
    %exp3A_1027 = math.exp %sub3A_1026 : vector<16xf32>
    %sub3A_1028 = arith.subf %get3A_1003, %max3A_1025 : vector<16xf32>
    %exp3A_1029 = math.exp %sub3A_1028 : vector<16xf32>
    %sub3A_1030 = arith.subf %get3A_1008, %max3A_1025 : vector<16xf32>
    %exp3A_1031 = math.exp %sub3A_1030 : vector<16xf32>
    %sub3A_1032 = arith.subf %get3A_1013, %max3A_1025 : vector<16xf32>
    %exp3A_1033 = math.exp %sub3A_1032 : vector<16xf32>
    %add3A_1034 = arith.addf %exp3A_1027, %exp3A_1029 : vector<16xf32>
    %add3A_1035 = arith.addf %exp3A_1031, %exp3A_1033 : vector<16xf32>
    %add3A_1036 = arith.addf %add3A_1034, %add3A_1035 : vector<16xf32>
    %div3A_1037 = arith.divf %exp3A_1027, %add3A_1036 : vector<16xf32>
    %div3A_1038 = arith.divf %exp3A_1029, %add3A_1036 : vector<16xf32>
    %div3A_1039 = arith.divf %exp3A_1031, %add3A_1036 : vector<16xf32>
    %div3A_1040 = arith.divf %exp3A_1033, %add3A_1036 : vector<16xf32>
    %max3A_1041 = arith.maximumf %div3A_1037, %div3A_1038 : vector<16xf32>
    %max3A_1042 = arith.maximumf %div3A_1039, %div3A_1040 : vector<16xf32>
    %max3A_1043 = arith.maximumf %max3A_1041, %max3A_1042 : vector<16xf32>
    %eq3A_1044 = arith.cmpf oeq, %div3A_1037, %max3A_1043 : vector<16xf32>
    %eq3A_1045 = arith.cmpf oeq, %div3A_1038, %max3A_1043 : vector<16xf32>
    %eq3A_1046 = arith.cmpf oeq, %div3A_1039, %max3A_1043 : vector<16xf32>
    %select_n3A_1047 = arith.select %eq3A_1046, %broadcast_in_dim3A_7, %broadcast_in_dim3A_9 : vector<16xi1>, vector<16xi32>
    %select_n3A_1048 = arith.select %eq3A_1045, %broadcast_in_dim3A_5, %select_n3A_1047 : vector<16xi1>, vector<16xi32>
    %select_n3A_1049 = arith.select %eq3A_1044, %broadcast_in_dim3A_3, %select_n3A_1048 : vector<16xi1>, vector<16xi32>
    %eq3A_1050 = arith.cmpi eq, %select_n3A_1049, %broadcast_in_dim3A_3 : vector<16xi32>
    %jit3A_1051 = arith.constant -1.000000e+00 : f32
    %broadcast_in_dim3A_1052 = vector.broadcast %jit3A_1051 : f32 to vector<16xf32>
    %select_n3A_1053 = arith.select %eq3A_1050, %broadcast_in_dim3A_1052, %div3A_1037 : vector<16xi1>, vector<16xf32>
    %eq3A_1054 = arith.cmpi eq, %select_n3A_1049, %broadcast_in_dim3A_5 : vector<16xi32>
    %jit3A_1055 = arith.constant -1.000000e+00 : f32
    %broadcast_in_dim3A_1056 = vector.broadcast %jit3A_1055 : f32 to vector<16xf32>
    %select_n3A_1057 = arith.select %eq3A_1054, %broadcast_in_dim3A_1056, %div3A_1038 : vector<16xi1>, vector<16xf32>
    %eq3A_1058 = arith.cmpi eq, %select_n3A_1049, %broadcast_in_dim3A_7 : vector<16xi32>
    %jit3A_1059 = arith.constant -1.000000e+00 : f32
    %broadcast_in_dim3A_1060 = vector.broadcast %jit3A_1059 : f32 to vector<16xf32>
    %select_n3A_1061 = arith.select %eq3A_1058, %broadcast_in_dim3A_1060, %div3A_1039 : vector<16xi1>, vector<16xf32>
    %eq3A_1062 = arith.cmpi eq, %select_n3A_1049, %broadcast_in_dim3A_9 : vector<16xi32>
    %jit3A_1063 = arith.constant -1.000000e+00 : f32
    %broadcast_in_dim3A_1064 = vector.broadcast %jit3A_1063 : f32 to vector<16xf32>
    %select_n3A_1065 = arith.select %eq3A_1062, %broadcast_in_dim3A_1064, %div3A_1040 : vector<16xi1>, vector<16xf32>
    %max3A_1066 = arith.maximumf %select_n3A_1053, %select_n3A_1057 : vector<16xf32>
    %max3A_1067 = arith.maximumf %select_n3A_1061, %select_n3A_1065 : vector<16xf32>
    %max3A_1068 = arith.maximumf %max3A_1066, %max3A_1067 : vector<16xf32>
    %eq3A_1069 = arith.cmpf oeq, %select_n3A_1053, %max3A_1068 : vector<16xf32>
    %eq3A_1070 = arith.cmpf oeq, %select_n3A_1057, %max3A_1068 : vector<16xf32>
    %eq3A_1071 = arith.cmpf oeq, %select_n3A_1061, %max3A_1068 : vector<16xf32>
    %select_n3A_1072 = arith.select %eq3A_1071, %broadcast_in_dim3A_7, %broadcast_in_dim3A_9 : vector<16xi1>, vector<16xi32>
    %select_n3A_1073 = arith.select %eq3A_1070, %broadcast_in_dim3A_5, %select_n3A_1072 : vector<16xi1>, vector<16xi32>
    %select_n3A_1074 = arith.select %eq3A_1069, %broadcast_in_dim3A_3, %select_n3A_1073 : vector<16xi1>, vector<16xi32>
    %add3A_1075 = arith.addf %max3A_1043, %max3A_1068 : vector<16xf32>
    %add3A_1076 = arith.constant 1.000000e-07 : f32
    %add3A_1077 = vector.broadcast %add3A_1076 : f32 to vector<16xf32>
    %add3A_1078 = arith.addf %add3A_1075, %add3A_1077 : vector<16xf32>
    %div3A_1079 = arith.constant 1.000000e+00 : f32
    %div3A_1080 = vector.broadcast %div3A_1079 : f32 to vector<16xf32>
    %div3A_1081 = arith.divf %div3A_1080, %add3A_1078 : vector<16xf32>
    %mul3A_1082 = arith.mulf %div3A_1021, %max3A_1043 : vector<16xf32>
    %mul3A_1083 = arith.mulf %mul3A_1082, %div3A_1081 : vector<16xf32>
    %mul3A_1084 = arith.mulf %div3A_1021, %max3A_1068 : vector<16xf32>
    %mul3A_1085 = arith.mulf %mul3A_1084, %div3A_1081 : vector<16xf32>
    %eq3A_1086 = arith.cmpi eq, %select_n3A_1049, %broadcast_in_dim3A_3 : vector<16xi32>
    %jit3A_1087 = arith.constant 0.000000e+00 : f32
    %broadcast_in_dim3A_1088 = vector.broadcast %jit3A_1087 : f32 to vector<16xf32>
    %select_n3A_1089 = arith.select %eq3A_1086, %mul3A_1083, %broadcast_in_dim3A_1088 : vector<16xi1>, vector<16xf32>
    %eq3A_1090 = arith.cmpi eq, %select_n3A_1074, %broadcast_in_dim3A_3 : vector<16xi32>
    %jit3A_1091 = arith.constant 0.000000e+00 : f32
    %broadcast_in_dim3A_1092 = vector.broadcast %jit3A_1091 : f32 to vector<16xf32>
    %select_n3A_1093 = arith.select %eq3A_1090, %mul3A_1085, %broadcast_in_dim3A_1092 : vector<16xi1>, vector<16xf32>
    %add3A_1094 = arith.addf %select_n3A_1089, %select_n3A_1093 : vector<16xf32>
    %jit3A_1095 = arith.constant 0.000000e+00 : f32
    %broadcast_in_dim3A_1096 = vector.broadcast %jit3A_1095 : f32 to vector<16xf32>
    %select_n3A_1097 = arith.select %gt3A_1022, %broadcast_in_dim3A_1096, %add3A_1094 : vector<16xi1>, vector<16xf32>
    %swap3A_1098 = arith.constant 0 : i32
    %swap3A_1099 = arith.index_cast %swap3A_1098 : i32 to index
    %swap3A_1100 = arith.constant 64 : index
    %swap3A_1101 = tpu.vector_load %arg5[%swap3A_1099, %swap3A_1100] {strides = array<i32>} : memref<8x128xf32, #tpu.memory_space<vmem>>, vector<1x16xf32>,
    %swap3A_1102 = vector.shape_cast %swap3A_1101 : vector<1x16xf32> to vector<16xf32>
    %swap3A_1103 = vector.shape_cast %select_n3A_1097 : vector<16xf32> to vector<1x16xf32>
    tpu.vector_store %arg5[%swap3A_1099, %swap3A_1100], %swap3A_1103 {strides = array<i32>} : memref<8x128xf32, #tpu.memory_space<vmem>>, vector<1x16xf32>,
    %eq3A_1104 = arith.cmpi eq, %select_n3A_1049, %broadcast_in_dim3A_5 : vector<16xi32>
    %jit3A_1105 = arith.constant 0.000000e+00 : f32
    %broadcast_in_dim3A_1106 = vector.broadcast %jit3A_1105 : f32 to vector<16xf32>
    %select_n3A_1107 = arith.select %eq3A_1104, %mul3A_1083, %broadcast_in_dim3A_1106 : vector<16xi1>, vector<16xf32>
    %eq3A_1108 = arith.cmpi eq, %select_n3A_1074, %broadcast_in_dim3A_5 : vector<16xi32>
    %jit3A_1109 = arith.constant 0.000000e+00 : f32
    %broadcast_in_dim3A_1110 = vector.broadcast %jit3A_1109 : f32 to vector<16xf32>
    %select_n3A_1111 = arith.select %eq3A_1108, %mul3A_1085, %broadcast_in_dim3A_1110 : vector<16xi1>, vector<16xf32>
    %add3A_1112 = arith.addf %select_n3A_1107, %select_n3A_1111 : vector<16xf32>
    %jit3A_1113 = arith.constant 0.000000e+00 : f32
    %broadcast_in_dim3A_1114 = vector.broadcast %jit3A_1113 : f32 to vector<16xf32>
    %select_n3A_1115 = arith.select %gt3A_1022, %broadcast_in_dim3A_1114, %add3A_1112 : vector<16xi1>, vector<16xf32>
    %swap3A_1116 = arith.constant 1 : i32
    %swap3A_1117 = arith.index_cast %swap3A_1116 : i32 to index
    %swap3A_1118 = arith.constant 64 : index
    %swap3A_1119 = tpu.vector_load %arg5[%swap3A_1117, %swap3A_1118] {strides = array<i32>} : memref<8x128xf32, #tpu.memory_space<vmem>>, vector<1x16xf32>,
    %swap3A_1120 = vector.shape_cast %swap3A_1119 : vector<1x16xf32> to vector<16xf32>
    %swap3A_1121 = vector.shape_cast %select_n3A_1115 : vector<16xf32> to vector<1x16xf32>
    tpu.vector_store %arg5[%swap3A_1117, %swap3A_1118], %swap3A_1121 {strides = array<i32>} : memref<8x128xf32, #tpu.memory_space<vmem>>, vector<1x16xf32>,
    %eq3A_1122 = arith.cmpi eq, %select_n3A_1049, %broadcast_in_dim3A_7 : vector<16xi32>
    %jit3A_1123 = arith.constant 0.000000e+00 : f32
    %broadcast_in_dim3A_1124 = vector.broadcast %jit3A_1123 : f32 to vector<16xf32>
    %select_n3A_1125 = arith.select %eq3A_1122, %mul3A_1083, %broadcast_in_dim3A_1124 : vector<16xi1>, vector<16xf32>
    %eq3A_1126 = arith.cmpi eq, %select_n3A_1074, %broadcast_in_dim3A_7 : vector<16xi32>
    %jit3A_1127 = arith.constant 0.000000e+00 : f32
    %broadcast_in_dim3A_1128 = vector.broadcast %jit3A_1127 : f32 to vector<16xf32>
    %select_n3A_1129 = arith.select %eq3A_1126, %mul3A_1085, %broadcast_in_dim3A_1128 : vector<16xi1>, vector<16xf32>
    %add3A_1130 = arith.addf %select_n3A_1125, %select_n3A_1129 : vector<16xf32>
    %jit3A_1131 = arith.constant 0.000000e+00 : f32
    %broadcast_in_dim3A_1132 = vector.broadcast %jit3A_1131 : f32 to vector<16xf32>
    %select_n3A_1133 = arith.select %gt3A_1022, %broadcast_in_dim3A_1132, %add3A_1130 : vector<16xi1>, vector<16xf32>
    %swap3A_1134 = arith.constant 2 : i32
    %swap3A_1135 = arith.index_cast %swap3A_1134 : i32 to index
    %swap3A_1136 = arith.constant 64 : index
    %swap3A_1137 = tpu.vector_load %arg5[%swap3A_1135, %swap3A_1136] {strides = array<i32>} : memref<8x128xf32, #tpu.memory_space<vmem>>, vector<1x16xf32>,
    %swap3A_1138 = vector.shape_cast %swap3A_1137 : vector<1x16xf32> to vector<16xf32>
    %swap3A_1139 = vector.shape_cast %select_n3A_1133 : vector<16xf32> to vector<1x16xf32>
    tpu.vector_store %arg5[%swap3A_1135, %swap3A_1136], %swap3A_1139 {strides = array<i32>} : memref<8x128xf32, #tpu.memory_space<vmem>>, vector<1x16xf32>,
    %eq3A_1140 = arith.cmpi eq, %select_n3A_1049, %broadcast_in_dim3A_9 : vector<16xi32>
    %jit3A_1141 = arith.constant 0.000000e+00 : f32
    %broadcast_in_dim3A_1142 = vector.broadcast %jit3A_1141 : f32 to vector<16xf32>
    %select_n3A_1143 = arith.select %eq3A_1140, %mul3A_1083, %broadcast_in_dim3A_1142 : vector<16xi1>, vector<16xf32>
    %eq3A_1144 = arith.cmpi eq, %select_n3A_1074, %broadcast_in_dim3A_9 : vector<16xi32>
    %jit3A_1145 = arith.constant 0.000000e+00 : f32
    %broadcast_in_dim3A_1146 = vector.broadcast %jit3A_1145 : f32 to vector<16xf32>
    %select_n3A_1147 = arith.select %eq3A_1144, %mul3A_1085, %broadcast_in_dim3A_1146 : vector<16xi1>, vector<16xf32>
    %add3A_1148 = arith.addf %select_n3A_1143, %select_n3A_1147 : vector<16xf32>
    %jit3A_1149 = arith.constant 0.000000e+00 : f32
    %broadcast_in_dim3A_1150 = vector.broadcast %jit3A_1149 : f32 to vector<16xf32>
    %select_n3A_1151 = arith.select %gt3A_1022, %broadcast_in_dim3A_1150, %add3A_1148 : vector<16xi1>, vector<16xf32>
    %swap3A_1152 = arith.constant 3 : i32
    %swap3A_1153 = arith.index_cast %swap3A_1152 : i32 to index
    %swap3A_1154 = arith.constant 64 : index
    %swap3A_1155 = tpu.vector_load %arg5[%swap3A_1153, %swap3A_1154] {strides = array<i32>} : memref<8x128xf32, #tpu.memory_space<vmem>>, vector<1x16xf32>,
    %swap3A_1156 = vector.shape_cast %swap3A_1155 : vector<1x16xf32> to vector<16xf32>
    %swap3A_1157 = vector.shape_cast %select_n3A_1151 : vector<16xf32> to vector<1x16xf32>
    tpu.vector_store %arg5[%swap3A_1153, %swap3A_1154], %swap3A_1157 {strides = array<i32>} : memref<8x128xf32, #tpu.memory_space<vmem>>, vector<1x16xf32>,
    %eq3A_1158 = arith.cmpi eq, %select_n3A_1049, %broadcast_in_dim3A_3 : vector<16xi32>
    %jit3A_1159 = arith.constant 0.000000e+00 : f32
    %broadcast_in_dim3A_1160 = vector.broadcast %jit3A_1159 : f32 to vector<16xf32>
    %select_n3A_1161 = arith.select %eq3A_1158, %mul3A_1083, %broadcast_in_dim3A_1160 : vector<16xi1>, vector<16xf32>
    %eq3A_1162 = arith.cmpi eq, %select_n3A_1074, %broadcast_in_dim3A_3 : vector<16xi32>
    %jit3A_1163 = arith.constant 0.000000e+00 : f32
    %broadcast_in_dim3A_1164 = vector.broadcast %jit3A_1163 : f32 to vector<16xf32>
    %select_n3A_1165 = arith.select %eq3A_1162, %mul3A_1085, %broadcast_in_dim3A_1164 : vector<16xi1>, vector<16xf32>
    %add3A_1166 = arith.addf %select_n3A_1161, %select_n3A_1165 : vector<16xf32>
    %jit3A_1167 = arith.constant 0.000000e+00 : f32
    %broadcast_in_dim3A_1168 = vector.broadcast %jit3A_1167 : f32 to vector<16xf32>
    %select_n3A_1169 = arith.select %gt3A_1022, %add3A_1166, %broadcast_in_dim3A_1168 : vector<16xi1>, vector<16xf32>
    %swap3A_1170 = arith.constant 4 : i32
    %swap3A_1171 = arith.index_cast %swap3A_1170 : i32 to index
    %swap3A_1172 = arith.constant 64 : index
    %swap3A_1173 = tpu.vector_load %arg5[%swap3A_1171, %swap3A_1172] {strides = array<i32>} : memref<8x128xf32, #tpu.memory_space<vmem>>, vector<1x16xf32>,
    %swap3A_1174 = vector.shape_cast %swap3A_1173 : vector<1x16xf32> to vector<16xf32>
    %swap3A_1175 = vector.shape_cast %select_n3A_1169 : vector<16xf32> to vector<1x16xf32>
    tpu.vector_store %arg5[%swap3A_1171, %swap3A_1172], %swap3A_1175 {strides = array<i32>} : memref<8x128xf32, #tpu.memory_space<vmem>>, vector<1x16xf32>,
    %eq3A_1176 = arith.cmpi eq, %select_n3A_1049, %broadcast_in_dim3A_5 : vector<16xi32>
    %jit3A_1177 = arith.constant 0.000000e+00 : f32
    %broadcast_in_dim3A_1178 = vector.broadcast %jit3A_1177 : f32 to vector<16xf32>
    %select_n3A_1179 = arith.select %eq3A_1176, %mul3A_1083, %broadcast_in_dim3A_1178 : vector<16xi1>, vector<16xf32>
    %eq3A_1180 = arith.cmpi eq, %select_n3A_1074, %broadcast_in_dim3A_5 : vector<16xi32>
    %jit3A_1181 = arith.constant 0.000000e+00 : f32
    %broadcast_in_dim3A_1182 = vector.broadcast %jit3A_1181 : f32 to vector<16xf32>
    %select_n3A_1183 = arith.select %eq3A_1180, %mul3A_1085, %broadcast_in_dim3A_1182 : vector<16xi1>, vector<16xf32>
    %add3A_1184 = arith.addf %select_n3A_1179, %select_n3A_1183 : vector<16xf32>
    %jit3A_1185 = arith.constant 0.000000e+00 : f32
    %broadcast_in_dim3A_1186 = vector.broadcast %jit3A_1185 : f32 to vector<16xf32>
    %select_n3A_1187 = arith.select %gt3A_1022, %add3A_1184, %broadcast_in_dim3A_1186 : vector<16xi1>, vector<16xf32>
    %swap3A_1188 = arith.constant 5 : i32
    %swap3A_1189 = arith.index_cast %swap3A_1188 : i32 to index
    %swap3A_1190 = arith.constant 64 : index
    %swap3A_1191 = tpu.vector_load %arg5[%swap3A_1189, %swap3A_1190] {strides = array<i32>} : memref<8x128xf32, #tpu.memory_space<vmem>>, vector<1x16xf32>,
    %swap3A_1192 = vector.shape_cast %swap3A_1191 : vector<1x16xf32> to vector<16xf32>
    %swap3A_1193 = vector.shape_cast %select_n3A_1187 : vector<16xf32> to vector<1x16xf32>
    tpu.vector_store %arg5[%swap3A_1189, %swap3A_1190], %swap3A_1193 {strides = array<i32>} : memref<8x128xf32, #tpu.memory_space<vmem>>, vector<1x16xf32>,
    %eq3A_1194 = arith.cmpi eq, %select_n3A_1049, %broadcast_in_dim3A_7 : vector<16xi32>
    %jit3A_1195 = arith.constant 0.000000e+00 : f32
    %broadcast_in_dim3A_1196 = vector.broadcast %jit3A_1195 : f32 to vector<16xf32>
    %select_n3A_1197 = arith.select %eq3A_1194, %mul3A_1083, %broadcast_in_dim3A_1196 : vector<16xi1>, vector<16xf32>
    %eq3A_1198 = arith.cmpi eq, %select_n3A_1074, %broadcast_in_dim3A_7 : vector<16xi32>
    %jit3A_1199 = arith.constant 0.000000e+00 : f32
    %broadcast_in_dim3A_1200 = vector.broadcast %jit3A_1199 : f32 to vector<16xf32>
    %select_n3A_1201 = arith.select %eq3A_1198, %mul3A_1085, %broadcast_in_dim3A_1200 : vector<16xi1>, vector<16xf32>
    %add3A_1202 = arith.addf %select_n3A_1197, %select_n3A_1201 : vector<16xf32>
    %jit3A_1203 = arith.constant 0.000000e+00 : f32
    %broadcast_in_dim3A_1204 = vector.broadcast %jit3A_1203 : f32 to vector<16xf32>
    %select_n3A_1205 = arith.select %gt3A_1022, %add3A_1202, %broadcast_in_dim3A_1204 : vector<16xi1>, vector<16xf32>
    %swap3A_1206 = arith.constant 6 : i32
    %swap3A_1207 = arith.index_cast %swap3A_1206 : i32 to index
    %swap3A_1208 = arith.constant 64 : index
    %swap3A_1209 = tpu.vector_load %arg5[%swap3A_1207, %swap3A_1208] {strides = array<i32>} : memref<8x128xf32, #tpu.memory_space<vmem>>, vector<1x16xf32>,
    %swap3A_1210 = vector.shape_cast %swap3A_1209 : vector<1x16xf32> to vector<16xf32>
    %swap3A_1211 = vector.shape_cast %select_n3A_1205 : vector<16xf32> to vector<1x16xf32>
    tpu.vector_store %arg5[%swap3A_1207, %swap3A_1208], %swap3A_1211 {strides = array<i32>} : memref<8x128xf32, #tpu.memory_space<vmem>>, vector<1x16xf32>,
    %eq3A_1212 = arith.cmpi eq, %select_n3A_1049, %broadcast_in_dim3A_9 : vector<16xi32>
    %jit3A_1213 = arith.constant 0.000000e+00 : f32
    %broadcast_in_dim3A_1214 = vector.broadcast %jit3A_1213 : f32 to vector<16xf32>
    %select_n3A_1215 = arith.select %eq3A_1212, %mul3A_1083, %broadcast_in_dim3A_1214 : vector<16xi1>, vector<16xf32>
    %eq3A_1216 = arith.cmpi eq, %select_n3A_1074, %broadcast_in_dim3A_9 : vector<16xi32>
    %jit3A_1217 = arith.constant 0.000000e+00 : f32
    %broadcast_in_dim3A_1218 = vector.broadcast %jit3A_1217 : f32 to vector<16xf32>
    %select_n3A_1219 = arith.select %eq3A_1216, %mul3A_1085, %broadcast_in_dim3A_1218 : vector<16xi1>, vector<16xf32>
    %add3A_1220 = arith.addf %select_n3A_1215, %select_n3A_1219 : vector<16xf32>
    %jit3A_1221 = arith.constant 0.000000e+00 : f32
    %broadcast_in_dim3A_1222 = vector.broadcast %jit3A_1221 : f32 to vector<16xf32>
    %select_n3A_1223 = arith.select %gt3A_1022, %add3A_1220, %broadcast_in_dim3A_1222 : vector<16xi1>, vector<16xf32>
    %swap3A_1224 = arith.constant 7 : i32
    %swap3A_1225 = arith.index_cast %swap3A_1224 : i32 to index
    %swap3A_1226 = arith.constant 64 : index
    %swap3A_1227 = tpu.vector_load %arg5[%swap3A_1225, %swap3A_1226] {strides = array<i32>} : memref<8x128xf32, #tpu.memory_space<vmem>>, vector<1x16xf32>,
    %swap3A_1228 = vector.shape_cast %swap3A_1227 : vector<1x16xf32> to vector<16xf32>
    %swap3A_1229 = vector.shape_cast %select_n3A_1223 : vector<16xf32> to vector<1x16xf32>
    tpu.vector_store %arg5[%swap3A_1225, %swap3A_1226], %swap3A_1229 {strides = array<i32>} : memref<8x128xf32, #tpu.memory_space<vmem>>, vector<1x16xf32>,
    %get3A_1230 = arith.constant 0 : i32
    %get3A_1231 = arith.index_cast %get3A_1230 : i32 to index
    %get3A_1232 = arith.constant 80 : index
    %get3A_1233 = tpu.vector_load %arg4[%get3A_1231, %get3A_1232] {strides = array<i32>} : memref<8x128xf32, #tpu.memory_space<vmem>>, vector<1x16xf32>,
    %get3A_1234 = vector.shape_cast %get3A_1233 : vector<1x16xf32> to vector<16xf32>
    %get3A_1235 = arith.constant 1 : i32
    %get3A_1236 = arith.index_cast %get3A_1235 : i32 to index
    %get3A_1237 = arith.constant 80 : index
    %get3A_1238 = tpu.vector_load %arg4[%get3A_1236, %get3A_1237] {strides = array<i32>} : memref<8x128xf32, #tpu.memory_space<vmem>>, vector<1x16xf32>,
    %get3A_1239 = vector.shape_cast %get3A_1238 : vector<1x16xf32> to vector<16xf32>
    %get3A_1240 = arith.constant 2 : i32
    %get3A_1241 = arith.index_cast %get3A_1240 : i32 to index
    %get3A_1242 = arith.constant 80 : index
    %get3A_1243 = tpu.vector_load %arg4[%get3A_1241, %get3A_1242] {strides = array<i32>} : memref<8x128xf32, #tpu.memory_space<vmem>>, vector<1x16xf32>,
    %get3A_1244 = vector.shape_cast %get3A_1243 : vector<1x16xf32> to vector<16xf32>
    %get3A_1245 = arith.constant 3 : i32
    %get3A_1246 = arith.index_cast %get3A_1245 : i32 to index
    %get3A_1247 = arith.constant 80 : index
    %get3A_1248 = tpu.vector_load %arg4[%get3A_1246, %get3A_1247] {strides = array<i32>} : memref<8x128xf32, #tpu.memory_space<vmem>>, vector<1x16xf32>,
    %get3A_1249 = vector.shape_cast %get3A_1248 : vector<1x16xf32> to vector<16xf32>
    %get3A_1250 = arith.constant 4 : i32
    %get3A_1251 = arith.index_cast %get3A_1250 : i32 to index
    %get3A_1252 = arith.constant 80 : index
    %get3A_1253 = tpu.vector_load %arg4[%get3A_1251, %get3A_1252] {strides = array<i32>} : memref<8x128xf32, #tpu.memory_space<vmem>>, vector<1x16xf32>,
    %get3A_1254 = vector.shape_cast %get3A_1253 : vector<1x16xf32> to vector<16xf32>
    %get3A_1255 = arith.constant 5 : i32
    %get3A_1256 = arith.index_cast %get3A_1255 : i32 to index
    %get3A_1257 = arith.constant 80 : index
    %get3A_1258 = tpu.vector_load %arg4[%get3A_1256, %get3A_1257] {strides = array<i32>} : memref<8x128xf32, #tpu.memory_space<vmem>>, vector<1x16xf32>,
    %get3A_1259 = vector.shape_cast %get3A_1258 : vector<1x16xf32> to vector<16xf32>
    %max3A_1260 = arith.maximumf %get3A_1234, %get3A_1239 : vector<16xf32>
    %sub3A_1261 = arith.subf %get3A_1234, %max3A_1260 : vector<16xf32>
    %exp3A_1262 = math.exp %sub3A_1261 : vector<16xf32>
    %sub3A_1263 = arith.subf %get3A_1239, %max3A_1260 : vector<16xf32>
    %exp3A_1264 = math.exp %sub3A_1263 : vector<16xf32>
    %max3A_1265 = arith.maximumf %exp3A_1262, %exp3A_1264 : vector<16xf32>
    %add3A_1266 = arith.addf %exp3A_1262, %exp3A_1264 : vector<16xf32>
    %div3A_1267 = arith.divf %max3A_1265, %add3A_1266 : vector<16xf32>
    %gt3A_1268 = arith.cmpf ogt, %get3A_1239, %get3A_1234 : vector<16xf32>
    %max3A_1269 = arith.maximumf %get3A_1244, %get3A_1249 : vector<16xf32>
    %max3A_1270 = arith.maximumf %get3A_1254, %get3A_1259 : vector<16xf32>
    %max3A_1271 = arith.maximumf %max3A_1269, %max3A_1270 : vector<16xf32>
    %sub3A_1272 = arith.subf %get3A_1244, %max3A_1271 : vector<16xf32>
    %exp3A_1273 = math.exp %sub3A_1272 : vector<16xf32>
    %sub3A_1274 = arith.subf %get3A_1249, %max3A_1271 : vector<16xf32>
    %exp3A_1275 = math.exp %sub3A_1274 : vector<16xf32>
    %sub3A_1276 = arith.subf %get3A_1254, %max3A_1271 : vector<16xf32>
    %exp3A_1277 = math.exp %sub3A_1276 : vector<16xf32>
    %sub3A_1278 = arith.subf %get3A_1259, %max3A_1271 : vector<16xf32>
    %exp3A_1279 = math.exp %sub3A_1278 : vector<16xf32>
    %add3A_1280 = arith.addf %exp3A_1273, %exp3A_1275 : vector<16xf32>
    %add3A_1281 = arith.addf %exp3A_1277, %exp3A_1279 : vector<16xf32>
    %add3A_1282 = arith.addf %add3A_1280, %add3A_1281 : vector<16xf32>
    %div3A_1283 = arith.divf %exp3A_1273, %add3A_1282 : vector<16xf32>
    %div3A_1284 = arith.divf %exp3A_1275, %add3A_1282 : vector<16xf32>
    %div3A_1285 = arith.divf %exp3A_1277, %add3A_1282 : vector<16xf32>
    %div3A_1286 = arith.divf %exp3A_1279, %add3A_1282 : vector<16xf32>
    %max3A_1287 = arith.maximumf %div3A_1283, %div3A_1284 : vector<16xf32>
    %max3A_1288 = arith.maximumf %div3A_1285, %div3A_1286 : vector<16xf32>
    %max3A_1289 = arith.maximumf %max3A_1287, %max3A_1288 : vector<16xf32>
    %eq3A_1290 = arith.cmpf oeq, %div3A_1283, %max3A_1289 : vector<16xf32>
    %eq3A_1291 = arith.cmpf oeq, %div3A_1284, %max3A_1289 : vector<16xf32>
    %eq3A_1292 = arith.cmpf oeq, %div3A_1285, %max3A_1289 : vector<16xf32>
    %select_n3A_1293 = arith.select %eq3A_1292, %broadcast_in_dim3A_7, %broadcast_in_dim3A_9 : vector<16xi1>, vector<16xi32>
    %select_n3A_1294 = arith.select %eq3A_1291, %broadcast_in_dim3A_5, %select_n3A_1293 : vector<16xi1>, vector<16xi32>
    %select_n3A_1295 = arith.select %eq3A_1290, %broadcast_in_dim3A_3, %select_n3A_1294 : vector<16xi1>, vector<16xi32>
    %eq3A_1296 = arith.cmpi eq, %select_n3A_1295, %broadcast_in_dim3A_3 : vector<16xi32>
    %jit3A_1297 = arith.constant -1.000000e+00 : f32
    %broadcast_in_dim3A_1298 = vector.broadcast %jit3A_1297 : f32 to vector<16xf32>
    %select_n3A_1299 = arith.select %eq3A_1296, %broadcast_in_dim3A_1298, %div3A_1283 : vector<16xi1>, vector<16xf32>
    %eq3A_1300 = arith.cmpi eq, %select_n3A_1295, %broadcast_in_dim3A_5 : vector<16xi32>
    %jit3A_1301 = arith.constant -1.000000e+00 : f32
    %broadcast_in_dim3A_1302 = vector.broadcast %jit3A_1301 : f32 to vector<16xf32>
    %select_n3A_1303 = arith.select %eq3A_1300, %broadcast_in_dim3A_1302, %div3A_1284 : vector<16xi1>, vector<16xf32>
    %eq3A_1304 = arith.cmpi eq, %select_n3A_1295, %broadcast_in_dim3A_7 : vector<16xi32>
    %jit3A_1305 = arith.constant -1.000000e+00 : f32
    %broadcast_in_dim3A_1306 = vector.broadcast %jit3A_1305 : f32 to vector<16xf32>
    %select_n3A_1307 = arith.select %eq3A_1304, %broadcast_in_dim3A_1306, %div3A_1285 : vector<16xi1>, vector<16xf32>
    %eq3A_1308 = arith.cmpi eq, %select_n3A_1295, %broadcast_in_dim3A_9 : vector<16xi32>
    %jit3A_1309 = arith.constant -1.000000e+00 : f32
    %broadcast_in_dim3A_1310 = vector.broadcast %jit3A_1309 : f32 to vector<16xf32>
    %select_n3A_1311 = arith.select %eq3A_1308, %broadcast_in_dim3A_1310, %div3A_1286 : vector<16xi1>, vector<16xf32>
    %max3A_1312 = arith.maximumf %select_n3A_1299, %select_n3A_1303 : vector<16xf32>
    %max3A_1313 = arith.maximumf %select_n3A_1307, %select_n3A_1311 : vector<16xf32>
    %max3A_1314 = arith.maximumf %max3A_1312, %max3A_1313 : vector<16xf32>
    %eq3A_1315 = arith.cmpf oeq, %select_n3A_1299, %max3A_1314 : vector<16xf32>
    %eq3A_1316 = arith.cmpf oeq, %select_n3A_1303, %max3A_1314 : vector<16xf32>
    %eq3A_1317 = arith.cmpf oeq, %select_n3A_1307, %max3A_1314 : vector<16xf32>
    %select_n3A_1318 = arith.select %eq3A_1317, %broadcast_in_dim3A_7, %broadcast_in_dim3A_9 : vector<16xi1>, vector<16xi32>
    %select_n3A_1319 = arith.select %eq3A_1316, %broadcast_in_dim3A_5, %select_n3A_1318 : vector<16xi1>, vector<16xi32>
    %select_n3A_1320 = arith.select %eq3A_1315, %broadcast_in_dim3A_3, %select_n3A_1319 : vector<16xi1>, vector<16xi32>
    %add3A_1321 = arith.addf %max3A_1289, %max3A_1314 : vector<16xf32>
    %add3A_1322 = arith.constant 1.000000e-07 : f32
    %add3A_1323 = vector.broadcast %add3A_1322 : f32 to vector<16xf32>
    %add3A_1324 = arith.addf %add3A_1321, %add3A_1323 : vector<16xf32>
    %div3A_1325 = arith.constant 1.000000e+00 : f32
    %div3A_1326 = vector.broadcast %div3A_1325 : f32 to vector<16xf32>
    %div3A_1327 = arith.divf %div3A_1326, %add3A_1324 : vector<16xf32>
    %mul3A_1328 = arith.mulf %div3A_1267, %max3A_1289 : vector<16xf32>
    %mul3A_1329 = arith.mulf %mul3A_1328, %div3A_1327 : vector<16xf32>
    %mul3A_1330 = arith.mulf %div3A_1267, %max3A_1314 : vector<16xf32>
    %mul3A_1331 = arith.mulf %mul3A_1330, %div3A_1327 : vector<16xf32>
    %eq3A_1332 = arith.cmpi eq, %select_n3A_1295, %broadcast_in_dim3A_3 : vector<16xi32>
    %jit3A_1333 = arith.constant 0.000000e+00 : f32
    %broadcast_in_dim3A_1334 = vector.broadcast %jit3A_1333 : f32 to vector<16xf32>
    %select_n3A_1335 = arith.select %eq3A_1332, %mul3A_1329, %broadcast_in_dim3A_1334 : vector<16xi1>, vector<16xf32>
    %eq3A_1336 = arith.cmpi eq, %select_n3A_1320, %broadcast_in_dim3A_3 : vector<16xi32>
    %jit3A_1337 = arith.constant 0.000000e+00 : f32
    %broadcast_in_dim3A_1338 = vector.broadcast %jit3A_1337 : f32 to vector<16xf32>
    %select_n3A_1339 = arith.select %eq3A_1336, %mul3A_1331, %broadcast_in_dim3A_1338 : vector<16xi1>, vector<16xf32>
    %add3A_1340 = arith.addf %select_n3A_1335, %select_n3A_1339 : vector<16xf32>
    %jit3A_1341 = arith.constant 0.000000e+00 : f32
    %broadcast_in_dim3A_1342 = vector.broadcast %jit3A_1341 : f32 to vector<16xf32>
    %select_n3A_1343 = arith.select %gt3A_1268, %broadcast_in_dim3A_1342, %add3A_1340 : vector<16xi1>, vector<16xf32>
    %swap3A_1344 = arith.constant 0 : i32
    %swap3A_1345 = arith.index_cast %swap3A_1344 : i32 to index
    %swap3A_1346 = arith.constant 80 : index
    %swap3A_1347 = tpu.vector_load %arg5[%swap3A_1345, %swap3A_1346] {strides = array<i32>} : memref<8x128xf32, #tpu.memory_space<vmem>>, vector<1x16xf32>,
    %swap3A_1348 = vector.shape_cast %swap3A_1347 : vector<1x16xf32> to vector<16xf32>
    %swap3A_1349 = vector.shape_cast %select_n3A_1343 : vector<16xf32> to vector<1x16xf32>
    tpu.vector_store %arg5[%swap3A_1345, %swap3A_1346], %swap3A_1349 {strides = array<i32>} : memref<8x128xf32, #tpu.memory_space<vmem>>, vector<1x16xf32>,
    %eq3A_1350 = arith.cmpi eq, %select_n3A_1295, %broadcast_in_dim3A_5 : vector<16xi32>
    %jit3A_1351 = arith.constant 0.000000e+00 : f32
    %broadcast_in_dim3A_1352 = vector.broadcast %jit3A_1351 : f32 to vector<16xf32>
    %select_n3A_1353 = arith.select %eq3A_1350, %mul3A_1329, %broadcast_in_dim3A_1352 : vector<16xi1>, vector<16xf32>
    %eq3A_1354 = arith.cmpi eq, %select_n3A_1320, %broadcast_in_dim3A_5 : vector<16xi32>
    %jit3A_1355 = arith.constant 0.000000e+00 : f32
    %broadcast_in_dim3A_1356 = vector.broadcast %jit3A_1355 : f32 to vector<16xf32>
    %select_n3A_1357 = arith.select %eq3A_1354, %mul3A_1331, %broadcast_in_dim3A_1356 : vector<16xi1>, vector<16xf32>
    %add3A_1358 = arith.addf %select_n3A_1353, %select_n3A_1357 : vector<16xf32>
    %jit3A_1359 = arith.constant 0.000000e+00 : f32
    %broadcast_in_dim3A_1360 = vector.broadcast %jit3A_1359 : f32 to vector<16xf32>
    %select_n3A_1361 = arith.select %gt3A_1268, %broadcast_in_dim3A_1360, %add3A_1358 : vector<16xi1>, vector<16xf32>
    %swap3A_1362 = arith.constant 1 : i32
    %swap3A_1363 = arith.index_cast %swap3A_1362 : i32 to index
    %swap3A_1364 = arith.constant 80 : index
    %swap3A_1365 = tpu.vector_load %arg5[%swap3A_1363, %swap3A_1364] {strides = array<i32>} : memref<8x128xf32, #tpu.memory_space<vmem>>, vector<1x16xf32>,
    %swap3A_1366 = vector.shape_cast %swap3A_1365 : vector<1x16xf32> to vector<16xf32>
    %swap3A_1367 = vector.shape_cast %select_n3A_1361 : vector<16xf32> to vector<1x16xf32>
    tpu.vector_store %arg5[%swap3A_1363, %swap3A_1364], %swap3A_1367 {strides = array<i32>} : memref<8x128xf32, #tpu.memory_space<vmem>>, vector<1x16xf32>,
    %eq3A_1368 = arith.cmpi eq, %select_n3A_1295, %broadcast_in_dim3A_7 : vector<16xi32>
    %jit3A_1369 = arith.constant 0.000000e+00 : f32
    %broadcast_in_dim3A_1370 = vector.broadcast %jit3A_1369 : f32 to vector<16xf32>
    %select_n3A_1371 = arith.select %eq3A_1368, %mul3A_1329, %broadcast_in_dim3A_1370 : vector<16xi1>, vector<16xf32>
    %eq3A_1372 = arith.cmpi eq, %select_n3A_1320, %broadcast_in_dim3A_7 : vector<16xi32>
    %jit3A_1373 = arith.constant 0.000000e+00 : f32
    %broadcast_in_dim3A_1374 = vector.broadcast %jit3A_1373 : f32 to vector<16xf32>
    %select_n3A_1375 = arith.select %eq3A_1372, %mul3A_1331, %broadcast_in_dim3A_1374 : vector<16xi1>, vector<16xf32>
    %add3A_1376 = arith.addf %select_n3A_1371, %select_n3A_1375 : vector<16xf32>
    %jit3A_1377 = arith.constant 0.000000e+00 : f32
    %broadcast_in_dim3A_1378 = vector.broadcast %jit3A_1377 : f32 to vector<16xf32>
    %select_n3A_1379 = arith.select %gt3A_1268, %broadcast_in_dim3A_1378, %add3A_1376 : vector<16xi1>, vector<16xf32>
    %swap3A_1380 = arith.constant 2 : i32
    %swap3A_1381 = arith.index_cast %swap3A_1380 : i32 to index
    %swap3A_1382 = arith.constant 80 : index
    %swap3A_1383 = tpu.vector_load %arg5[%swap3A_1381, %swap3A_1382] {strides = array<i32>} : memref<8x128xf32, #tpu.memory_space<vmem>>, vector<1x16xf32>,
    %swap3A_1384 = vector.shape_cast %swap3A_1383 : vector<1x16xf32> to vector<16xf32>
    %swap3A_1385 = vector.shape_cast %select_n3A_1379 : vector<16xf32> to vector<1x16xf32>
    tpu.vector_store %arg5[%swap3A_1381, %swap3A_1382], %swap3A_1385 {strides = array<i32>} : memref<8x128xf32, #tpu.memory_space<vmem>>, vector<1x16xf32>,
    %eq3A_1386 = arith.cmpi eq, %select_n3A_1295, %broadcast_in_dim3A_9 : vector<16xi32>
    %jit3A_1387 = arith.constant 0.000000e+00 : f32
    %broadcast_in_dim3A_1388 = vector.broadcast %jit3A_1387 : f32 to vector<16xf32>
    %select_n3A_1389 = arith.select %eq3A_1386, %mul3A_1329, %broadcast_in_dim3A_1388 : vector<16xi1>, vector<16xf32>
    %eq3A_1390 = arith.cmpi eq, %select_n3A_1320, %broadcast_in_dim3A_9 : vector<16xi32>
    %jit3A_1391 = arith.constant 0.000000e+00 : f32
    %broadcast_in_dim3A_1392 = vector.broadcast %jit3A_1391 : f32 to vector<16xf32>
    %select_n3A_1393 = arith.select %eq3A_1390, %mul3A_1331, %broadcast_in_dim3A_1392 : vector<16xi1>, vector<16xf32>
    %add3A_1394 = arith.addf %select_n3A_1389, %select_n3A_1393 : vector<16xf32>
    %jit3A_1395 = arith.constant 0.000000e+00 : f32
    %broadcast_in_dim3A_1396 = vector.broadcast %jit3A_1395 : f32 to vector<16xf32>
    %select_n3A_1397 = arith.select %gt3A_1268, %broadcast_in_dim3A_1396, %add3A_1394 : vector<16xi1>, vector<16xf32>
    %swap3A_1398 = arith.constant 3 : i32
    %swap3A_1399 = arith.index_cast %swap3A_1398 : i32 to index
    %swap3A_1400 = arith.constant 80 : index
    %swap3A_1401 = tpu.vector_load %arg5[%swap3A_1399, %swap3A_1400] {strides = array<i32>} : memref<8x128xf32, #tpu.memory_space<vmem>>, vector<1x16xf32>,
    %swap3A_1402 = vector.shape_cast %swap3A_1401 : vector<1x16xf32> to vector<16xf32>
    %swap3A_1403 = vector.shape_cast %select_n3A_1397 : vector<16xf32> to vector<1x16xf32>
    tpu.vector_store %arg5[%swap3A_1399, %swap3A_1400], %swap3A_1403 {strides = array<i32>} : memref<8x128xf32, #tpu.memory_space<vmem>>, vector<1x16xf32>,
    %eq3A_1404 = arith.cmpi eq, %select_n3A_1295, %broadcast_in_dim3A_3 : vector<16xi32>
    %jit3A_1405 = arith.constant 0.000000e+00 : f32
    %broadcast_in_dim3A_1406 = vector.broadcast %jit3A_1405 : f32 to vector<16xf32>
    %select_n3A_1407 = arith.select %eq3A_1404, %mul3A_1329, %broadcast_in_dim3A_1406 : vector<16xi1>, vector<16xf32>
    %eq3A_1408 = arith.cmpi eq, %select_n3A_1320, %broadcast_in_dim3A_3 : vector<16xi32>
    %jit3A_1409 = arith.constant 0.000000e+00 : f32
    %broadcast_in_dim3A_1410 = vector.broadcast %jit3A_1409 : f32 to vector<16xf32>
    %select_n3A_1411 = arith.select %eq3A_1408, %mul3A_1331, %broadcast_in_dim3A_1410 : vector<16xi1>, vector<16xf32>
    %add3A_1412 = arith.addf %select_n3A_1407, %select_n3A_1411 : vector<16xf32>
    %jit3A_1413 = arith.constant 0.000000e+00 : f32
    %broadcast_in_dim3A_1414 = vector.broadcast %jit3A_1413 : f32 to vector<16xf32>
    %select_n3A_1415 = arith.select %gt3A_1268, %add3A_1412, %broadcast_in_dim3A_1414 : vector<16xi1>, vector<16xf32>
    %swap3A_1416 = arith.constant 4 : i32
    %swap3A_1417 = arith.index_cast %swap3A_1416 : i32 to index
    %swap3A_1418 = arith.constant 80 : index
    %swap3A_1419 = tpu.vector_load %arg5[%swap3A_1417, %swap3A_1418] {strides = array<i32>} : memref<8x128xf32, #tpu.memory_space<vmem>>, vector<1x16xf32>,
    %swap3A_1420 = vector.shape_cast %swap3A_1419 : vector<1x16xf32> to vector<16xf32>
    %swap3A_1421 = vector.shape_cast %select_n3A_1415 : vector<16xf32> to vector<1x16xf32>
    tpu.vector_store %arg5[%swap3A_1417, %swap3A_1418], %swap3A_1421 {strides = array<i32>} : memref<8x128xf32, #tpu.memory_space<vmem>>, vector<1x16xf32>,
    %eq3A_1422 = arith.cmpi eq, %select_n3A_1295, %broadcast_in_dim3A_5 : vector<16xi32>
    %jit3A_1423 = arith.constant 0.000000e+00 : f32
    %broadcast_in_dim3A_1424 = vector.broadcast %jit3A_1423 : f32 to vector<16xf32>
    %select_n3A_1425 = arith.select %eq3A_1422, %mul3A_1329, %broadcast_in_dim3A_1424 : vector<16xi1>, vector<16xf32>
    %eq3A_1426 = arith.cmpi eq, %select_n3A_1320, %broadcast_in_dim3A_5 : vector<16xi32>
    %jit3A_1427 = arith.constant 0.000000e+00 : f32
    %broadcast_in_dim3A_1428 = vector.broadcast %jit3A_1427 : f32 to vector<16xf32>
    %select_n3A_1429 = arith.select %eq3A_1426, %mul3A_1331, %broadcast_in_dim3A_1428 : vector<16xi1>, vector<16xf32>
    %add3A_1430 = arith.addf %select_n3A_1425, %select_n3A_1429 : vector<16xf32>
    %jit3A_1431 = arith.constant 0.000000e+00 : f32
    %broadcast_in_dim3A_1432 = vector.broadcast %jit3A_1431 : f32 to vector<16xf32>
    %select_n3A_1433 = arith.select %gt3A_1268, %add3A_1430, %broadcast_in_dim3A_1432 : vector<16xi1>, vector<16xf32>
    %swap3A_1434 = arith.constant 5 : i32
    %swap3A_1435 = arith.index_cast %swap3A_1434 : i32 to index
    %swap3A_1436 = arith.constant 80 : index
    %swap3A_1437 = tpu.vector_load %arg5[%swap3A_1435, %swap3A_1436] {strides = array<i32>} : memref<8x128xf32, #tpu.memory_space<vmem>>, vector<1x16xf32>,
    %swap3A_1438 = vector.shape_cast %swap3A_1437 : vector<1x16xf32> to vector<16xf32>
    %swap3A_1439 = vector.shape_cast %select_n3A_1433 : vector<16xf32> to vector<1x16xf32>
    tpu.vector_store %arg5[%swap3A_1435, %swap3A_1436], %swap3A_1439 {strides = array<i32>} : memref<8x128xf32, #tpu.memory_space<vmem>>, vector<1x16xf32>,
    %eq3A_1440 = arith.cmpi eq, %select_n3A_1295, %broadcast_in_dim3A_7 : vector<16xi32>
    %jit3A_1441 = arith.constant 0.000000e+00 : f32
    %broadcast_in_dim3A_1442 = vector.broadcast %jit3A_1441 : f32 to vector<16xf32>
    %select_n3A_1443 = arith.select %eq3A_1440, %mul3A_1329, %broadcast_in_dim3A_1442 : vector<16xi1>, vector<16xf32>
    %eq3A_1444 = arith.cmpi eq, %select_n3A_1320, %broadcast_in_dim3A_7 : vector<16xi32>
    %jit3A_1445 = arith.constant 0.000000e+00 : f32
    %broadcast_in_dim3A_1446 = vector.broadcast %jit3A_1445 : f32 to vector<16xf32>
    %select_n3A_1447 = arith.select %eq3A_1444, %mul3A_1331, %broadcast_in_dim3A_1446 : vector<16xi1>, vector<16xf32>
    %add3A_1448 = arith.addf %select_n3A_1443, %select_n3A_1447 : vector<16xf32>
    %jit3A_1449 = arith.constant 0.000000e+00 : f32
    %broadcast_in_dim3A_1450 = vector.broadcast %jit3A_1449 : f32 to vector<16xf32>
    %select_n3A_1451 = arith.select %gt3A_1268, %add3A_1448, %broadcast_in_dim3A_1450 : vector<16xi1>, vector<16xf32>
    %swap3A_1452 = arith.constant 6 : i32
    %swap3A_1453 = arith.index_cast %swap3A_1452 : i32 to index
    %swap3A_1454 = arith.constant 80 : index
    %swap3A_1455 = tpu.vector_load %arg5[%swap3A_1453, %swap3A_1454] {strides = array<i32>} : memref<8x128xf32, #tpu.memory_space<vmem>>, vector<1x16xf32>,
    %swap3A_1456 = vector.shape_cast %swap3A_1455 : vector<1x16xf32> to vector<16xf32>
    %swap3A_1457 = vector.shape_cast %select_n3A_1451 : vector<16xf32> to vector<1x16xf32>
    tpu.vector_store %arg5[%swap3A_1453, %swap3A_1454], %swap3A_1457 {strides = array<i32>} : memref<8x128xf32, #tpu.memory_space<vmem>>, vector<1x16xf32>,
    %eq3A_1458 = arith.cmpi eq, %select_n3A_1295, %broadcast_in_dim3A_9 : vector<16xi32>
    %jit3A_1459 = arith.constant 0.000000e+00 : f32
    %broadcast_in_dim3A_1460 = vector.broadcast %jit3A_1459 : f32 to vector<16xf32>
    %select_n3A_1461 = arith.select %eq3A_1458, %mul3A_1329, %broadcast_in_dim3A_1460 : vector<16xi1>, vector<16xf32>
    %eq3A_1462 = arith.cmpi eq, %select_n3A_1320, %broadcast_in_dim3A_9 : vector<16xi32>
    %jit3A_1463 = arith.constant 0.000000e+00 : f32
    %broadcast_in_dim3A_1464 = vector.broadcast %jit3A_1463 : f32 to vector<16xf32>
    %select_n3A_1465 = arith.select %eq3A_1462, %mul3A_1331, %broadcast_in_dim3A_1464 : vector<16xi1>, vector<16xf32>
    %add3A_1466 = arith.addf %select_n3A_1461, %select_n3A_1465 : vector<16xf32>
    %jit3A_1467 = arith.constant 0.000000e+00 : f32
    %broadcast_in_dim3A_1468 = vector.broadcast %jit3A_1467 : f32 to vector<16xf32>
    %select_n3A_1469 = arith.select %gt3A_1268, %add3A_1466, %broadcast_in_dim3A_1468 : vector<16xi1>, vector<16xf32>
    %swap3A_1470 = arith.constant 7 : i32
    %swap3A_1471 = arith.index_cast %swap3A_1470 : i32 to index
    %swap3A_1472 = arith.constant 80 : index
    %swap3A_1473 = tpu.vector_load %arg5[%swap3A_1471, %swap3A_1472] {strides = array<i32>} : memref<8x128xf32, #tpu.memory_space<vmem>>, vector<1x16xf32>,
    %swap3A_1474 = vector.shape_cast %swap3A_1473 : vector<1x16xf32> to vector<16xf32>
    %swap3A_1475 = vector.shape_cast %select_n3A_1469 : vector<16xf32> to vector<1x16xf32>
    tpu.vector_store %arg5[%swap3A_1471, %swap3A_1472], %swap3A_1475 {strides = array<i32>} : memref<8x128xf32, #tpu.memory_space<vmem>>, vector<1x16xf32>,
    %get3A_1476 = arith.constant 0 : i32
    %get3A_1477 = arith.index_cast %get3A_1476 : i32 to index
    %get3A_1478 = arith.constant 96 : index
    %get3A_1479 = tpu.vector_load %arg4[%get3A_1477, %get3A_1478] {strides = array<i32>} : memref<8x128xf32, #tpu.memory_space<vmem>>, vector<1x16xf32>,
    %get3A_1480 = vector.shape_cast %get3A_1479 : vector<1x16xf32> to vector<16xf32>
    %get3A_1481 = arith.constant 1 : i32
    %get3A_1482 = arith.index_cast %get3A_1481 : i32 to index
    %get3A_1483 = arith.constant 96 : index
    %get3A_1484 = tpu.vector_load %arg4[%get3A_1482, %get3A_1483] {strides = array<i32>} : memref<8x128xf32, #tpu.memory_space<vmem>>, vector<1x16xf32>,
    %get3A_1485 = vector.shape_cast %get3A_1484 : vector<1x16xf32> to vector<16xf32>
    %get3A_1486 = arith.constant 2 : i32
    %get3A_1487 = arith.index_cast %get3A_1486 : i32 to index
    %get3A_1488 = arith.constant 96 : index
    %get3A_1489 = tpu.vector_load %arg4[%get3A_1487, %get3A_1488] {strides = array<i32>} : memref<8x128xf32, #tpu.memory_space<vmem>>, vector<1x16xf32>,
    %get3A_1490 = vector.shape_cast %get3A_1489 : vector<1x16xf32> to vector<16xf32>
    %get3A_1491 = arith.constant 3 : i32
    %get3A_1492 = arith.index_cast %get3A_1491 : i32 to index
    %get3A_1493 = arith.constant 96 : index
    %get3A_1494 = tpu.vector_load %arg4[%get3A_1492, %get3A_1493] {strides = array<i32>} : memref<8x128xf32, #tpu.memory_space<vmem>>, vector<1x16xf32>,
    %get3A_1495 = vector.shape_cast %get3A_1494 : vector<1x16xf32> to vector<16xf32>
    %get3A_1496 = arith.constant 4 : i32
    %get3A_1497 = arith.index_cast %get3A_1496 : i32 to index
    %get3A_1498 = arith.constant 96 : index
    %get3A_1499 = tpu.vector_load %arg4[%get3A_1497, %get3A_1498] {strides = array<i32>} : memref<8x128xf32, #tpu.memory_space<vmem>>, vector<1x16xf32>,
    %get3A_1500 = vector.shape_cast %get3A_1499 : vector<1x16xf32> to vector<16xf32>
    %get3A_1501 = arith.constant 5 : i32
    %get3A_1502 = arith.index_cast %get3A_1501 : i32 to index
    %get3A_1503 = arith.constant 96 : index
    %get3A_1504 = tpu.vector_load %arg4[%get3A_1502, %get3A_1503] {strides = array<i32>} : memref<8x128xf32, #tpu.memory_space<vmem>>, vector<1x16xf32>,
    %get3A_1505 = vector.shape_cast %get3A_1504 : vector<1x16xf32> to vector<16xf32>
    %max3A_1506 = arith.maximumf %get3A_1480, %get3A_1485 : vector<16xf32>
    %sub3A_1507 = arith.subf %get3A_1480, %max3A_1506 : vector<16xf32>
    %exp3A_1508 = math.exp %sub3A_1507 : vector<16xf32>
    %sub3A_1509 = arith.subf %get3A_1485, %max3A_1506 : vector<16xf32>
    %exp3A_1510 = math.exp %sub3A_1509 : vector<16xf32>
    %max3A_1511 = arith.maximumf %exp3A_1508, %exp3A_1510 : vector<16xf32>
    %add3A_1512 = arith.addf %exp3A_1508, %exp3A_1510 : vector<16xf32>
    %div3A_1513 = arith.divf %max3A_1511, %add3A_1512 : vector<16xf32>
    %gt3A_1514 = arith.cmpf ogt, %get3A_1485, %get3A_1480 : vector<16xf32>
    %max3A_1515 = arith.maximumf %get3A_1490, %get3A_1495 : vector<16xf32>
    %max3A_1516 = arith.maximumf %get3A_1500, %get3A_1505 : vector<16xf32>
    %max3A_1517 = arith.maximumf %max3A_1515, %max3A_1516 : vector<16xf32>
    %sub3A_1518 = arith.subf %get3A_1490, %max3A_1517 : vector<16xf32>
    %exp3A_1519 = math.exp %sub3A_1518 : vector<16xf32>
    %sub3A_1520 = arith.subf %get3A_1495, %max3A_1517 : vector<16xf32>
    %exp3A_1521 = math.exp %sub3A_1520 : vector<16xf32>
    %sub3A_1522 = arith.subf %get3A_1500, %max3A_1517 : vector<16xf32>
    %exp3A_1523 = math.exp %sub3A_1522 : vector<16xf32>
    %sub3A_1524 = arith.subf %get3A_1505, %max3A_1517 : vector<16xf32>
    %exp3A_1525 = math.exp %sub3A_1524 : vector<16xf32>
    %add3A_1526 = arith.addf %exp3A_1519, %exp3A_1521 : vector<16xf32>
    %add3A_1527 = arith.addf %exp3A_1523, %exp3A_1525 : vector<16xf32>
    %add3A_1528 = arith.addf %add3A_1526, %add3A_1527 : vector<16xf32>
    %div3A_1529 = arith.divf %exp3A_1519, %add3A_1528 : vector<16xf32>
    %div3A_1530 = arith.divf %exp3A_1521, %add3A_1528 : vector<16xf32>
    %div3A_1531 = arith.divf %exp3A_1523, %add3A_1528 : vector<16xf32>
    %div3A_1532 = arith.divf %exp3A_1525, %add3A_1528 : vector<16xf32>
    %max3A_1533 = arith.maximumf %div3A_1529, %div3A_1530 : vector<16xf32>
    %max3A_1534 = arith.maximumf %div3A_1531, %div3A_1532 : vector<16xf32>
    %max3A_1535 = arith.maximumf %max3A_1533, %max3A_1534 : vector<16xf32>
    %eq3A_1536 = arith.cmpf oeq, %div3A_1529, %max3A_1535 : vector<16xf32>
    %eq3A_1537 = arith.cmpf oeq, %div3A_1530, %max3A_1535 : vector<16xf32>
    %eq3A_1538 = arith.cmpf oeq, %div3A_1531, %max3A_1535 : vector<16xf32>
    %select_n3A_1539 = arith.select %eq3A_1538, %broadcast_in_dim3A_7, %broadcast_in_dim3A_9 : vector<16xi1>, vector<16xi32>
    %select_n3A_1540 = arith.select %eq3A_1537, %broadcast_in_dim3A_5, %select_n3A_1539 : vector<16xi1>, vector<16xi32>
    %select_n3A_1541 = arith.select %eq3A_1536, %broadcast_in_dim3A_3, %select_n3A_1540 : vector<16xi1>, vector<16xi32>
    %eq3A_1542 = arith.cmpi eq, %select_n3A_1541, %broadcast_in_dim3A_3 : vector<16xi32>
    %jit3A_1543 = arith.constant -1.000000e+00 : f32
    %broadcast_in_dim3A_1544 = vector.broadcast %jit3A_1543 : f32 to vector<16xf32>
    %select_n3A_1545 = arith.select %eq3A_1542, %broadcast_in_dim3A_1544, %div3A_1529 : vector<16xi1>, vector<16xf32>
    %eq3A_1546 = arith.cmpi eq, %select_n3A_1541, %broadcast_in_dim3A_5 : vector<16xi32>
    %jit3A_1547 = arith.constant -1.000000e+00 : f32
    %broadcast_in_dim3A_1548 = vector.broadcast %jit3A_1547 : f32 to vector<16xf32>
    %select_n3A_1549 = arith.select %eq3A_1546, %broadcast_in_dim3A_1548, %div3A_1530 : vector<16xi1>, vector<16xf32>
    %eq3A_1550 = arith.cmpi eq, %select_n3A_1541, %broadcast_in_dim3A_7 : vector<16xi32>
    %jit3A_1551 = arith.constant -1.000000e+00 : f32
    %broadcast_in_dim3A_1552 = vector.broadcast %jit3A_1551 : f32 to vector<16xf32>
    %select_n3A_1553 = arith.select %eq3A_1550, %broadcast_in_dim3A_1552, %div3A_1531 : vector<16xi1>, vector<16xf32>
    %eq3A_1554 = arith.cmpi eq, %select_n3A_1541, %broadcast_in_dim3A_9 : vector<16xi32>
    %jit3A_1555 = arith.constant -1.000000e+00 : f32
    %broadcast_in_dim3A_1556 = vector.broadcast %jit3A_1555 : f32 to vector<16xf32>
    %select_n3A_1557 = arith.select %eq3A_1554, %broadcast_in_dim3A_1556, %div3A_1532 : vector<16xi1>, vector<16xf32>
    %max3A_1558 = arith.maximumf %select_n3A_1545, %select_n3A_1549 : vector<16xf32>
    %max3A_1559 = arith.maximumf %select_n3A_1553, %select_n3A_1557 : vector<16xf32>
    %max3A_1560 = arith.maximumf %max3A_1558, %max3A_1559 : vector<16xf32>
    %eq3A_1561 = arith.cmpf oeq, %select_n3A_1545, %max3A_1560 : vector<16xf32>
    %eq3A_1562 = arith.cmpf oeq, %select_n3A_1549, %max3A_1560 : vector<16xf32>
    %eq3A_1563 = arith.cmpf oeq, %select_n3A_1553, %max3A_1560 : vector<16xf32>
    %select_n3A_1564 = arith.select %eq3A_1563, %broadcast_in_dim3A_7, %broadcast_in_dim3A_9 : vector<16xi1>, vector<16xi32>
    %select_n3A_1565 = arith.select %eq3A_1562, %broadcast_in_dim3A_5, %select_n3A_1564 : vector<16xi1>, vector<16xi32>
    %select_n3A_1566 = arith.select %eq3A_1561, %broadcast_in_dim3A_3, %select_n3A_1565 : vector<16xi1>, vector<16xi32>
    %add3A_1567 = arith.addf %max3A_1535, %max3A_1560 : vector<16xf32>
    %add3A_1568 = arith.constant 1.000000e-07 : f32
    %add3A_1569 = vector.broadcast %add3A_1568 : f32 to vector<16xf32>
    %add3A_1570 = arith.addf %add3A_1567, %add3A_1569 : vector<16xf32>
    %div3A_1571 = arith.constant 1.000000e+00 : f32
    %div3A_1572 = vector.broadcast %div3A_1571 : f32 to vector<16xf32>
    %div3A_1573 = arith.divf %div3A_1572, %add3A_1570 : vector<16xf32>
    %mul3A_1574 = arith.mulf %div3A_1513, %max3A_1535 : vector<16xf32>
    %mul3A_1575 = arith.mulf %mul3A_1574, %div3A_1573 : vector<16xf32>
    %mul3A_1576 = arith.mulf %div3A_1513, %max3A_1560 : vector<16xf32>
    %mul3A_1577 = arith.mulf %mul3A_1576, %div3A_1573 : vector<16xf32>
    %eq3A_1578 = arith.cmpi eq, %select_n3A_1541, %broadcast_in_dim3A_3 : vector<16xi32>
    %jit3A_1579 = arith.constant 0.000000e+00 : f32
    %broadcast_in_dim3A_1580 = vector.broadcast %jit3A_1579 : f32 to vector<16xf32>
    %select_n3A_1581 = arith.select %eq3A_1578, %mul3A_1575, %broadcast_in_dim3A_1580 : vector<16xi1>, vector<16xf32>
    %eq3A_1582 = arith.cmpi eq, %select_n3A_1566, %broadcast_in_dim3A_3 : vector<16xi32>
    %jit3A_1583 = arith.constant 0.000000e+00 : f32
    %broadcast_in_dim3A_1584 = vector.broadcast %jit3A_1583 : f32 to vector<16xf32>
    %select_n3A_1585 = arith.select %eq3A_1582, %mul3A_1577, %broadcast_in_dim3A_1584 : vector<16xi1>, vector<16xf32>
    %add3A_1586 = arith.addf %select_n3A_1581, %select_n3A_1585 : vector<16xf32>
    %jit3A_1587 = arith.constant 0.000000e+00 : f32
    %broadcast_in_dim3A_1588 = vector.broadcast %jit3A_1587 : f32 to vector<16xf32>
    %select_n3A_1589 = arith.select %gt3A_1514, %broadcast_in_dim3A_1588, %add3A_1586 : vector<16xi1>, vector<16xf32>
    %swap3A_1590 = arith.constant 0 : i32
    %swap3A_1591 = arith.index_cast %swap3A_1590 : i32 to index
    %swap3A_1592 = arith.constant 96 : index
    %swap3A_1593 = tpu.vector_load %arg5[%swap3A_1591, %swap3A_1592] {strides = array<i32>} : memref<8x128xf32, #tpu.memory_space<vmem>>, vector<1x16xf32>,
    %swap3A_1594 = vector.shape_cast %swap3A_1593 : vector<1x16xf32> to vector<16xf32>
    %swap3A_1595 = vector.shape_cast %select_n3A_1589 : vector<16xf32> to vector<1x16xf32>
    tpu.vector_store %arg5[%swap3A_1591, %swap3A_1592], %swap3A_1595 {strides = array<i32>} : memref<8x128xf32, #tpu.memory_space<vmem>>, vector<1x16xf32>,
    %eq3A_1596 = arith.cmpi eq, %select_n3A_1541, %broadcast_in_dim3A_5 : vector<16xi32>
    %jit3A_1597 = arith.constant 0.000000e+00 : f32
    %broadcast_in_dim3A_1598 = vector.broadcast %jit3A_1597 : f32 to vector<16xf32>
    %select_n3A_1599 = arith.select %eq3A_1596, %mul3A_1575, %broadcast_in_dim3A_1598 : vector<16xi1>, vector<16xf32>
    %eq3A_1600 = arith.cmpi eq, %select_n3A_1566, %broadcast_in_dim3A_5 : vector<16xi32>
    %jit3A_1601 = arith.constant 0.000000e+00 : f32
    %broadcast_in_dim3A_1602 = vector.broadcast %jit3A_1601 : f32 to vector<16xf32>
    %select_n3A_1603 = arith.select %eq3A_1600, %mul3A_1577, %broadcast_in_dim3A_1602 : vector<16xi1>, vector<16xf32>
    %add3A_1604 = arith.addf %select_n3A_1599, %select_n3A_1603 : vector<16xf32>
    %jit3A_1605 = arith.constant 0.000000e+00 : f32
    %broadcast_in_dim3A_1606 = vector.broadcast %jit3A_1605 : f32 to vector<16xf32>
    %select_n3A_1607 = arith.select %gt3A_1514, %broadcast_in_dim3A_1606, %add3A_1604 : vector<16xi1>, vector<16xf32>
    %swap3A_1608 = arith.constant 1 : i32
    %swap3A_1609 = arith.index_cast %swap3A_1608 : i32 to index
    %swap3A_1610 = arith.constant 96 : index
    %swap3A_1611 = tpu.vector_load %arg5[%swap3A_1609, %swap3A_1610] {strides = array<i32>} : memref<8x128xf32, #tpu.memory_space<vmem>>, vector<1x16xf32>,
    %swap3A_1612 = vector.shape_cast %swap3A_1611 : vector<1x16xf32> to vector<16xf32>
    %swap3A_1613 = vector.shape_cast %select_n3A_1607 : vector<16xf32> to vector<1x16xf32>
    tpu.vector_store %arg5[%swap3A_1609, %swap3A_1610], %swap3A_1613 {strides = array<i32>} : memref<8x128xf32, #tpu.memory_space<vmem>>, vector<1x16xf32>,
    %eq3A_1614 = arith.cmpi eq, %select_n3A_1541, %broadcast_in_dim3A_7 : vector<16xi32>
    %jit3A_1615 = arith.constant 0.000000e+00 : f32
    %broadcast_in_dim3A_1616 = vector.broadcast %jit3A_1615 : f32 to vector<16xf32>
    %select_n3A_1617 = arith.select %eq3A_1614, %mul3A_1575, %broadcast_in_dim3A_1616 : vector<16xi1>, vector<16xf32>
    %eq3A_1618 = arith.cmpi eq, %select_n3A_1566, %broadcast_in_dim3A_7 : vector<16xi32>
    %jit3A_1619 = arith.constant 0.000000e+00 : f32
    %broadcast_in_dim3A_1620 = vector.broadcast %jit3A_1619 : f32 to vector<16xf32>
    %select_n3A_1621 = arith.select %eq3A_1618, %mul3A_1577, %broadcast_in_dim3A_1620 : vector<16xi1>, vector<16xf32>
    %add3A_1622 = arith.addf %select_n3A_1617, %select_n3A_1621 : vector<16xf32>
    %jit3A_1623 = arith.constant 0.000000e+00 : f32
    %broadcast_in_dim3A_1624 = vector.broadcast %jit3A_1623 : f32 to vector<16xf32>
    %select_n3A_1625 = arith.select %gt3A_1514, %broadcast_in_dim3A_1624, %add3A_1622 : vector<16xi1>, vector<16xf32>
    %swap3A_1626 = arith.constant 2 : i32
    %swap3A_1627 = arith.index_cast %swap3A_1626 : i32 to index
    %swap3A_1628 = arith.constant 96 : index
    %swap3A_1629 = tpu.vector_load %arg5[%swap3A_1627, %swap3A_1628] {strides = array<i32>} : memref<8x128xf32, #tpu.memory_space<vmem>>, vector<1x16xf32>,
    %swap3A_1630 = vector.shape_cast %swap3A_1629 : vector<1x16xf32> to vector<16xf32>
    %swap3A_1631 = vector.shape_cast %select_n3A_1625 : vector<16xf32> to vector<1x16xf32>
    tpu.vector_store %arg5[%swap3A_1627, %swap3A_1628], %swap3A_1631 {strides = array<i32>} : memref<8x128xf32, #tpu.memory_space<vmem>>, vector<1x16xf32>,
    %eq3A_1632 = arith.cmpi eq, %select_n3A_1541, %broadcast_in_dim3A_9 : vector<16xi32>
    %jit3A_1633 = arith.constant 0.000000e+00 : f32
    %broadcast_in_dim3A_1634 = vector.broadcast %jit3A_1633 : f32 to vector<16xf32>
    %select_n3A_1635 = arith.select %eq3A_1632, %mul3A_1575, %broadcast_in_dim3A_1634 : vector<16xi1>, vector<16xf32>
    %eq3A_1636 = arith.cmpi eq, %select_n3A_1566, %broadcast_in_dim3A_9 : vector<16xi32>
    %jit3A_1637 = arith.constant 0.000000e+00 : f32
    %broadcast_in_dim3A_1638 = vector.broadcast %jit3A_1637 : f32 to vector<16xf32>
    %select_n3A_1639 = arith.select %eq3A_1636, %mul3A_1577, %broadcast_in_dim3A_1638 : vector<16xi1>, vector<16xf32>
    %add3A_1640 = arith.addf %select_n3A_1635, %select_n3A_1639 : vector<16xf32>
    %jit3A_1641 = arith.constant 0.000000e+00 : f32
    %broadcast_in_dim3A_1642 = vector.broadcast %jit3A_1641 : f32 to vector<16xf32>
    %select_n3A_1643 = arith.select %gt3A_1514, %broadcast_in_dim3A_1642, %add3A_1640 : vector<16xi1>, vector<16xf32>
    %swap3A_1644 = arith.constant 3 : i32
    %swap3A_1645 = arith.index_cast %swap3A_1644 : i32 to index
    %swap3A_1646 = arith.constant 96 : index
    %swap3A_1647 = tpu.vector_load %arg5[%swap3A_1645, %swap3A_1646] {strides = array<i32>} : memref<8x128xf32, #tpu.memory_space<vmem>>, vector<1x16xf32>,
    %swap3A_1648 = vector.shape_cast %swap3A_1647 : vector<1x16xf32> to vector<16xf32>
    %swap3A_1649 = vector.shape_cast %select_n3A_1643 : vector<16xf32> to vector<1x16xf32>
    tpu.vector_store %arg5[%swap3A_1645, %swap3A_1646], %swap3A_1649 {strides = array<i32>} : memref<8x128xf32, #tpu.memory_space<vmem>>, vector<1x16xf32>,
    %eq3A_1650 = arith.cmpi eq, %select_n3A_1541, %broadcast_in_dim3A_3 : vector<16xi32>
    %jit3A_1651 = arith.constant 0.000000e+00 : f32
    %broadcast_in_dim3A_1652 = vector.broadcast %jit3A_1651 : f32 to vector<16xf32>
    %select_n3A_1653 = arith.select %eq3A_1650, %mul3A_1575, %broadcast_in_dim3A_1652 : vector<16xi1>, vector<16xf32>
    %eq3A_1654 = arith.cmpi eq, %select_n3A_1566, %broadcast_in_dim3A_3 : vector<16xi32>
    %jit3A_1655 = arith.constant 0.000000e+00 : f32
    %broadcast_in_dim3A_1656 = vector.broadcast %jit3A_1655 : f32 to vector<16xf32>
    %select_n3A_1657 = arith.select %eq3A_1654, %mul3A_1577, %broadcast_in_dim3A_1656 : vector<16xi1>, vector<16xf32>
    %add3A_1658 = arith.addf %select_n3A_1653, %select_n3A_1657 : vector<16xf32>
    %jit3A_1659 = arith.constant 0.000000e+00 : f32
    %broadcast_in_dim3A_1660 = vector.broadcast %jit3A_1659 : f32 to vector<16xf32>
    %select_n3A_1661 = arith.select %gt3A_1514, %add3A_1658, %broadcast_in_dim3A_1660 : vector<16xi1>, vector<16xf32>
    %swap3A_1662 = arith.constant 4 : i32
    %swap3A_1663 = arith.index_cast %swap3A_1662 : i32 to index
    %swap3A_1664 = arith.constant 96 : index
    %swap3A_1665 = tpu.vector_load %arg5[%swap3A_1663, %swap3A_1664] {strides = array<i32>} : memref<8x128xf32, #tpu.memory_space<vmem>>, vector<1x16xf32>,
    %swap3A_1666 = vector.shape_cast %swap3A_1665 : vector<1x16xf32> to vector<16xf32>
    %swap3A_1667 = vector.shape_cast %select_n3A_1661 : vector<16xf32> to vector<1x16xf32>
    tpu.vector_store %arg5[%swap3A_1663, %swap3A_1664], %swap3A_1667 {strides = array<i32>} : memref<8x128xf32, #tpu.memory_space<vmem>>, vector<1x16xf32>,
    %eq3A_1668 = arith.cmpi eq, %select_n3A_1541, %broadcast_in_dim3A_5 : vector<16xi32>
    %jit3A_1669 = arith.constant 0.000000e+00 : f32
    %broadcast_in_dim3A_1670 = vector.broadcast %jit3A_1669 : f32 to vector<16xf32>
    %select_n3A_1671 = arith.select %eq3A_1668, %mul3A_1575, %broadcast_in_dim3A_1670 : vector<16xi1>, vector<16xf32>
    %eq3A_1672 = arith.cmpi eq, %select_n3A_1566, %broadcast_in_dim3A_5 : vector<16xi32>
    %jit3A_1673 = arith.constant 0.000000e+00 : f32
    %broadcast_in_dim3A_1674 = vector.broadcast %jit3A_1673 : f32 to vector<16xf32>
    %select_n3A_1675 = arith.select %eq3A_1672, %mul3A_1577, %broadcast_in_dim3A_1674 : vector<16xi1>, vector<16xf32>
    %add3A_1676 = arith.addf %select_n3A_1671, %select_n3A_1675 : vector<16xf32>
    %jit3A_1677 = arith.constant 0.000000e+00 : f32
    %broadcast_in_dim3A_1678 = vector.broadcast %jit3A_1677 : f32 to vector<16xf32>
    %select_n3A_1679 = arith.select %gt3A_1514, %add3A_1676, %broadcast_in_dim3A_1678 : vector<16xi1>, vector<16xf32>
    %swap3A_1680 = arith.constant 5 : i32
    %swap3A_1681 = arith.index_cast %swap3A_1680 : i32 to index
    %swap3A_1682 = arith.constant 96 : index
    %swap3A_1683 = tpu.vector_load %arg5[%swap3A_1681, %swap3A_1682] {strides = array<i32>} : memref<8x128xf32, #tpu.memory_space<vmem>>, vector<1x16xf32>,
    %swap3A_1684 = vector.shape_cast %swap3A_1683 : vector<1x16xf32> to vector<16xf32>
    %swap3A_1685 = vector.shape_cast %select_n3A_1679 : vector<16xf32> to vector<1x16xf32>
    tpu.vector_store %arg5[%swap3A_1681, %swap3A_1682], %swap3A_1685 {strides = array<i32>} : memref<8x128xf32, #tpu.memory_space<vmem>>, vector<1x16xf32>,
    %eq3A_1686 = arith.cmpi eq, %select_n3A_1541, %broadcast_in_dim3A_7 : vector<16xi32>
    %jit3A_1687 = arith.constant 0.000000e+00 : f32
    %broadcast_in_dim3A_1688 = vector.broadcast %jit3A_1687 : f32 to vector<16xf32>
    %select_n3A_1689 = arith.select %eq3A_1686, %mul3A_1575, %broadcast_in_dim3A_1688 : vector<16xi1>, vector<16xf32>
    %eq3A_1690 = arith.cmpi eq, %select_n3A_1566, %broadcast_in_dim3A_7 : vector<16xi32>
    %jit3A_1691 = arith.constant 0.000000e+00 : f32
    %broadcast_in_dim3A_1692 = vector.broadcast %jit3A_1691 : f32 to vector<16xf32>
    %select_n3A_1693 = arith.select %eq3A_1690, %mul3A_1577, %broadcast_in_dim3A_1692 : vector<16xi1>, vector<16xf32>
    %add3A_1694 = arith.addf %select_n3A_1689, %select_n3A_1693 : vector<16xf32>
    %jit3A_1695 = arith.constant 0.000000e+00 : f32
    %broadcast_in_dim3A_1696 = vector.broadcast %jit3A_1695 : f32 to vector<16xf32>
    %select_n3A_1697 = arith.select %gt3A_1514, %add3A_1694, %broadcast_in_dim3A_1696 : vector<16xi1>, vector<16xf32>
    %swap3A_1698 = arith.constant 6 : i32
    %swap3A_1699 = arith.index_cast %swap3A_1698 : i32 to index
    %swap3A_1700 = arith.constant 96 : index
    %swap3A_1701 = tpu.vector_load %arg5[%swap3A_1699, %swap3A_1700] {strides = array<i32>} : memref<8x128xf32, #tpu.memory_space<vmem>>, vector<1x16xf32>,
    %swap3A_1702 = vector.shape_cast %swap3A_1701 : vector<1x16xf32> to vector<16xf32>
    %swap3A_1703 = vector.shape_cast %select_n3A_1697 : vector<16xf32> to vector<1x16xf32>
    tpu.vector_store %arg5[%swap3A_1699, %swap3A_1700], %swap3A_1703 {strides = array<i32>} : memref<8x128xf32, #tpu.memory_space<vmem>>, vector<1x16xf32>,
    %eq3A_1704 = arith.cmpi eq, %select_n3A_1541, %broadcast_in_dim3A_9 : vector<16xi32>
    %jit3A_1705 = arith.constant 0.000000e+00 : f32
    %broadcast_in_dim3A_1706 = vector.broadcast %jit3A_1705 : f32 to vector<16xf32>
    %select_n3A_1707 = arith.select %eq3A_1704, %mul3A_1575, %broadcast_in_dim3A_1706 : vector<16xi1>, vector<16xf32>
    %eq3A_1708 = arith.cmpi eq, %select_n3A_1566, %broadcast_in_dim3A_9 : vector<16xi32>
    %jit3A_1709 = arith.constant 0.000000e+00 : f32
    %broadcast_in_dim3A_1710 = vector.broadcast %jit3A_1709 : f32 to vector<16xf32>
    %select_n3A_1711 = arith.select %eq3A_1708, %mul3A_1577, %broadcast_in_dim3A_1710 : vector<16xi1>, vector<16xf32>
    %add3A_1712 = arith.addf %select_n3A_1707, %select_n3A_1711 : vector<16xf32>
    %jit3A_1713 = arith.constant 0.000000e+00 : f32
    %broadcast_in_dim3A_1714 = vector.broadcast %jit3A_1713 : f32 to vector<16xf32>
    %select_n3A_1715 = arith.select %gt3A_1514, %add3A_1712, %broadcast_in_dim3A_1714 : vector<16xi1>, vector<16xf32>
    %swap3A_1716 = arith.constant 7 : i32
    %swap3A_1717 = arith.index_cast %swap3A_1716 : i32 to index
    %swap3A_1718 = arith.constant 96 : index
    %swap3A_1719 = tpu.vector_load %arg5[%swap3A_1717, %swap3A_1718] {strides = array<i32>} : memref<8x128xf32, #tpu.memory_space<vmem>>, vector<1x16xf32>,
    %swap3A_1720 = vector.shape_cast %swap3A_1719 : vector<1x16xf32> to vector<16xf32>
    %swap3A_1721 = vector.shape_cast %select_n3A_1715 : vector<16xf32> to vector<1x16xf32>
    tpu.vector_store %arg5[%swap3A_1717, %swap3A_1718], %swap3A_1721 {strides = array<i32>} : memref<8x128xf32, #tpu.memory_space<vmem>>, vector<1x16xf32>,
    %get3A_1722 = arith.constant 0 : i32
    %get3A_1723 = arith.index_cast %get3A_1722 : i32 to index
    %get3A_1724 = arith.constant 112 : index
    %get3A_1725 = tpu.vector_load %arg4[%get3A_1723, %get3A_1724] {strides = array<i32>} : memref<8x128xf32, #tpu.memory_space<vmem>>, vector<1x16xf32>,
    %get3A_1726 = vector.shape_cast %get3A_1725 : vector<1x16xf32> to vector<16xf32>
    %get3A_1727 = arith.constant 1 : i32
    %get3A_1728 = arith.index_cast %get3A_1727 : i32 to index
    %get3A_1729 = arith.constant 112 : index
    %get3A_1730 = tpu.vector_load %arg4[%get3A_1728, %get3A_1729] {strides = array<i32>} : memref<8x128xf32, #tpu.memory_space<vmem>>, vector<1x16xf32>,
    %get3A_1731 = vector.shape_cast %get3A_1730 : vector<1x16xf32> to vector<16xf32>
    %get3A_1732 = arith.constant 2 : i32
    %get3A_1733 = arith.index_cast %get3A_1732 : i32 to index
    %get3A_1734 = arith.constant 112 : index
    %get3A_1735 = tpu.vector_load %arg4[%get3A_1733, %get3A_1734] {strides = array<i32>} : memref<8x128xf32, #tpu.memory_space<vmem>>, vector<1x16xf32>,
    %get3A_1736 = vector.shape_cast %get3A_1735 : vector<1x16xf32> to vector<16xf32>
    %get3A_1737 = arith.constant 3 : i32
    %get3A_1738 = arith.index_cast %get3A_1737 : i32 to index
    %get3A_1739 = arith.constant 112 : index
    %get3A_1740 = tpu.vector_load %arg4[%get3A_1738, %get3A_1739] {strides = array<i32>} : memref<8x128xf32, #tpu.memory_space<vmem>>, vector<1x16xf32>,
    %get3A_1741 = vector.shape_cast %get3A_1740 : vector<1x16xf32> to vector<16xf32>
    %get3A_1742 = arith.constant 4 : i32
    %get3A_1743 = arith.index_cast %get3A_1742 : i32 to index
    %get3A_1744 = arith.constant 112 : index
    %get3A_1745 = tpu.vector_load %arg4[%get3A_1743, %get3A_1744] {strides = array<i32>} : memref<8x128xf32, #tpu.memory_space<vmem>>, vector<1x16xf32>,
    %get3A_1746 = vector.shape_cast %get3A_1745 : vector<1x16xf32> to vector<16xf32>
    %get3A_1747 = arith.constant 5 : i32
    %get3A_1748 = arith.index_cast %get3A_1747 : i32 to index
    %get3A_1749 = arith.constant 112 : index
    %get3A_1750 = tpu.vector_load %arg4[%get3A_1748, %get3A_1749] {strides = array<i32>} : memref<8x128xf32, #tpu.memory_space<vmem>>, vector<1x16xf32>,
    %get3A_1751 = vector.shape_cast %get3A_1750 : vector<1x16xf32> to vector<16xf32>
    %max3A_1752 = arith.maximumf %get3A_1726, %get3A_1731 : vector<16xf32>
    %sub3A_1753 = arith.subf %get3A_1726, %max3A_1752 : vector<16xf32>
    %exp3A_1754 = math.exp %sub3A_1753 : vector<16xf32>
    %sub3A_1755 = arith.subf %get3A_1731, %max3A_1752 : vector<16xf32>
    %exp3A_1756 = math.exp %sub3A_1755 : vector<16xf32>
    %max3A_1757 = arith.maximumf %exp3A_1754, %exp3A_1756 : vector<16xf32>
    %add3A_1758 = arith.addf %exp3A_1754, %exp3A_1756 : vector<16xf32>
    %div3A_1759 = arith.divf %max3A_1757, %add3A_1758 : vector<16xf32>
    %gt3A_1760 = arith.cmpf ogt, %get3A_1731, %get3A_1726 : vector<16xf32>
    %max3A_1761 = arith.maximumf %get3A_1736, %get3A_1741 : vector<16xf32>
    %max3A_1762 = arith.maximumf %get3A_1746, %get3A_1751 : vector<16xf32>
    %max3A_1763 = arith.maximumf %max3A_1761, %max3A_1762 : vector<16xf32>
    %sub3A_1764 = arith.subf %get3A_1736, %max3A_1763 : vector<16xf32>
    %exp3A_1765 = math.exp %sub3A_1764 : vector<16xf32>
    %sub3A_1766 = arith.subf %get3A_1741, %max3A_1763 : vector<16xf32>
    %exp3A_1767 = math.exp %sub3A_1766 : vector<16xf32>
    %sub3A_1768 = arith.subf %get3A_1746, %max3A_1763 : vector<16xf32>
    %exp3A_1769 = math.exp %sub3A_1768 : vector<16xf32>
    %sub3A_1770 = arith.subf %get3A_1751, %max3A_1763 : vector<16xf32>
    %exp3A_1771 = math.exp %sub3A_1770 : vector<16xf32>
    %add3A_1772 = arith.addf %exp3A_1765, %exp3A_1767 : vector<16xf32>
    %add3A_1773 = arith.addf %exp3A_1769, %exp3A_1771 : vector<16xf32>
    %add3A_1774 = arith.addf %add3A_1772, %add3A_1773 : vector<16xf32>
    %div3A_1775 = arith.divf %exp3A_1765, %add3A_1774 : vector<16xf32>
    %div3A_1776 = arith.divf %exp3A_1767, %add3A_1774 : vector<16xf32>
    %div3A_1777 = arith.divf %exp3A_1769, %add3A_1774 : vector<16xf32>
    %div3A_1778 = arith.divf %exp3A_1771, %add3A_1774 : vector<16xf32>
    %max3A_1779 = arith.maximumf %div3A_1775, %div3A_1776 : vector<16xf32>
    %max3A_1780 = arith.maximumf %div3A_1777, %div3A_1778 : vector<16xf32>
    %max3A_1781 = arith.maximumf %max3A_1779, %max3A_1780 : vector<16xf32>
    %eq3A_1782 = arith.cmpf oeq, %div3A_1775, %max3A_1781 : vector<16xf32>
    %eq3A_1783 = arith.cmpf oeq, %div3A_1776, %max3A_1781 : vector<16xf32>
    %eq3A_1784 = arith.cmpf oeq, %div3A_1777, %max3A_1781 : vector<16xf32>
    %select_n3A_1785 = arith.select %eq3A_1784, %broadcast_in_dim3A_7, %broadcast_in_dim3A_9 : vector<16xi1>, vector<16xi32>
    %select_n3A_1786 = arith.select %eq3A_1783, %broadcast_in_dim3A_5, %select_n3A_1785 : vector<16xi1>, vector<16xi32>
    %select_n3A_1787 = arith.select %eq3A_1782, %broadcast_in_dim3A_3, %select_n3A_1786 : vector<16xi1>, vector<16xi32>
    %eq3A_1788 = arith.cmpi eq, %select_n3A_1787, %broadcast_in_dim3A_3 : vector<16xi32>
    %jit3A_1789 = arith.constant -1.000000e+00 : f32
    %broadcast_in_dim3A_1790 = vector.broadcast %jit3A_1789 : f32 to vector<16xf32>
    %select_n3A_1791 = arith.select %eq3A_1788, %broadcast_in_dim3A_1790, %div3A_1775 : vector<16xi1>, vector<16xf32>
    %eq3A_1792 = arith.cmpi eq, %select_n3A_1787, %broadcast_in_dim3A_5 : vector<16xi32>
    %jit3A_1793 = arith.constant -1.000000e+00 : f32
    %broadcast_in_dim3A_1794 = vector.broadcast %jit3A_1793 : f32 to vector<16xf32>
    %select_n3A_1795 = arith.select %eq3A_1792, %broadcast_in_dim3A_1794, %div3A_1776 : vector<16xi1>, vector<16xf32>
    %eq3A_1796 = arith.cmpi eq, %select_n3A_1787, %broadcast_in_dim3A_7 : vector<16xi32>
    %jit3A_1797 = arith.constant -1.000000e+00 : f32
    %broadcast_in_dim3A_1798 = vector.broadcast %jit3A_1797 : f32 to vector<16xf32>
    %select_n3A_1799 = arith.select %eq3A_1796, %broadcast_in_dim3A_1798, %div3A_1777 : vector<16xi1>, vector<16xf32>
    %eq3A_1800 = arith.cmpi eq, %select_n3A_1787, %broadcast_in_dim3A_9 : vector<16xi32>
    %jit3A_1801 = arith.constant -1.000000e+00 : f32
    %broadcast_in_dim3A_1802 = vector.broadcast %jit3A_1801 : f32 to vector<16xf32>
    %select_n3A_1803 = arith.select %eq3A_1800, %broadcast_in_dim3A_1802, %div3A_1778 : vector<16xi1>, vector<16xf32>
    %max3A_1804 = arith.maximumf %select_n3A_1791, %select_n3A_1795 : vector<16xf32>
    %max3A_1805 = arith.maximumf %select_n3A_1799, %select_n3A_1803 : vector<16xf32>
    %max3A_1806 = arith.maximumf %max3A_1804, %max3A_1805 : vector<16xf32>
    %eq3A_1807 = arith.cmpf oeq, %select_n3A_1791, %max3A_1806 : vector<16xf32>
    %eq3A_1808 = arith.cmpf oeq, %select_n3A_1795, %max3A_1806 : vector<16xf32>
    %eq3A_1809 = arith.cmpf oeq, %select_n3A_1799, %max3A_1806 : vector<16xf32>
    %select_n3A_1810 = arith.select %eq3A_1809, %broadcast_in_dim3A_7, %broadcast_in_dim3A_9 : vector<16xi1>, vector<16xi32>
    %select_n3A_1811 = arith.select %eq3A_1808, %broadcast_in_dim3A_5, %select_n3A_1810 : vector<16xi1>, vector<16xi32>
    %select_n3A_1812 = arith.select %eq3A_1807, %broadcast_in_dim3A_3, %select_n3A_1811 : vector<16xi1>, vector<16xi32>
    %add3A_1813 = arith.addf %max3A_1781, %max3A_1806 : vector<16xf32>
    %add3A_1814 = arith.constant 1.000000e-07 : f32
    %add3A_1815 = vector.broadcast %add3A_1814 : f32 to vector<16xf32>
    %add3A_1816 = arith.addf %add3A_1813, %add3A_1815 : vector<16xf32>
    %div3A_1817 = arith.constant 1.000000e+00 : f32
    %div3A_1818 = vector.broadcast %div3A_1817 : f32 to vector<16xf32>
    %div3A_1819 = arith.divf %div3A_1818, %add3A_1816 : vector<16xf32>
    %mul3A_1820 = arith.mulf %div3A_1759, %max3A_1781 : vector<16xf32>
    %mul3A_1821 = arith.mulf %mul3A_1820, %div3A_1819 : vector<16xf32>
    %mul3A_1822 = arith.mulf %div3A_1759, %max3A_1806 : vector<16xf32>
    %mul3A_1823 = arith.mulf %mul3A_1822, %div3A_1819 : vector<16xf32>
    %eq3A_1824 = arith.cmpi eq, %select_n3A_1787, %broadcast_in_dim3A_3 : vector<16xi32>
    %jit3A_1825 = arith.constant 0.000000e+00 : f32
    %broadcast_in_dim3A_1826 = vector.broadcast %jit3A_1825 : f32 to vector<16xf32>
    %select_n3A_1827 = arith.select %eq3A_1824, %mul3A_1821, %broadcast_in_dim3A_1826 : vector<16xi1>, vector<16xf32>
    %eq3A_1828 = arith.cmpi eq, %select_n3A_1812, %broadcast_in_dim3A_3 : vector<16xi32>
    %jit3A_1829 = arith.constant 0.000000e+00 : f32
    %broadcast_in_dim3A_1830 = vector.broadcast %jit3A_1829 : f32 to vector<16xf32>
    %select_n3A_1831 = arith.select %eq3A_1828, %mul3A_1823, %broadcast_in_dim3A_1830 : vector<16xi1>, vector<16xf32>
    %add3A_1832 = arith.addf %select_n3A_1827, %select_n3A_1831 : vector<16xf32>
    %jit3A_1833 = arith.constant 0.000000e+00 : f32
    %broadcast_in_dim3A_1834 = vector.broadcast %jit3A_1833 : f32 to vector<16xf32>
    %select_n3A_1835 = arith.select %gt3A_1760, %broadcast_in_dim3A_1834, %add3A_1832 : vector<16xi1>, vector<16xf32>
    %swap3A_1836 = arith.constant 0 : i32
    %swap3A_1837 = arith.index_cast %swap3A_1836 : i32 to index
    %swap3A_1838 = arith.constant 112 : index
    %swap3A_1839 = tpu.vector_load %arg5[%swap3A_1837, %swap3A_1838] {strides = array<i32>} : memref<8x128xf32, #tpu.memory_space<vmem>>, vector<1x16xf32>,
    %swap3A_1840 = vector.shape_cast %swap3A_1839 : vector<1x16xf32> to vector<16xf32>
    %swap3A_1841 = vector.shape_cast %select_n3A_1835 : vector<16xf32> to vector<1x16xf32>
    tpu.vector_store %arg5[%swap3A_1837, %swap3A_1838], %swap3A_1841 {strides = array<i32>} : memref<8x128xf32, #tpu.memory_space<vmem>>, vector<1x16xf32>,
    %eq3A_1842 = arith.cmpi eq, %select_n3A_1787, %broadcast_in_dim3A_5 : vector<16xi32>
    %jit3A_1843 = arith.constant 0.000000e+00 : f32
    %broadcast_in_dim3A_1844 = vector.broadcast %jit3A_1843 : f32 to vector<16xf32>
    %select_n3A_1845 = arith.select %eq3A_1842, %mul3A_1821, %broadcast_in_dim3A_1844 : vector<16xi1>, vector<16xf32>
    %eq3A_1846 = arith.cmpi eq, %select_n3A_1812, %broadcast_in_dim3A_5 : vector<16xi32>
    %jit3A_1847 = arith.constant 0.000000e+00 : f32
    %broadcast_in_dim3A_1848 = vector.broadcast %jit3A_1847 : f32 to vector<16xf32>
    %select_n3A_1849 = arith.select %eq3A_1846, %mul3A_1823, %broadcast_in_dim3A_1848 : vector<16xi1>, vector<16xf32>
    %add3A_1850 = arith.addf %select_n3A_1845, %select_n3A_1849 : vector<16xf32>
    %jit3A_1851 = arith.constant 0.000000e+00 : f32
    %broadcast_in_dim3A_1852 = vector.broadcast %jit3A_1851 : f32 to vector<16xf32>
    %select_n3A_1853 = arith.select %gt3A_1760, %broadcast_in_dim3A_1852, %add3A_1850 : vector<16xi1>, vector<16xf32>
    %swap3A_1854 = arith.constant 1 : i32
    %swap3A_1855 = arith.index_cast %swap3A_1854 : i32 to index
    %swap3A_1856 = arith.constant 112 : index
    %swap3A_1857 = tpu.vector_load %arg5[%swap3A_1855, %swap3A_1856] {strides = array<i32>} : memref<8x128xf32, #tpu.memory_space<vmem>>, vector<1x16xf32>,
    %swap3A_1858 = vector.shape_cast %swap3A_1857 : vector<1x16xf32> to vector<16xf32>
    %swap3A_1859 = vector.shape_cast %select_n3A_1853 : vector<16xf32> to vector<1x16xf32>
    tpu.vector_store %arg5[%swap3A_1855, %swap3A_1856], %swap3A_1859 {strides = array<i32>} : memref<8x128xf32, #tpu.memory_space<vmem>>, vector<1x16xf32>,
    %eq3A_1860 = arith.cmpi eq, %select_n3A_1787, %broadcast_in_dim3A_7 : vector<16xi32>
    %jit3A_1861 = arith.constant 0.000000e+00 : f32
    %broadcast_in_dim3A_1862 = vector.broadcast %jit3A_1861 : f32 to vector<16xf32>
    %select_n3A_1863 = arith.select %eq3A_1860, %mul3A_1821, %broadcast_in_dim3A_1862 : vector<16xi1>, vector<16xf32>
    %eq3A_1864 = arith.cmpi eq, %select_n3A_1812, %broadcast_in_dim3A_7 : vector<16xi32>
    %jit3A_1865 = arith.constant 0.000000e+00 : f32
    %broadcast_in_dim3A_1866 = vector.broadcast %jit3A_1865 : f32 to vector<16xf32>
    %select_n3A_1867 = arith.select %eq3A_1864, %mul3A_1823, %broadcast_in_dim3A_1866 : vector<16xi1>, vector<16xf32>
    %add3A_1868 = arith.addf %select_n3A_1863, %select_n3A_1867 : vector<16xf32>
    %jit3A_1869 = arith.constant 0.000000e+00 : f32
    %broadcast_in_dim3A_1870 = vector.broadcast %jit3A_1869 : f32 to vector<16xf32>
    %select_n3A_1871 = arith.select %gt3A_1760, %broadcast_in_dim3A_1870, %add3A_1868 : vector<16xi1>, vector<16xf32>
    %swap3A_1872 = arith.constant 2 : i32
    %swap3A_1873 = arith.index_cast %swap3A_1872 : i32 to index
    %swap3A_1874 = arith.constant 112 : index
    %swap3A_1875 = tpu.vector_load %arg5[%swap3A_1873, %swap3A_1874] {strides = array<i32>} : memref<8x128xf32, #tpu.memory_space<vmem>>, vector<1x16xf32>,
    %swap3A_1876 = vector.shape_cast %swap3A_1875 : vector<1x16xf32> to vector<16xf32>
    %swap3A_1877 = vector.shape_cast %select_n3A_1871 : vector<16xf32> to vector<1x16xf32>
    tpu.vector_store %arg5[%swap3A_1873, %swap3A_1874], %swap3A_1877 {strides = array<i32>} : memref<8x128xf32, #tpu.memory_space<vmem>>, vector<1x16xf32>,
    %eq3A_1878 = arith.cmpi eq, %select_n3A_1787, %broadcast_in_dim3A_9 : vector<16xi32>
    %jit3A_1879 = arith.constant 0.000000e+00 : f32
    %broadcast_in_dim3A_1880 = vector.broadcast %jit3A_1879 : f32 to vector<16xf32>
    %select_n3A_1881 = arith.select %eq3A_1878, %mul3A_1821, %broadcast_in_dim3A_1880 : vector<16xi1>, vector<16xf32>
    %eq3A_1882 = arith.cmpi eq, %select_n3A_1812, %broadcast_in_dim3A_9 : vector<16xi32>
    %jit3A_1883 = arith.constant 0.000000e+00 : f32
    %broadcast_in_dim3A_1884 = vector.broadcast %jit3A_1883 : f32 to vector<16xf32>
    %select_n3A_1885 = arith.select %eq3A_1882, %mul3A_1823, %broadcast_in_dim3A_1884 : vector<16xi1>, vector<16xf32>
    %add3A_1886 = arith.addf %select_n3A_1881, %select_n3A_1885 : vector<16xf32>
    %jit3A_1887 = arith.constant 0.000000e+00 : f32
    %broadcast_in_dim3A_1888 = vector.broadcast %jit3A_1887 : f32 to vector<16xf32>
    %select_n3A_1889 = arith.select %gt3A_1760, %broadcast_in_dim3A_1888, %add3A_1886 : vector<16xi1>, vector<16xf32>
    %swap3A_1890 = arith.constant 3 : i32
    %swap3A_1891 = arith.index_cast %swap3A_1890 : i32 to index
    %swap3A_1892 = arith.constant 112 : index
    %swap3A_1893 = tpu.vector_load %arg5[%swap3A_1891, %swap3A_1892] {strides = array<i32>} : memref<8x128xf32, #tpu.memory_space<vmem>>, vector<1x16xf32>,
    %swap3A_1894 = vector.shape_cast %swap3A_1893 : vector<1x16xf32> to vector<16xf32>
    %swap3A_1895 = vector.shape_cast %select_n3A_1889 : vector<16xf32> to vector<1x16xf32>
    tpu.vector_store %arg5[%swap3A_1891, %swap3A_1892], %swap3A_1895 {strides = array<i32>} : memref<8x128xf32, #tpu.memory_space<vmem>>, vector<1x16xf32>,
    %eq3A_1896 = arith.cmpi eq, %select_n3A_1787, %broadcast_in_dim3A_3 : vector<16xi32>
    %jit3A_1897 = arith.constant 0.000000e+00 : f32
    %broadcast_in_dim3A_1898 = vector.broadcast %jit3A_1897 : f32 to vector<16xf32>
    %select_n3A_1899 = arith.select %eq3A_1896, %mul3A_1821, %broadcast_in_dim3A_1898 : vector<16xi1>, vector<16xf32>
    %eq3A_1900 = arith.cmpi eq, %select_n3A_1812, %broadcast_in_dim3A_3 : vector<16xi32>
    %jit3A_1901 = arith.constant 0.000000e+00 : f32
    %broadcast_in_dim3A_1902 = vector.broadcast %jit3A_1901 : f32 to vector<16xf32>
    %select_n3A_1903 = arith.select %eq3A_1900, %mul3A_1823, %broadcast_in_dim3A_1902 : vector<16xi1>, vector<16xf32>
    %add3A_1904 = arith.addf %select_n3A_1899, %select_n3A_1903 : vector<16xf32>
    %jit3A_1905 = arith.constant 0.000000e+00 : f32
    %broadcast_in_dim3A_1906 = vector.broadcast %jit3A_1905 : f32 to vector<16xf32>
    %select_n3A_1907 = arith.select %gt3A_1760, %add3A_1904, %broadcast_in_dim3A_1906 : vector<16xi1>, vector<16xf32>
    %swap3A_1908 = arith.constant 4 : i32
    %swap3A_1909 = arith.index_cast %swap3A_1908 : i32 to index
    %swap3A_1910 = arith.constant 112 : index
    %swap3A_1911 = tpu.vector_load %arg5[%swap3A_1909, %swap3A_1910] {strides = array<i32>} : memref<8x128xf32, #tpu.memory_space<vmem>>, vector<1x16xf32>,
    %swap3A_1912 = vector.shape_cast %swap3A_1911 : vector<1x16xf32> to vector<16xf32>
    %swap3A_1913 = vector.shape_cast %select_n3A_1907 : vector<16xf32> to vector<1x16xf32>
    tpu.vector_store %arg5[%swap3A_1909, %swap3A_1910], %swap3A_1913 {strides = array<i32>} : memref<8x128xf32, #tpu.memory_space<vmem>>, vector<1x16xf32>,
    %eq3A_1914 = arith.cmpi eq, %select_n3A_1787, %broadcast_in_dim3A_5 : vector<16xi32>
    %jit3A_1915 = arith.constant 0.000000e+00 : f32
    %broadcast_in_dim3A_1916 = vector.broadcast %jit3A_1915 : f32 to vector<16xf32>
    %select_n3A_1917 = arith.select %eq3A_1914, %mul3A_1821, %broadcast_in_dim3A_1916 : vector<16xi1>, vector<16xf32>
    %eq3A_1918 = arith.cmpi eq, %select_n3A_1812, %broadcast_in_dim3A_5 : vector<16xi32>
    %jit3A_1919 = arith.constant 0.000000e+00 : f32
    %broadcast_in_dim3A_1920 = vector.broadcast %jit3A_1919 : f32 to vector<16xf32>
    %select_n3A_1921 = arith.select %eq3A_1918, %mul3A_1823, %broadcast_in_dim3A_1920 : vector<16xi1>, vector<16xf32>
    %add3A_1922 = arith.addf %select_n3A_1917, %select_n3A_1921 : vector<16xf32>
    %jit3A_1923 = arith.constant 0.000000e+00 : f32
    %broadcast_in_dim3A_1924 = vector.broadcast %jit3A_1923 : f32 to vector<16xf32>
    %select_n3A_1925 = arith.select %gt3A_1760, %add3A_1922, %broadcast_in_dim3A_1924 : vector<16xi1>, vector<16xf32>
    %swap3A_1926 = arith.constant 5 : i32
    %swap3A_1927 = arith.index_cast %swap3A_1926 : i32 to index
    %swap3A_1928 = arith.constant 112 : index
    %swap3A_1929 = tpu.vector_load %arg5[%swap3A_1927, %swap3A_1928] {strides = array<i32>} : memref<8x128xf32, #tpu.memory_space<vmem>>, vector<1x16xf32>,
    %swap3A_1930 = vector.shape_cast %swap3A_1929 : vector<1x16xf32> to vector<16xf32>
    %swap3A_1931 = vector.shape_cast %select_n3A_1925 : vector<16xf32> to vector<1x16xf32>
    tpu.vector_store %arg5[%swap3A_1927, %swap3A_1928], %swap3A_1931 {strides = array<i32>} : memref<8x128xf32, #tpu.memory_space<vmem>>, vector<1x16xf32>,
    %eq3A_1932 = arith.cmpi eq, %select_n3A_1787, %broadcast_in_dim3A_7 : vector<16xi32>
    %jit3A_1933 = arith.constant 0.000000e+00 : f32
    %broadcast_in_dim3A_1934 = vector.broadcast %jit3A_1933 : f32 to vector<16xf32>
    %select_n3A_1935 = arith.select %eq3A_1932, %mul3A_1821, %broadcast_in_dim3A_1934 : vector<16xi1>, vector<16xf32>
    %eq3A_1936 = arith.cmpi eq, %select_n3A_1812, %broadcast_in_dim3A_7 : vector<16xi32>
    %jit3A_1937 = arith.constant 0.000000e+00 : f32
    %broadcast_in_dim3A_1938 = vector.broadcast %jit3A_1937 : f32 to vector<16xf32>
    %select_n3A_1939 = arith.select %eq3A_1936, %mul3A_1823, %broadcast_in_dim3A_1938 : vector<16xi1>, vector<16xf32>
    %add3A_1940 = arith.addf %select_n3A_1935, %select_n3A_1939 : vector<16xf32>
    %jit3A_1941 = arith.constant 0.000000e+00 : f32
    %broadcast_in_dim3A_1942 = vector.broadcast %jit3A_1941 : f32 to vector<16xf32>
    %select_n3A_1943 = arith.select %gt3A_1760, %add3A_1940, %broadcast_in_dim3A_1942 : vector<16xi1>, vector<16xf32>
    %swap3A_1944 = arith.constant 6 : i32
    %swap3A_1945 = arith.index_cast %swap3A_1944 : i32 to index
    %swap3A_1946 = arith.constant 112 : index
    %swap3A_1947 = tpu.vector_load %arg5[%swap3A_1945, %swap3A_1946] {strides = array<i32>} : memref<8x128xf32, #tpu.memory_space<vmem>>, vector<1x16xf32>,
    %swap3A_1948 = vector.shape_cast %swap3A_1947 : vector<1x16xf32> to vector<16xf32>
    %swap3A_1949 = vector.shape_cast %select_n3A_1943 : vector<16xf32> to vector<1x16xf32>
    tpu.vector_store %arg5[%swap3A_1945, %swap3A_1946], %swap3A_1949 {strides = array<i32>} : memref<8x128xf32, #tpu.memory_space<vmem>>, vector<1x16xf32>,
    %eq3A_1950 = arith.cmpi eq, %select_n3A_1787, %broadcast_in_dim3A_9 : vector<16xi32>
    %jit3A_1951 = arith.constant 0.000000e+00 : f32
    %broadcast_in_dim3A_1952 = vector.broadcast %jit3A_1951 : f32 to vector<16xf32>
    %select_n3A_1953 = arith.select %eq3A_1950, %mul3A_1821, %broadcast_in_dim3A_1952 : vector<16xi1>, vector<16xf32>
    %eq3A_1954 = arith.cmpi eq, %select_n3A_1812, %broadcast_in_dim3A_9 : vector<16xi32>
    %jit3A_1955 = arith.constant 0.000000e+00 : f32
    %broadcast_in_dim3A_1956 = vector.broadcast %jit3A_1955 : f32 to vector<16xf32>
    %select_n3A_1957 = arith.select %eq3A_1954, %mul3A_1823, %broadcast_in_dim3A_1956 : vector<16xi1>, vector<16xf32>
    %add3A_1958 = arith.addf %select_n3A_1953, %select_n3A_1957 : vector<16xf32>
    %jit3A_1959 = arith.constant 0.000000e+00 : f32
    %broadcast_in_dim3A_1960 = vector.broadcast %jit3A_1959 : f32 to vector<16xf32>
    %select_n3A_1961 = arith.select %gt3A_1760, %add3A_1958, %broadcast_in_dim3A_1960 : vector<16xi1>, vector<16xf32>
    %swap3A_1962 = arith.constant 7 : i32
    %swap3A_1963 = arith.index_cast %swap3A_1962 : i32 to index
    %swap3A_1964 = arith.constant 112 : index
    %swap3A_1965 = tpu.vector_load %arg5[%swap3A_1963, %swap3A_1964] {strides = array<i32>} : memref<8x128xf32, #tpu.memory_space<vmem>>, vector<1x16xf32>,
    %swap3A_1966 = vector.shape_cast %swap3A_1965 : vector<1x16xf32> to vector<16xf32>
    %swap3A_1967 = vector.shape_cast %select_n3A_1961 : vector<16xf32> to vector<1x16xf32>
    tpu.vector_store %arg5[%swap3A_1963, %swap3A_1964], %swap3A_1967 {strides = array<i32>} : memref<8x128xf32, #tpu.memory_space<vmem>>, vector<1x16xf32>,
    "tpu.region"() ({
      %run_scoped3A = tpu.sem_alloc : memref<!tpu.dma_semaphore, #tpu.memory_space<semaphore_mem>>
      %dma_start3A = arith.constant 0 : i32
      %dma_start3A_1968 = tpu.memref_slice %arg3[%dma_start3A, %mul3A_2] : memref<8x4096xf32, #tpu.memory_space<hbm>> -> memref<8x128xf32, #tpu.memory_space<hbm>>
      %dma_start3A_1969 = arith.constant 0 : i32
      %dma_start3A_1970 = tpu.memref_slice %arg3[%dma_start3A_1969, %mul3A_2] : memref<8x4096xf32, #tpu.memory_space<hbm>> -> memref<8x128xf32, #tpu.memory_space<hbm>>
      tpu.enqueue_dma source(%arg5 : memref<8x128xf32, #tpu.memory_space<vmem>>) target(%dma_start3A_1970 : memref<8x128xf32, #tpu.memory_space<hbm>>) target_semaphore(%run_scoped3A : memref<!tpu.dma_semaphore, #tpu.memory_space<semaphore_mem>>)
      %dma_wait3A = arith.constant 0 : i32
      %dma_wait3A_1971 = tpu.memref_slice %arg3[%dma_wait3A, %mul3A_2] : memref<8x4096xf32, #tpu.memory_space<hbm>> -> memref<8x128xf32, #tpu.memory_space<hbm>>
      %dma_wait3A_1972 = arith.constant 0 : i32
      %dma_wait3A_1973 = tpu.memref_slice %arg3[%dma_wait3A_1972, %mul3A_2] : memref<8x4096xf32, #tpu.memory_space<hbm>> -> memref<8x128xf32, #tpu.memory_space<hbm>>
      tpu.wait_dma2 semaphore(%run_scoped3A : memref<!tpu.dma_semaphore, #tpu.memory_space<semaphore_mem>>) src(%arg5 : memref<8x128xf32, #tpu.memory_space<vmem>>) dst(%dma_wait3A_1973 : memref<8x128xf32, #tpu.memory_space<hbm>>)
      tpu.yield
    }) : () -> ()
    return
  }
}

module attributes {stable_mosaic.version = 14 : i64} {
  func.func @_rlog_body(%arg0: i32, %arg1: memref<512x768xf32, #tpu.memory_space<vmem>>, %arg2: memref<768x8xf32, #tpu.memory_space<vmem>>, %arg3: memref<8x512xf32, #tpu.memory_space<vmem>>) attributes {dimension_semantics = [#tpu.dimension_semantics<arbitrary>], iteration_bounds = array<i64: 8>, scalar_prefetch = 0 : i64, scratch_operands = 0 : i64, tpu.core_type = #tpu.core_type<tc>, window_params = [{transform_indices = @transform_0, window_bounds = array<i64: 512, 768>}, {pipeline_mode = #tpu.pipeline_mode<synchronous>, transform_indices = @transform_1, window_bounds = array<i64: 768, 8>}, {transform_indices = @transform_2, window_bounds = array<i64: 8, 512>}]} {
    %get3A = arith.constant 0 : index
    %get3A_0 = arith.constant 0 : index
    %get3A_1 = vector.load %arg2[%get3A, %get3A_0] : memref<768x8xf32, #tpu.memory_space<vmem>>, vector<768x8xf32>
    %get3A_2 = arith.constant 0 : index
    %get3A_3 = arith.constant 0 : index
    %get3A_4 = vector.load %arg1[%get3A_2, %get3A_3] : memref<512x768xf32, #tpu.memory_space<vmem>>, vector<512x768xf32>
    %dot_general3A = arith.constant dense<0.000000e+00> : vector<8x512xf32>
    %dot_general3A_5 = tpu.matmul %get3A_1, %get3A_4, %dot_general3A {dimension_numbers = #tpu.dot_dimension_numbers<[0], [1], [1], [0], [0, 1, 1, 0], [], []>, transpose_lhs_hint = false} : vector<768x8xf32>, vector<512x768xf32>, vector<8x512xf32> -> vector<8x512xf32>
    %swap3A = arith.constant 0 : index
    %swap3A_6 = arith.constant 0 : index
    %swap3A_7 = vector.load %arg3[%swap3A, %swap3A_6] : memref<8x512xf32, #tpu.memory_space<vmem>>, vector<8x512xf32>
    tpu.vector_store %arg3[%swap3A, %swap3A_6], %dot_general3A_5 {strides = array<i32>} : memref<8x512xf32, #tpu.memory_space<vmem>>, vector<8x512xf32>,
    return
  }
  func.func @transform_0(%arg0: i32) -> (i32, i32) {
    %c0_i32 = arith.constant 0 : i32
    %c0_i32_0 = arith.constant 0 : i32
    return %arg0, %c0_i32 : i32, i32
  }
  func.func @transform_1(%arg0: i32) -> (i32, i32) {
    %c0_i32 = arith.constant 0 : i32
    %c0_i32_0 = arith.constant 0 : i32
    %c0_i32_1 = arith.constant 0 : i32
    return %c0_i32, %c0_i32_0 : i32, i32
  }
  func.func @transform_2(%arg0: i32) -> (i32, i32) {
    %c0_i32 = arith.constant 0 : i32
    %c0_i32_0 = arith.constant 0 : i32
    return %c0_i32, %arg0 : i32, i32
  }
}

module attributes {stable_mosaic.version = 14 : i64} {
  func.func @_pre_body(%arg0: memref<96x1536xf32, #tpu.memory_space<vmem>>, %arg1: memref<1536x768xf32, #tpu.memory_space<vmem>>, %arg2: memref<96x1536xf32, #tpu.memory_space<vmem>>, %arg3: memref<1536x768xf32, #tpu.memory_space<vmem>>, %arg4: memref<96x768xf32, #tpu.memory_space<vmem>>, %arg5: memref<96x768xf32, #tpu.memory_space<vmem>>) attributes {dimension_semantics = [], scalar_prefetch = 0 : i64, scratch_operands = 0 : i64, tpu.core_type = #tpu.core_type<tc>} {
    %get3A = arith.constant 0 : index
    %get3A_0 = arith.constant 0 : index
    %get3A_1 = vector.load %arg0[%get3A, %get3A_0] : memref<96x1536xf32, #tpu.memory_space<vmem>>, vector<96x1536xf32>
    %get3A_2 = arith.constant 0 : index
    %get3A_3 = arith.constant 0 : index
    %get3A_4 = vector.load %arg1[%get3A_2, %get3A_3] : memref<1536x768xf32, #tpu.memory_space<vmem>>, vector<1536x768xf32>
    %dot_general3A = arith.constant dense<0.000000e+00> : vector<96x768xf32>
    %dot_general3A_5 = tpu.matmul %get3A_1, %get3A_4, %dot_general3A {dimension_numbers = #tpu.dot_dimension_numbers<[1], [0], [0], [1], [0, 0, 1, 1], [], []>, transpose_lhs_hint = false} : vector<96x1536xf32>, vector<1536x768xf32>, vector<96x768xf32> -> vector<96x768xf32>
    %swap3A = arith.constant 0 : index
    %swap3A_6 = arith.constant 0 : index
    %swap3A_7 = vector.load %arg4[%swap3A, %swap3A_6] : memref<96x768xf32, #tpu.memory_space<vmem>>, vector<96x768xf32>
    tpu.vector_store %arg4[%swap3A, %swap3A_6], %dot_general3A_5 {strides = array<i32>} : memref<96x768xf32, #tpu.memory_space<vmem>>, vector<96x768xf32>,
    %get3A_8 = arith.constant 0 : index
    %get3A_9 = arith.constant 0 : index
    %get3A_10 = vector.load %arg2[%get3A_8, %get3A_9] : memref<96x1536xf32, #tpu.memory_space<vmem>>, vector<96x1536xf32>
    %get3A_11 = arith.constant 0 : index
    %get3A_12 = arith.constant 0 : index
    %get3A_13 = vector.load %arg3[%get3A_11, %get3A_12] : memref<1536x768xf32, #tpu.memory_space<vmem>>, vector<1536x768xf32>
    %dot_general3A_14 = arith.constant dense<0.000000e+00> : vector<96x768xf32>
    %dot_general3A_15 = tpu.matmul %get3A_10, %get3A_13, %dot_general3A_14 {dimension_numbers = #tpu.dot_dimension_numbers<[1], [0], [0], [1], [0, 0, 1, 1], [], []>, transpose_lhs_hint = false} : vector<96x1536xf32>, vector<1536x768xf32>, vector<96x768xf32> -> vector<96x768xf32>
    %swap3A_16 = arith.constant 0 : index
    %swap3A_17 = arith.constant 0 : index
    %swap3A_18 = vector.load %arg5[%swap3A_16, %swap3A_17] : memref<96x768xf32, #tpu.memory_space<vmem>>, vector<96x768xf32>
    tpu.vector_store %arg5[%swap3A_16, %swap3A_17], %dot_general3A_15 {strides = array<i32>} : memref<96x768xf32, #tpu.memory_space<vmem>>, vector<96x768xf32>,
    return
  }
}

module attributes {stable_mosaic.version = 14 : i64} {
  func.func @_fused_body(%arg0: i32, %arg1: i32, %arg2: i32, %arg3: memref<1x512x768xf32, #tpu.memory_space<vmem>>, %arg4: memref<8x512xf32, #tpu.memory_space<vmem>>, %arg5: memref<768x1536xbf16, #tpu.memory_space<vmem>>, %arg6: memref<768x1536xbf16, #tpu.memory_space<vmem>>, %arg7: memref<1536x768xbf16, #tpu.memory_space<vmem>>, %arg8: memref<768x96xbf16, #tpu.memory_space<vmem>>, %arg9: memref<1536x96xbf16, #tpu.memory_space<vmem>>, %arg10: memref<1x96xf32, #tpu.memory_space<vmem>>, %arg11: memref<1x96xf32, #tpu.memory_space<vmem>>, %arg12: memref<96x768xf32, #tpu.memory_space<vmem>>, %arg13: memref<1x768xf32, #tpu.memory_space<vmem>>, %arg14: memref<8x96xf32, #tpu.memory_space<vmem>>, %arg15: memref<768x8xf32, #tpu.memory_space<vmem>>, %arg16: memref<8x768xf32, #tpu.memory_space<vmem>>, %arg17: memref<96x768xf32, #tpu.memory_space<vmem>>, %arg18: memref<96x768xf32, #tpu.memory_space<vmem>>, %arg19: memref<1x512x768xf32, #tpu.memory_space<vmem>>, %arg20: memref<2048x768xf32, #tpu.memory_space<vmem>>, %arg21: memref<2048x96xf32, #tpu.memory_space<vmem>>, %arg22: memref<2048x96xf32, #tpu.memory_space<vmem>>, %arg23: memref<2048x96xf32, #tpu.memory_space<vmem>>) attributes {dimension_semantics = [#tpu.dimension_semantics<arbitrary>, #tpu.dimension_semantics<arbitrary>, #tpu.dimension_semantics<arbitrary>], iteration_bounds = array<i64: 2, 2, 4>, scalar_prefetch = 0 : i64, scratch_operands = 4 : i64, tpu.core_type = #tpu.core_type<tc>, window_params = [{transform_indices = @transform_0, window_bounds = array<i64: 1, 512, 768>}, {transform_indices = @transform_1, window_bounds = array<i64: 8, 512>}, {pipeline_mode = #tpu.pipeline_mode<synchronous>, transform_indices = @transform_2, window_bounds = array<i64: 768, 1536>}, {pipeline_mode = #tpu.pipeline_mode<synchronous>, transform_indices = @transform_3, window_bounds = array<i64: 768, 1536>}, {pipeline_mode = #tpu.pipeline_mode<synchronous>, transform_indices = @transform_4, window_bounds = array<i64: 1536, 768>}, {pipeline_mode = #tpu.pipeline_mode<synchronous>, transform_indices = @transform_5, window_bounds = array<i64: 768, 96>}, {pipeline_mode = #tpu.pipeline_mode<synchronous>, transform_indices = @transform_6, window_bounds = array<i64: 1536, 96>}, {pipeline_mode = #tpu.pipeline_mode<synchronous>, transform_indices = @transform_7, window_bounds = array<i64: 1, 96>}, {pipeline_mode = #tpu.pipeline_mode<synchronous>, transform_indices = @transform_8, window_bounds = array<i64: 1, 96>}, {pipeline_mode = #tpu.pipeline_mode<synchronous>, transform_indices = @transform_9, window_bounds = array<i64: 96, 768>}, {pipeline_mode = #tpu.pipeline_mode<synchronous>, transform_indices = @transform_10, window_bounds = array<i64: 1, 768>}, {pipeline_mode = #tpu.pipeline_mode<synchronous>, transform_indices = @transform_11, window_bounds = array<i64: 8, 96>}, {pipeline_mode = #tpu.pipeline_mode<synchronous>, transform_indices = @transform_12, window_bounds = array<i64: 768, 8>}, {pipeline_mode = #tpu.pipeline_mode<synchronous>, transform_indices = @transform_13, window_bounds = array<i64: 8, 768>}, {pipeline_mode = #tpu.pipeline_mode<synchronous>, transform_indices = @transform_14, window_bounds = array<i64: 96, 768>}, {pipeline_mode = #tpu.pipeline_mode<synchronous>, transform_indices = @transform_15, window_bounds = array<i64: 96, 768>}, {transform_indices = @transform_16, window_bounds = array<i64: 1, 512, 768>}]} {
    %mul3A = arith.constant 512 : i32
    %mul3A_0 = arith.muli %arg2, %mul3A : i32
    %eq3A = arith.constant 0 : i32
    %eq3A_1 = arith.cmpi eq, %arg1, %eq3A : i32
    %convert_element_type3A = arith.extui %eq3A_1 : i1 to i32
    %cond3A = arith.constant 0 : i32
    %cond3A_2 = arith.cmpi ne, %convert_element_type3A, %cond3A : i32
    scf.if %cond3A_2 {
      %get3A = arith.constant 0 : index
      %get3A_8 = arith.constant 0 : index
      %get3A_9 = arith.constant 0 : index
      %get3A_10 = vector.load %arg3[%get3A, %get3A_8, %get3A_9] : memref<1x512x768xf32, #tpu.memory_space<vmem>>, vector<1x512x768xf32>
      %get3A_11 = vector.shape_cast %get3A_10 : vector<1x512x768xf32> to vector<512x768xf32>
      %convert_element_type3A_12 = arith.truncf %get3A_11 : vector<512x768xf32> to vector<512x768xbf16>
      %get3A_13 = arith.constant 0 : index
      %get3A_14 = arith.constant 0 : index
      %get3A_15 = vector.load %arg5[%get3A_13, %get3A_14] : memref<768x1536xbf16, #tpu.memory_space<vmem>>, vector<768x1536xbf16>
      %dot_general3A = arith.constant dense<0.000000e+00> : vector<512x1536xf32>
      %dot_general3A_16 = tpu.matmul %convert_element_type3A_12, %get3A_15, %dot_general3A {dimension_numbers = #tpu.dot_dimension_numbers<[1], [0], [0], [1], [0, 0, 1, 1], [], []>, transpose_lhs_hint = false} : vector<512x768xbf16>, vector<768x1536xbf16>, vector<512x1536xf32> -> vector<512x1536xf32>
      %get3A_17 = arith.constant 0 : index
      %get3A_18 = arith.constant 0 : index
      %get3A_19 = vector.load %arg6[%get3A_17, %get3A_18] : memref<768x1536xbf16, #tpu.memory_space<vmem>>, vector<768x1536xbf16>
      %dot_general3A_20 = arith.constant dense<0.000000e+00> : vector<512x1536xf32>
      %dot_general3A_21 = tpu.matmul %convert_element_type3A_12, %get3A_19, %dot_general3A_20 {dimension_numbers = #tpu.dot_dimension_numbers<[1], [0], [0], [1], [0, 0, 1, 1], [], []>, transpose_lhs_hint = false} : vector<512x768xbf16>, vector<768x1536xbf16>, vector<512x1536xf32> -> vector<512x1536xf32>
      %logistic3A = arith.negf %dot_general3A_21 : vector<512x1536xf32>
      %logistic3A_22 = math.exp %logistic3A : vector<512x1536xf32>
      %logistic3A_23 = arith.constant 1.000000e+00 : f32
      %logistic3A_24 = vector.broadcast %logistic3A_23 : f32 to vector<512x1536xf32>
      %logistic3A_25 = arith.addf %logistic3A_24, %logistic3A_22 : vector<512x1536xf32>
      %logistic3A_26 = arith.divf %logistic3A_24, %logistic3A_25 : vector<512x1536xf32>
      %mul3A_27 = arith.mulf %dot_general3A_21, %logistic3A_26 : vector<512x1536xf32>
      %mul3A_28 = arith.mulf %mul3A_27, %dot_general3A_16 : vector<512x1536xf32>
      %convert_element_type3A_29 = arith.truncf %mul3A_28 : vector<512x1536xf32> to vector<512x1536xbf16>
      %get3A_30 = arith.constant 0 : index
      %get3A_31 = arith.constant 0 : index
      %get3A_32 = vector.load %arg7[%get3A_30, %get3A_31] : memref<1536x768xbf16, #tpu.memory_space<vmem>>, vector<1536x768xbf16>
      %dot_general3A_33 = arith.constant dense<0.000000e+00> : vector<512x768xf32>
      %dot_general3A_34 = tpu.matmul %convert_element_type3A_29, %get3A_32, %dot_general3A_33 {dimension_numbers = #tpu.dot_dimension_numbers<[1], [0], [0], [1], [0, 0, 1, 1], [], []>, transpose_lhs_hint = false} : vector<512x1536xbf16>, vector<1536x768xbf16>, vector<512x768xf32> -> vector<512x768xf32>
      %swap3A = arith.index_cast %mul3A_0 : i32 to index
      %swap3A_35 = arith.constant 0 : index
      %swap3A_36 = vector.load %arg20[%swap3A, %swap3A_35] : memref<2048x768xf32, #tpu.memory_space<vmem>>, vector<512x768xf32>
      tpu.vector_store %arg20[%swap3A, %swap3A_35], %dot_general3A_34 {strides = array<i32>} : memref<2048x768xf32, #tpu.memory_space<vmem>>, vector<512x768xf32>,
      %get3A_37 = arith.constant 0 : index
      %get3A_38 = arith.constant 0 : index
      %get3A_39 = vector.load %arg8[%get3A_37, %get3A_38] : memref<768x96xbf16, #tpu.memory_space<vmem>>, vector<768x96xbf16>
      %dot_general3A_40 = arith.constant dense<0.000000e+00> : vector<512x96xf32>
      %dot_general3A_41 = tpu.matmul %convert_element_type3A_12, %get3A_39, %dot_general3A_40 {dimension_numbers = #tpu.dot_dimension_numbers<[1], [0], [0], [1], [0, 0, 1, 1], [], []>, transpose_lhs_hint = false} : vector<512x768xbf16>, vector<768x96xbf16>, vector<512x96xf32> -> vector<512x96xf32>
      %swap3A_42 = arith.index_cast %mul3A_0 : i32 to index
      %swap3A_43 = arith.constant 0 : index
      %swap3A_44 = vector.load %arg21[%swap3A_42, %swap3A_43] : memref<2048x96xf32, #tpu.memory_space<vmem>>, vector<512x96xf32>
      tpu.vector_store %arg21[%swap3A_42, %swap3A_43], %dot_general3A_41 {strides = array<i32>} : memref<2048x96xf32, #tpu.memory_space<vmem>>, vector<512x96xf32>,
      %get3A_45 = arith.constant 0 : index
      %get3A_46 = arith.constant 0 : index
      %get3A_47 = vector.load %arg10[%get3A_45, %get3A_46] : memref<1x96xf32, #tpu.memory_space<vmem>>, vector<1x96xf32>
      %get3A_48 = arith.constant 0 : index
      %get3A_49 = arith.constant 0 : index
      %get3A_50 = vector.load %arg11[%get3A_48, %get3A_49] : memref<1x96xf32, #tpu.memory_space<vmem>>, vector<1x96xf32>
      %reduce_sum3A = arith.constant dense<0.000000e+00> : vector<512xf32>
      %reduce_sum3A_51 = vector.multi_reduction <add>, %dot_general3A_41, %reduce_sum3A [1] : vector<512x96xf32> to vector<512xf32>
      %broadcast_in_dim3A = vector.shape_cast %reduce_sum3A_51 : vector<512xf32> to vector<512x1xf32>
      %div3A = arith.constant 9.600000e+01 : f32
      %div3A_52 = vector.broadcast %div3A : f32 to vector<512x1xf32>
      %div3A_53 = arith.divf %broadcast_in_dim3A, %div3A_52 : vector<512x1xf32>
      %jit3A = arith.constant 0 : i32
      %reduce_sum3A_54 = arith.constant dense<0.000000e+00> : vector<512xf32>
      %reduce_sum3A_55 = vector.multi_reduction <add>, %dot_general3A_41, %reduce_sum3A_54 [1] : vector<512x96xf32> to vector<512xf32>
      %broadcast_in_dim3A_56 = vector.shape_cast %reduce_sum3A_55 : vector<512xf32> to vector<512x1xf32>
      %div3A_57 = arith.constant 9.600000e+01 : f32
      %div3A_58 = vector.broadcast %div3A_57 : f32 to vector<512x1xf32>
      %div3A_59 = arith.divf %broadcast_in_dim3A_56, %div3A_58 : vector<512x1xf32>
      %sub3A = vector.broadcast %div3A_59 : vector<512x1xf32> to vector<512x96xf32>
      %sub3A_60 = arith.subf %dot_general3A_41, %sub3A : vector<512x96xf32>
      %square3A = arith.mulf %sub3A_60, %sub3A_60 : vector<512x96xf32>
      %convert_element_type3A_61 = arith.sitofp %jit3A : i32 to f32
      %sub3A_62 = arith.constant 9.600000e+01 : f32
      %sub3A_63 = arith.subf %sub3A_62, %convert_element_type3A_61 : f32
      %reduce_sum3A_64 = arith.constant dense<0.000000e+00> : vector<512xf32>
      %reduce_sum3A_65 = vector.multi_reduction <add>, %square3A, %reduce_sum3A_64 [1] : vector<512x96xf32> to vector<512xf32>
      %broadcast_in_dim3A_66 = vector.shape_cast %reduce_sum3A_65 : vector<512xf32> to vector<512x1xf32>
      %div3A_67 = vector.broadcast %sub3A_63 : f32 to vector<512x1xf32>
      %div3A_68 = arith.divf %broadcast_in_dim3A_66, %div3A_67 : vector<512x1xf32>
      %gt3A = arith.constant 0.000000e+00 : f32
      %gt3A_69 = arith.cmpf ogt, %sub3A_63, %gt3A : f32
      %jit3A_70 = arith.constant 0x7FC00000 : f32
      %broadcast_in_dim3A_71 = vector.broadcast %jit3A_70 : f32 to vector<512x1xf32>
      %select_n3A = arith.select %gt3A_69, %div3A_68, %broadcast_in_dim3A_71 : vector<512x1xf32>
      %sub3A_72 = vector.broadcast %div3A_53 : vector<512x1xf32> to vector<512x96xf32>
      %sub3A_73 = arith.subf %dot_general3A_41, %sub3A_72 : vector<512x96xf32>
      %add3A = arith.constant 9.99999974E-6 : f32
      %add3A_74 = vector.broadcast %add3A : f32 to vector<512x1xf32>
      %add3A_75 = arith.addf %select_n3A, %add3A_74 : vector<512x1xf32>
      %sqrt3A = math.sqrt %add3A_75 : vector<512x1xf32>
      %div3A_76 = vector.broadcast %sqrt3A : vector<512x1xf32> to vector<512x96xf32>
      %div3A_77 = arith.divf %sub3A_73, %div3A_76 : vector<512x96xf32>
      %mul3A_78 = vector.broadcast %get3A_47 : vector<1x96xf32> to vector<512x96xf32>
      %mul3A_79 = arith.mulf %div3A_77, %mul3A_78 : vector<512x96xf32>
      %add3A_80 = vector.broadcast %get3A_50 : vector<1x96xf32> to vector<512x96xf32>
      %add3A_81 = arith.addf %mul3A_79, %add3A_80 : vector<512x96xf32>
      %swap3A_82 = arith.index_cast %mul3A_0 : i32 to index
      %swap3A_83 = arith.constant 0 : index
      %swap3A_84 = vector.load %arg22[%swap3A_82, %swap3A_83] : memref<2048x96xf32, #tpu.memory_space<vmem>>, vector<512x96xf32>
      tpu.vector_store %arg22[%swap3A_82, %swap3A_83], %add3A_81 {strides = array<i32>} : memref<2048x96xf32, #tpu.memory_space<vmem>>, vector<512x96xf32>,
      %get3A_85 = arith.constant 0 : index
      %get3A_86 = arith.constant 0 : index
      %get3A_87 = vector.load %arg9[%get3A_85, %get3A_86] : memref<1536x96xbf16, #tpu.memory_space<vmem>>, vector<1536x96xbf16>
      %dot_general3A_88 = arith.constant dense<0.000000e+00> : vector<512x96xf32>
      %dot_general3A_89 = tpu.matmul %convert_element_type3A_29, %get3A_87, %dot_general3A_88 {dimension_numbers = #tpu.dot_dimension_numbers<[1], [0], [0], [1], [0, 0, 1, 1], [], []>, transpose_lhs_hint = false} : vector<512x1536xbf16>, vector<1536x96xbf16>, vector<512x96xf32> -> vector<512x96xf32>
      %reduce_sum3A_90 = arith.constant dense<0.000000e+00> : vector<512xf32>
      %reduce_sum3A_91 = vector.multi_reduction <add>, %dot_general3A_89, %reduce_sum3A_90 [1] : vector<512x96xf32> to vector<512xf32>
      %broadcast_in_dim3A_92 = vector.shape_cast %reduce_sum3A_91 : vector<512xf32> to vector<512x1xf32>
      %div3A_93 = arith.constant 9.600000e+01 : f32
      %div3A_94 = vector.broadcast %div3A_93 : f32 to vector<512x1xf32>
      %div3A_95 = arith.divf %broadcast_in_dim3A_92, %div3A_94 : vector<512x1xf32>
      %jit3A_96 = arith.constant 0 : i32
      %reduce_sum3A_97 = arith.constant dense<0.000000e+00> : vector<512xf32>
      %reduce_sum3A_98 = vector.multi_reduction <add>, %dot_general3A_89, %reduce_sum3A_97 [1] : vector<512x96xf32> to vector<512xf32>
      %broadcast_in_dim3A_99 = vector.shape_cast %reduce_sum3A_98 : vector<512xf32> to vector<512x1xf32>
      %div3A_100 = arith.constant 9.600000e+01 : f32
      %div3A_101 = vector.broadcast %div3A_100 : f32 to vector<512x1xf32>
      %div3A_102 = arith.divf %broadcast_in_dim3A_99, %div3A_101 : vector<512x1xf32>
      %sub3A_103 = vector.broadcast %div3A_102 : vector<512x1xf32> to vector<512x96xf32>
      %sub3A_104 = arith.subf %dot_general3A_89, %sub3A_103 : vector<512x96xf32>
      %square3A_105 = arith.mulf %sub3A_104, %sub3A_104 : vector<512x96xf32>
      %convert_element_type3A_106 = arith.sitofp %jit3A_96 : i32 to f32
      %sub3A_107 = arith.constant 9.600000e+01 : f32
      %sub3A_108 = arith.subf %sub3A_107, %convert_element_type3A_106 : f32
      %reduce_sum3A_109 = arith.constant dense<0.000000e+00> : vector<512xf32>
      %reduce_sum3A_110 = vector.multi_reduction <add>, %square3A_105, %reduce_sum3A_109 [1] : vector<512x96xf32> to vector<512xf32>
      %broadcast_in_dim3A_111 = vector.shape_cast %reduce_sum3A_110 : vector<512xf32> to vector<512x1xf32>
      %div3A_112 = vector.broadcast %sub3A_108 : f32 to vector<512x1xf32>
      %div3A_113 = arith.divf %broadcast_in_dim3A_111, %div3A_112 : vector<512x1xf32>
      %gt3A_114 = arith.constant 0.000000e+00 : f32
      %gt3A_115 = arith.cmpf ogt, %sub3A_108, %gt3A_114 : f32
      %jit3A_116 = arith.constant 0x7FC00000 : f32
      %broadcast_in_dim3A_117 = vector.broadcast %jit3A_116 : f32 to vector<512x1xf32>
      %select_n3A_118 = arith.select %gt3A_115, %div3A_113, %broadcast_in_dim3A_117 : vector<512x1xf32>
      %sub3A_119 = vector.broadcast %div3A_95 : vector<512x1xf32> to vector<512x96xf32>
      %sub3A_120 = arith.subf %dot_general3A_89, %sub3A_119 : vector<512x96xf32>
      %add3A_121 = arith.constant 9.99999974E-6 : f32
      %add3A_122 = vector.broadcast %add3A_121 : f32 to vector<512x1xf32>
      %add3A_123 = arith.addf %select_n3A_118, %add3A_122 : vector<512x1xf32>
      %sqrt3A_124 = math.sqrt %add3A_123 : vector<512x1xf32>
      %div3A_125 = vector.broadcast %sqrt3A_124 : vector<512x1xf32> to vector<512x96xf32>
      %div3A_126 = arith.divf %sub3A_120, %div3A_125 : vector<512x96xf32>
      %mul3A_127 = vector.broadcast %get3A_47 : vector<1x96xf32> to vector<512x96xf32>
      %mul3A_128 = arith.mulf %div3A_126, %mul3A_127 : vector<512x96xf32>
      %add3A_129 = vector.broadcast %get3A_50 : vector<1x96xf32> to vector<512x96xf32>
      %add3A_130 = arith.addf %mul3A_128, %add3A_129 : vector<512x96xf32>
      %swap3A_131 = arith.index_cast %mul3A_0 : i32 to index
      %swap3A_132 = arith.constant 0 : index
      %swap3A_133 = vector.load %arg23[%swap3A_131, %swap3A_132] : memref<2048x96xf32, #tpu.memory_space<vmem>>, vector<512x96xf32>
      tpu.vector_store %arg23[%swap3A_131, %swap3A_132], %add3A_130 {strides = array<i32>} : memref<2048x96xf32, #tpu.memory_space<vmem>>, vector<512x96xf32>,
    } else {
    }
    %eq3A_3 = arith.constant 1 : i32
    %eq3A_4 = arith.cmpi eq, %arg1, %eq3A_3 : i32
    %convert_element_type3A_5 = arith.extui %eq3A_4 : i1 to i32
    %cond3A_6 = arith.constant 0 : i32
    %cond3A_7 = arith.cmpi ne, %convert_element_type3A_5, %cond3A_6 : i32
    scf.if %cond3A_7 {
      %get3A = arith.constant 0 : index
      %get3A_8 = arith.constant 0 : index
      %get3A_9 = vector.load %arg22[%get3A, %get3A_8] : memref<2048x96xf32, #tpu.memory_space<vmem>>, vector<2048x96xf32>
      %get3A_10 = arith.constant 0 : index
      %get3A_11 = arith.constant 0 : index
      %get3A_12 = vector.load %arg23[%get3A_10, %get3A_11] : memref<2048x96xf32, #tpu.memory_space<vmem>>, vector<2048x96xf32>
      %get3A_13 = arith.index_cast %mul3A_0 : i32 to index
      %get3A_14 = arith.constant 0 : index
      %get3A_15 = vector.load %arg22[%get3A_13, %get3A_14] : memref<2048x96xf32, #tpu.memory_space<vmem>>, vector<512x96xf32>
      %convert_element_type3A_16 = arith.truncf %get3A_15 : vector<512x96xf32> to vector<512x96xbf16>
      %convert_element_type3A_17 = arith.truncf %get3A_12 : vector<2048x96xf32> to vector<2048x96xbf16>
      %dot_general3A = arith.constant dense<0.000000e+00> : vector<512x2048xf32>
      %dot_general3A_18 = tpu.matmul %convert_element_type3A_16, %convert_element_type3A_17, %dot_general3A {dimension_numbers = #tpu.dot_dimension_numbers<[1], [1], [0], [0], [0, 0, 1, 0], [], []>, transpose_lhs_hint = false} : vector<512x96xbf16>, vector<2048x96xbf16>, vector<512x2048xf32> -> vector<512x2048xf32>
      %jit3A = arith.constant -5.000000e+00 : f32
      %jit3A_19 = arith.constant 5.000000e+00 : f32
      %max3A = vector.broadcast %jit3A : f32 to vector<512x2048xf32>
      %max3A_20 = arith.maximumf %max3A, %dot_general3A_18 : vector<512x2048xf32>
      %min3A = vector.broadcast %jit3A_19 : f32 to vector<512x2048xf32>
      %min3A_21 = arith.minimumf %min3A, %max3A_20 : vector<512x2048xf32>
      %logistic3A = arith.negf %min3A_21 : vector<512x2048xf32>
      %logistic3A_22 = math.exp %logistic3A : vector<512x2048xf32>
      %logistic3A_23 = arith.constant 1.000000e+00 : f32
      %logistic3A_24 = vector.broadcast %logistic3A_23 : f32 to vector<512x2048xf32>
      %logistic3A_25 = arith.addf %logistic3A_24, %logistic3A_22 : vector<512x2048xf32>
      %logistic3A_26 = arith.divf %logistic3A_24, %logistic3A_25 : vector<512x2048xf32>
      %mul3A_27 = arith.mulf %min3A_21, %logistic3A_26 : vector<512x2048xf32>
      %convert_element_type3A_28 = arith.truncf %mul3A_27 : vector<512x2048xf32> to vector<512x2048xbf16>
      %convert_element_type3A_29 = arith.truncf %get3A_9 : vector<2048x96xf32> to vector<2048x96xbf16>
      %dot_general3A_30 = arith.constant dense<0.000000e+00> : vector<512x96xf32>
      %dot_general3A_31 = tpu.matmul %convert_element_type3A_28, %convert_element_type3A_29, %dot_general3A_30 {dimension_numbers = #tpu.dot_dimension_numbers<[1], [0], [0], [1], [0, 0, 1, 1], [], []>, transpose_lhs_hint = false} : vector<512x2048xbf16>, vector<2048x96xbf16>, vector<512x96xf32> -> vector<512x96xf32>
      %get3A_32 = arith.constant 0 : index
      %get3A_33 = arith.constant 0 : index
      %get3A_34 = vector.load %arg17[%get3A_32, %get3A_33] : memref<96x768xf32, #tpu.memory_space<vmem>>, vector<96x768xf32>
      %dot_general3A_35 = arith.constant dense<0.000000e+00> : vector<512x768xf32>
      %dot_general3A_36 = tpu.matmul %dot_general3A_31, %get3A_34, %dot_general3A_35 {dimension_numbers = #tpu.dot_dimension_numbers<[1], [0], [0], [1], [0, 0, 1, 1], [], []>, transpose_lhs_hint = false} : vector<512x96xf32>, vector<96x768xf32>, vector<512x768xf32> -> vector<512x768xf32>
      %get3A_37 = arith.index_cast %mul3A_0 : i32 to index
      %get3A_38 = arith.constant 0 : index
      %get3A_39 = vector.load %arg20[%get3A_37, %get3A_38] : memref<2048x768xf32, #tpu.memory_space<vmem>>, vector<512x768xf32>
      %mul3A_40 = arith.constant 1.000000e-01 : f32
      %mul3A_41 = vector.broadcast %mul3A_40 : f32 to vector<512x768xf32>
      %mul3A_42 = arith.mulf %mul3A_41, %dot_general3A_36 : vector<512x768xf32>
      %add3A = arith.addf %get3A_39, %mul3A_42 : vector<512x768xf32>
      %get3A_43 = arith.constant 0 : index
      %get3A_44 = arith.constant 0 : index
      %get3A_45 = vector.load %arg4[%get3A_43, %get3A_44] : memref<8x512xf32, #tpu.memory_space<vmem>>, vector<8x512xf32>
      %transpose3A = tpu.transpose %get3A_45, [1, 0] : vector<8x512xf32> -> vector<512x8xf32>
      %reduce_sum3A = arith.constant dense<0.000000e+00> : vector<512xf32>
      %reduce_sum3A_46 = vector.multi_reduction <add>, %transpose3A, %reduce_sum3A [1] : vector<512x8xf32> to vector<512xf32>
      %broadcast_in_dim3A = vector.shape_cast %reduce_sum3A_46 : vector<512xf32> to vector<512x1xf32>
      %get3A_47 = arith.index_cast %mul3A_0 : i32 to index
      %get3A_48 = arith.constant 0 : index
      %get3A_49 = vector.load %arg21[%get3A_47, %get3A_48] : memref<2048x96xf32, #tpu.memory_space<vmem>>, vector<512x96xf32>
      %get3A_50 = arith.constant 0 : index
      %get3A_51 = arith.constant 0 : index
      %get3A_52 = vector.load %arg12[%get3A_50, %get3A_51] : memref<96x768xf32, #tpu.memory_space<vmem>>, vector<96x768xf32>
      %dot_general3A_53 = arith.constant dense<0.000000e+00> : vector<512x768xf32>
      %dot_general3A_54 = tpu.matmul %get3A_49, %get3A_52, %dot_general3A_53 {dimension_numbers = #tpu.dot_dimension_numbers<[1], [0], [0], [1], [0, 0, 1, 1], [], []>, transpose_lhs_hint = false} : vector<512x96xf32>, vector<96x768xf32>, vector<512x768xf32> -> vector<512x768xf32>
      %get3A_55 = arith.constant 0 : index
      %get3A_56 = arith.constant 0 : index
      %get3A_57 = vector.load %arg15[%get3A_55, %get3A_56] : memref<768x8xf32, #tpu.memory_space<vmem>>, vector<768x8xf32>
      %dot_general3A_58 = arith.constant dense<0.000000e+00> : vector<512x8xf32>
      %dot_general3A_59 = tpu.matmul %dot_general3A_54, %get3A_57, %dot_general3A_58 {dimension_numbers = #tpu.dot_dimension_numbers<[1], [0], [0], [1], [0, 0, 1, 1], [], []>, transpose_lhs_hint = false} : vector<512x768xf32>, vector<768x8xf32>, vector<512x8xf32> -> vector<512x8xf32>
      %mul3A_60 = arith.mulf %dot_general3A_54, %dot_general3A_54 : vector<512x768xf32>
      %get3A_61 = arith.constant 0 : index
      %get3A_62 = arith.constant 0 : index
      %get3A_63 = vector.load %arg15[%get3A_61, %get3A_62] : memref<768x8xf32, #tpu.memory_space<vmem>>, vector<768x8xf32>
      %dot_general3A_64 = arith.constant dense<0.000000e+00> : vector<512x8xf32>
      %dot_general3A_65 = tpu.matmul %mul3A_60, %get3A_63, %dot_general3A_64 {dimension_numbers = #tpu.dot_dimension_numbers<[1], [0], [0], [1], [0, 0, 1, 1], [], []>, transpose_lhs_hint = false} : vector<512x768xf32>, vector<768x8xf32>, vector<512x8xf32> -> vector<512x8xf32>
      %mul3A_66 = arith.constant 0.010416667 : f32
      %mul3A_67 = vector.broadcast %mul3A_66 : f32 to vector<512x8xf32>
      %mul3A_68 = arith.mulf %dot_general3A_59, %mul3A_67 : vector<512x8xf32>
      %mul3A_69 = arith.constant 0.010416667 : f32
      %mul3A_70 = vector.broadcast %mul3A_69 : f32 to vector<512x8xf32>
      %mul3A_71 = arith.mulf %dot_general3A_65, %mul3A_70 : vector<512x8xf32>
      %mul3A_72 = arith.mulf %mul3A_68, %mul3A_68 : vector<512x8xf32>
      %sub3A = arith.subf %mul3A_71, %mul3A_72 : vector<512x8xf32>
      %add3A_73 = arith.constant 9.99999974E-6 : f32
      %add3A_74 = vector.broadcast %add3A_73 : f32 to vector<512x8xf32>
      %add3A_75 = arith.addf %sub3A, %add3A_74 : vector<512x8xf32>
      %rsqrt3A = math.rsqrt %add3A_75 : vector<512x8xf32>
      %mul3A_76 = arith.mulf %transpose3A, %rsqrt3A : vector<512x8xf32>
      %mul3A_77 = arith.mulf %mul3A_76, %mul3A_68 : vector<512x8xf32>
      %get3A_78 = arith.constant 0 : index
      %get3A_79 = arith.constant 0 : index
      %get3A_80 = vector.load %arg16[%get3A_78, %get3A_79] : memref<8x768xf32, #tpu.memory_space<vmem>>, vector<8x768xf32>
      %dot_general3A_81 = arith.constant dense<0.000000e+00> : vector<512x768xf32>
      %dot_general3A_82 = tpu.matmul %mul3A_76, %get3A_80, %dot_general3A_81 {dimension_numbers = #tpu.dot_dimension_numbers<[1], [0], [0], [1], [0, 0, 1, 1], [], []>, transpose_lhs_hint = false} : vector<512x8xf32>, vector<8x768xf32>, vector<512x768xf32> -> vector<512x768xf32>
      %get3A_83 = arith.constant 0 : index
      %get3A_84 = arith.constant 0 : index
      %get3A_85 = vector.load %arg16[%get3A_83, %get3A_84] : memref<8x768xf32, #tpu.memory_space<vmem>>, vector<8x768xf32>
      %dot_general3A_86 = arith.constant dense<0.000000e+00> : vector<512x768xf32>
      %dot_general3A_87 = tpu.matmul %mul3A_77, %get3A_85, %dot_general3A_86 {dimension_numbers = #tpu.dot_dimension_numbers<[1], [0], [0], [1], [0, 0, 1, 1], [], []>, transpose_lhs_hint = false} : vector<512x8xf32>, vector<8x768xf32>, vector<512x768xf32> -> vector<512x768xf32>
      %mul3A_88 = arith.mulf %dot_general3A_54, %dot_general3A_82 : vector<512x768xf32>
      %sub3A_89 = arith.subf %mul3A_88, %dot_general3A_87 : vector<512x768xf32>
      %get3A_90 = arith.constant 0 : index
      %get3A_91 = arith.constant 0 : index
      %get3A_92 = vector.load %arg13[%get3A_90, %get3A_91] : memref<1x768xf32, #tpu.memory_space<vmem>>, vector<1x768xf32>
      %mul3A_93 = vector.broadcast %get3A_92 : vector<1x768xf32> to vector<512x768xf32>
      %mul3A_94 = arith.mulf %sub3A_89, %mul3A_93 : vector<512x768xf32>
      %slice3A = vector.extract_strided_slice %mul3A_94 {offsets = [0, 0], sizes = [512, 96], strides = [1, 1]} : vector<512x768xf32> to vector<512x96xf32>
      %slice3A_95 = vector.extract_strided_slice %mul3A_94 {offsets = [0, 96], sizes = [512, 96], strides = [1, 1]} : vector<512x768xf32> to vector<512x96xf32>
      %add3A_96 = arith.addf %slice3A, %slice3A_95 : vector<512x96xf32>
      %slice3A_97 = vector.extract_strided_slice %mul3A_94 {offsets = [0, 192], sizes = [512, 96], strides = [1, 1]} : vector<512x768xf32> to vector<512x96xf32>
      %add3A_98 = arith.addf %add3A_96, %slice3A_97 : vector<512x96xf32>
      %slice3A_99 = vector.extract_strided_slice %mul3A_94 {offsets = [0, 288], sizes = [512, 96], strides = [1, 1]} : vector<512x768xf32> to vector<512x96xf32>
      %add3A_100 = arith.addf %add3A_98, %slice3A_99 : vector<512x96xf32>
      %slice3A_101 = vector.extract_strided_slice %mul3A_94 {offsets = [0, 384], sizes = [512, 96], strides = [1, 1]} : vector<512x768xf32> to vector<512x96xf32>
      %add3A_102 = arith.addf %add3A_100, %slice3A_101 : vector<512x96xf32>
      %slice3A_103 = vector.extract_strided_slice %mul3A_94 {offsets = [0, 480], sizes = [512, 96], strides = [1, 1]} : vector<512x768xf32> to vector<512x96xf32>
      %add3A_104 = arith.addf %add3A_102, %slice3A_103 : vector<512x96xf32>
      %slice3A_105 = vector.extract_strided_slice %mul3A_94 {offsets = [0, 576], sizes = [512, 96], strides = [1, 1]} : vector<512x768xf32> to vector<512x96xf32>
      %add3A_106 = arith.addf %add3A_104, %slice3A_105 : vector<512x96xf32>
      %slice3A_107 = vector.extract_strided_slice %mul3A_94 {offsets = [0, 672], sizes = [512, 96], strides = [1, 1]} : vector<512x768xf32> to vector<512x96xf32>
      %add3A_108 = arith.addf %add3A_106, %slice3A_107 : vector<512x96xf32>
      %get3A_109 = arith.constant 0 : index
      %get3A_110 = arith.constant 0 : index
      %get3A_111 = vector.load %arg14[%get3A_109, %get3A_110] : memref<8x96xf32, #tpu.memory_space<vmem>>, vector<8x96xf32>
      %dot_general3A_112 = arith.constant dense<0.000000e+00> : vector<512x96xf32>
      %dot_general3A_113 = tpu.matmul %transpose3A, %get3A_111, %dot_general3A_112 {dimension_numbers = #tpu.dot_dimension_numbers<[1], [0], [0], [1], [0, 0, 1, 1], [], []>, transpose_lhs_hint = false} : vector<512x8xf32>, vector<8x96xf32>, vector<512x96xf32> -> vector<512x96xf32>
      %add3A_114 = arith.addf %add3A_108, %dot_general3A_113 : vector<512x96xf32>
      %get3A_115 = arith.constant 0 : index
      %get3A_116 = arith.constant 0 : index
      %get3A_117 = vector.load %arg18[%get3A_115, %get3A_116] : memref<96x768xf32, #tpu.memory_space<vmem>>, vector<96x768xf32>
      %dot_general3A_118 = arith.constant dense<0.000000e+00> : vector<512x768xf32>
      %dot_general3A_119 = tpu.matmul %add3A_114, %get3A_117, %dot_general3A_118 {dimension_numbers = #tpu.dot_dimension_numbers<[1], [0], [0], [1], [0, 0, 1, 1], [], []>, transpose_lhs_hint = false} : vector<512x96xf32>, vector<96x768xf32>, vector<512x768xf32> -> vector<512x768xf32>
      %mul3A_120 = vector.broadcast %broadcast_in_dim3A : vector<512x1xf32> to vector<512x768xf32>
      %mul3A_121 = arith.mulf %add3A, %mul3A_120 : vector<512x768xf32>
      %mul3A_122 = arith.constant 1.000000e-01 : f32
      %mul3A_123 = vector.broadcast %mul3A_122 : f32 to vector<512x768xf32>
      %mul3A_124 = arith.mulf %mul3A_123, %dot_general3A_119 : vector<512x768xf32>
      %add3A_125 = arith.addf %mul3A_121, %mul3A_124 : vector<512x768xf32>
      %swap3A = arith.constant 0 : index
      %swap3A_126 = arith.constant 0 : index
      %swap3A_127 = arith.constant 0 : index
      %swap3A_128 = vector.load %arg19[%swap3A, %swap3A_126, %swap3A_127] : memref<1x512x768xf32, #tpu.memory_space<vmem>>, vector<1x512x768xf32>
      %swap3A_129 = vector.shape_cast %swap3A_128 : vector<1x512x768xf32> to vector<512x768xf32>
      %swap3A_130 = vector.shape_cast %add3A_125 : vector<512x768xf32> to vector<1x512x768xf32>
      tpu.vector_store %arg19[%swap3A, %swap3A_126, %swap3A_127], %swap3A_130 {strides = array<i32>} : memref<1x512x768xf32, #tpu.memory_space<vmem>>, vector<1x512x768xf32>,
    } else {
    }
    return
  }
  func.func @transform_0(%arg0: i32, %arg1: i32, %arg2: i32) -> (i32, i32, i32) {
    %sub3A = arith.constant 1 : i32
    %sub3A_0 = arith.subi %sub3A, %arg1 : i32
    %mul3A = arith.muli %arg2, %sub3A_0 : i32
    %c0_i32 = arith.constant 0 : i32
    %c0_i32_1 = arith.constant 0 : i32
    return %arg0, %mul3A, %c0_i32 : i32, i32, i32
  }
  func.func @transform_1(%arg0: i32, %arg1: i32, %arg2: i32) -> (i32, i32) {
    %mul3A = arith.constant 4 : i32
    %mul3A_0 = arith.muli %arg0, %mul3A : i32
    %add3A = arith.addi %mul3A_0, %arg2 : i32
    %mul3A_1 = arith.muli %add3A, %arg1 : i32
    %c0_i32 = arith.constant 0 : i32
    %c0_i32_2 = arith.constant 0 : i32
    return %c0_i32, %mul3A_1 : i32, i32
  }
  func.func @transform_2(%arg0: i32, %arg1: i32, %arg2: i32) -> (i32, i32) {
    %c0_i32 = arith.constant 0 : i32
    %c0_i32_0 = arith.constant 0 : i32
    %c0_i32_1 = arith.constant 0 : i32
    return %c0_i32, %c0_i32_0 : i32, i32
  }
  func.func @transform_3(%arg0: i32, %arg1: i32, %arg2: i32) -> (i32, i32) {
    %c0_i32 = arith.constant 0 : i32
    %c0_i32_0 = arith.constant 0 : i32
    %c0_i32_1 = arith.constant 0 : i32
    return %c0_i32, %c0_i32_0 : i32, i32
  }
  func.func @transform_4(%arg0: i32, %arg1: i32, %arg2: i32) -> (i32, i32) {
    %c0_i32 = arith.constant 0 : i32
    %c0_i32_0 = arith.constant 0 : i32
    %c0_i32_1 = arith.constant 0 : i32
    return %c0_i32, %c0_i32_0 : i32, i32
  }
  func.func @transform_5(%arg0: i32, %arg1: i32, %arg2: i32) -> (i32, i32) {
    %c0_i32 = arith.constant 0 : i32
    %c0_i32_0 = arith.constant 0 : i32
    %c0_i32_1 = arith.constant 0 : i32
    return %c0_i32, %c0_i32_0 : i32, i32
  }
  func.func @transform_6(%arg0: i32, %arg1: i32, %arg2: i32) -> (i32, i32) {
    %c0_i32 = arith.constant 0 : i32
    %c0_i32_0 = arith.constant 0 : i32
    %c0_i32_1 = arith.constant 0 : i32
    return %c0_i32, %c0_i32_0 : i32, i32
  }
  func.func @transform_7(%arg0: i32, %arg1: i32, %arg2: i32) -> (i32, i32) {
    %c0_i32 = arith.constant 0 : i32
    %c0_i32_0 = arith.constant 0 : i32
    %c0_i32_1 = arith.constant 0 : i32
    return %c0_i32, %c0_i32_0 : i32, i32
  }
  func.func @transform_8(%arg0: i32, %arg1: i32, %arg2: i32) -> (i32, i32) {
    %c0_i32 = arith.constant 0 : i32
    %c0_i32_0 = arith.constant 0 : i32
    %c0_i32_1 = arith.constant 0 : i32
    return %c0_i32, %c0_i32_0 : i32, i32
  }
  func.func @transform_9(%arg0: i32, %arg1: i32, %arg2: i32) -> (i32, i32) {
    %c0_i32 = arith.constant 0 : i32
    %c0_i32_0 = arith.constant 0 : i32
    %c0_i32_1 = arith.constant 0 : i32
    return %c0_i32, %c0_i32_0 : i32, i32
  }
  func.func @transform_10(%arg0: i32, %arg1: i32, %arg2: i32) -> (i32, i32) {
    %c0_i32 = arith.constant 0 : i32
    %c0_i32_0 = arith.constant 0 : i32
    %c0_i32_1 = arith.constant 0 : i32
    return %c0_i32, %c0_i32_0 : i32, i32
  }
  func.func @transform_11(%arg0: i32, %arg1: i32, %arg2: i32) -> (i32, i32) {
    %c0_i32 = arith.constant 0 : i32
    %c0_i32_0 = arith.constant 0 : i32
    %c0_i32_1 = arith.constant 0 : i32
    return %c0_i32, %c0_i32_0 : i32, i32
  }
  func.func @transform_12(%arg0: i32, %arg1: i32, %arg2: i32) -> (i32, i32) {
    %c0_i32 = arith.constant 0 : i32
    %c0_i32_0 = arith.constant 0 : i32
    %c0_i32_1 = arith.constant 0 : i32
    return %c0_i32, %c0_i32_0 : i32, i32
  }
  func.func @transform_13(%arg0: i32, %arg1: i32, %arg2: i32) -> (i32, i32) {
    %c0_i32 = arith.constant 0 : i32
    %c0_i32_0 = arith.constant 0 : i32
    %c0_i32_1 = arith.constant 0 : i32
    return %c0_i32, %c0_i32_0 : i32, i32
  }
  func.func @transform_14(%arg0: i32, %arg1: i32, %arg2: i32) -> (i32, i32) {
    %c0_i32 = arith.constant 0 : i32
    %c0_i32_0 = arith.constant 0 : i32
    %c0_i32_1 = arith.constant 0 : i32
    return %c0_i32, %c0_i32_0 : i32, i32
  }
  func.func @transform_15(%arg0: i32, %arg1: i32, %arg2: i32) -> (i32, i32) {
    %c0_i32 = arith.constant 0 : i32
    %c0_i32_0 = arith.constant 0 : i32
    %c0_i32_1 = arith.constant 0 : i32
    return %c0_i32, %c0_i32_0 : i32, i32
  }
  func.func @transform_16(%arg0: i32, %arg1: i32, %arg2: i32) -> (i32, i32, i32) {
    %mul3A = arith.muli %arg2, %arg1 : i32
    %c0_i32 = arith.constant 0 : i32
    %c0_i32_0 = arith.constant 0 : i32
    return %arg0, %mul3A, %c0_i32 : i32, i32, i32
  }
}

</mosaic_0001>

<sc_bundles>
// kernel: _run.6.cloned.1.call-start
scs
__scs_entry_jumppad:
0x0: {  	(pc) =	sbr.rel $0x88, $3  }
0x1: {  	(tag) =	ssettag $0x0;
	lr =	simm.s32 $0x1  }
0x2: {  	[smem:$0x3F91] =	sst lr;
	_ =	strace $0xD0000000  }
0x3: {  	_ = 	snop  }
0x4: {  	_ = 	snop  }
0x5: {  	_ = 	snop  }
0x6: {  	_ = 	snop  }
0x7: {  	_ = 	snop  }
__scs_overlays_trampoline_lowered:
0x8: {  	[smem:$0x3FA0] =	sst s0  }
0x9: {  	[smem:$0x3FA1] =	sst s1  }
0xa: {  	[smem:$0x3FA2] =	sst s2  }
0xb: {  	[smem:$0x3FA3] =	sst s3  }
0xc: {  	[smem:$0x3FA4] =	sst s4  }
0xd: {  	[smem:$0x3FA5] =	sst s5  }
0xe: {  	[smem:$0x3FA6] =	sst s6  }
0xf: {  	[smem:$0x3FA7] =	sst s7  }
0x10: {  	[smem:$0x3FA8] =	sst s8  }
0x11: {  	[smem:$0x3FA9] =	sst s9;
	s0 =	simm.s32 @!p0 $0x0  }
0x12: {  	s1 =	sld [smem:$0x3F8F];
	s0 =	simm.s32 @p0 $0x1  }
0x13: {  	[smem:$0x3FAA] =	sst s0;
	s0 =	simm.s32 @!p1 $0x0  }
0x14: {  	s2 =	sld [smem:$0x3F8E];
	s0 =	simm.s32 @p1 $0x1  }
0x15: {  	[smem:$0x3FAB] =	sst s0;
	s0 =	simm.s32 @!p2 $0x0  }
0x16: {  	s3 =	sld [smem:$0x3FDB];
	s0 =	simm.s32 @p2 $0x1  }
0x17: {  	s4 =	simm.s32 $0x1BF5;
	[smem:$0x3FAD] =	sst s0  }
0x18: {  	s0 =	sld [smem:$0x3F90];
	_ =	swait.ge [sflag:s4], $0x0  }
0x19: {  	s7 =	sld [smem:$0x3F91]  }
0x1a: {  	s8 =	sadd.s32 $0xFFFFE003, lr  }
0x1b: {  	s9 =	sadd.s32 $0xFFFFFEF7, lr;
	s5 =	simm.s32 $0xFFFFFFFF;
	p2 =	slt.u32 s8, $0xFFFFF086  }
0x1c: {  	p1 =	slt.u32 s9, $0xF7A;
	s5 =	simm.s32 @!p2 $0x0  }
0x1d: {  	s5 =	simm.s32 @p1 $0x1;
	p0 =	seq.s32 s7, s2  }
0x1e: {  	s7 =	smul.u32 @!p0 $0xF7A, s2;
	p2 =	seq.s32 @!p0 s5, $0x0  }
0x1f: {  	s9 =	smul.u32 $0xF7A, s1;
	s8 =	simm.s32 @!p0 $0x1BF5;
	p2 =	por !p2, p0  }
0x20: {  	[sflag:s8] =	ssyncset.s32 @!p0 $0xFFFFF086;
	s6 =	sadd.s32 @!p0 s3, s7;
	s7 =	simm.s32 @!p0 $0x108  }
0x21: {  	s3 =	sadd.s32 s3, s9;
	s6 =	sadd.s32 @!p0 $0x88, s6;
	s7 =	simm.s32 @p2 $0x1082  }
0x22: {  	[simem:s7], [sflag:s8] =	dma.local @!p0 [hbm:s6], $0xF7A  }
0x23: {  	s9 =	sor.u32 $0xD0000000, s2;
	s6 =	simm.s32 $0x108;
	_ =	swait.ge @!p0 [sflag:s8], $0x0  }
0x24: {  	s3 =	sadd.s32 $0x88, s3;
	s6 =	simm.s32 @!p1 $0x1082;
	[sflag:s4] =	ssyncset.s32 $0xFFFFF086  }
0x25: {  	[simem:s6], [sflag:s4] =	dma.local [hbm:s3], $0xF7A  }
0x26: {  	[smem:$0x3F91] =	sst s1;
	(tag) =	ssettag s2;
	_ =	strace s9  }
0x27: {  	s1 =	sld [smem:$0x3FA1]  }
0x28: {  	s2 =	sld [smem:$0x3FA2]  }
0x29: {  	s4 =	sld [smem:$0x3FA4]  }
0x2a: {  	p0 =	seq.s32 s5, $0x0;
	s5 =	sld [smem:$0x3FA5]  }
0x2b: {  	s6 =	sld [smem:$0x3FA6]  }
0x2c: {  	s7 =	sld [smem:$0x3FA7]  }
0x2d: {  	s3 =	simm.s32 $0x108;
	s8 =	sld [smem:$0x3FA8]  }
0x2e: {  	s3 =	simm.s32 @!p0 $0x1082;
	s9 =	sld [smem:$0x3FA9]  }
0x2f: {  	lr =	sadd.s32 s0, s3;
	s0 =	sld [smem:$0x3FA0]  }
0x30: {  	s3 =	sld [smem:$0x3FA3]  }
0x31: {  	[smem:$0x3FAC] =	sst s10  }
0x32: {  	s10 =	sld [smem:$0x3FAA];
	_ =	sdelay $0x3  }
0x33: {  	p0 =	seq.s32 s10, $0x1;
	s10 =	sld [smem:$0x3FAC];
	_ =	sdelay $0x3  }
0x34: {  	[smem:$0x3FAC] =	sst s10  }
0x35: {  	s10 =	sld [smem:$0x3FAB];
	_ =	sdelay $0x3  }
0x36: {  	p1 =	seq.s32 s10, $0x1;
	s10 =	sld [smem:$0x3FAC];
	_ =	sdelay $0x3  }
0x37: {  	[smem:$0x3FAC] =	sst s10  }
0x38: {  	s10 =	sld [smem:$0x3FAD]  }
0x39: {  	_ = 	snop;
	(pc) =	sbr.ind lr, $3  }
0x3a: {  	_ = 	snop  }
0x3b: {  	_ = 	snop  }
0x3c: {  	p2 =	seq.s32 s10, $0x1;
	s10 =	sld [smem:$0x3FAC]  }
0x3d: {  	_ =	shalt  }
0x3e: {  	_ =	shalt  }
0x3f: {  	_ =	shalt  }
0x40: {  	_ =	shalt  }
0x41: {  	_ =	shalt  }
0x42: {  	_ =	shalt  }
0x43: {  	_ =	shalt  }
0x44: {  	_ =	shalt  }
0x45: {  	_ =	shalt  }
0x46: {  	_ =	shalt  }
0x47: {  	_ =	shalt  }
0x48: {  	_ =	shalt  }
0x49: {  	_ =	shalt  }
0x4a: {  	_ =	shalt  }
0x4b: {  	_ =	shalt  }
0x4c: {  	_ =	shalt  }
0x4d: {  	_ =	shalt  }
0x4e: {  	_ =	shalt  }
0x4f: {  	_ =	shalt  }
0x50: {  	_ =	shalt  }
0x51: {  	_ =	shalt  }
0x52: {  	_ =	shalt  }
0x53: {  	_ =	shalt  }
0x54: {  	_ =	shalt  }
0x55: {  	_ =	shalt  }
0x56: {  	_ =	shalt  }
0x57: {  	_ =	shalt  }
0x58: {  	_ =	shalt  }
0x59: {  	_ =	shalt  }
0x5a: {  	_ =	shalt  }
0x5b: {  	_ =	shalt  }
0x5c: {  	_ =	shalt  }
0x5d: {  	_ =	shalt  }
0x5e: {  	_ =	shalt  }
0x5f: {  	_ =	shalt  }
0x60: {  	_ =	shalt  }
0x61: {  	_ =	shalt  }
0x62: {  	_ =	shalt  }
0x63: {  	_ =	shalt  }
0x64: {  	_ =	shalt  }
0x65: {  	_ =	shalt  }
0x66: {  	_ =	shalt  }
0x67: {  	_ =	shalt  }
0x68: {  	_ =	shalt  }
0x69: {  	_ =	shalt  }
0x6a: {  	_ =	shalt  }
0x6b: {  	_ =	shalt  }
0x6c: {  	_ =	shalt  }
0x6d: {  	_ =	shalt  }
0x6e: {  	_ =	shalt  }
0x6f: {  	_ =	shalt  }
0x70: {  	_ =	shalt  }
0x71: {  	_ =	shalt  }
0x72: {  	_ =	shalt  }
0x73: {  	_ =	shalt  }
0x74: {  	_ =	shalt  }
0x75: {  	_ =	shalt  }
0x76: {  	_ =	shalt  }
0x77: {  	_ =	shalt  }
0x78: {  	_ =	shalt  }
0x79: {  	_ =	shalt  }
0x7a: {  	_ =	shalt  }
0x7b: {  	_ =	shalt  }
0x7c: {  	_ =	shalt  }
0x7d: {  	_ =	shalt  }
0x7e: {  	_ =	shalt  }
0x7f: {  	_ =	shalt  }
0x80: {  	_ =	shalt  }
0x81: {  	_ =	shalt  }
0x82: {  	_ =	shalt  }
0x83: {  	_ =	shalt  }
0x84: {  	_ =	shalt  }
0x85: {  	_ =	shalt  }
0x86: {  	_ =	shalt  }
0x87: {  	_ =	shalt  }
.Lfunc_end0:
.L_simem_size_0:
called_computation_lowered:
.L_overlay_start_0:
0x88: {  	s2 =	sld [smem:$0x3FD9]  }
0x89: {  	s3 =	sld [smem:$0x3FFE];
	_ =	sdelay $0x1  }
0x8a: {  	s1 =	srdreg.scid  }
0x8b: {  	s0 =	sand.u32 $0x1, s1  }
0x8c: {  	s17 =	sshll.u32 s0, $0xA;
	s2 =	sadd.s32 s3, s2  }
0x8d: {  	s2 =	sadd.s32 s2, s17  }
0x8e: {  	[smem:$0x3FB8] =	sst s2  }
0x8f: {  	_ = 	snop  }
0x90: {  	s2 =	sld [smem:$0x3FD0];
	(tm) =	ssettm $0x1  }
0x91: {  	s18 =	sld [smem:$0x3FFB];
	_ =	sdelay $0x3  }
0x92: {  	_ =	strace s18  }
0x93: {  	s3 =	sld [smem:$0x3FFC];
	_ =	sdelay $0x3  }
0x94: {  	_ =	strace s3  }
0x95: {  	s3 =	sld [smem:$0x3FFD];
	_ =	sdelay $0x3  }
0x96: {  	_ =	strace s3  }
0x97: {  	_ =	strace $0x8FFFFFFF  }
0x98: {  	s19 =	sld [smem:$0x3FDB];
	_ =	sdelay $0x1  }
0x99: {  	s4 =	simm.s32 $_scs_section_size  }
0x9a: {  	s5 =	simm.s32 $_size__tile_overlayer_lowered;
	s6 =	simm.s32 $_tile_overlayer_lowered  }
0x9b: {  	s22 =	simm.s32 $0x1BFF;
	s21 =	sshll.u32 s6, $0x1;
	s3 =	sadd.s32 s4, s19  }
0x9c: {  	s7 =	simm.s32 $0x0;
	s20 =	sshll.u32 s5, $0x1;
	s5 =	sadd.s32 s21, s3  }
0x9d: {  	[timem:s7], [sflag:s22] =	dma.local [hbm:s5], s20  }
0x9e: {  	_ =	swait.ge [sflag:s22], s20  }
0x9f: {  	s4 =	ssub.s32 $0x0, s20;
	[sflag:s22] =	ssyncset.done $0x0  }
0xa0: {  	[sflag:s22] =	ssyncadd.s32 s4;
	_ =	sdelay $0x1  }
0xa1: {  	s23 =	simm.s32 $0x1B8B  }
0xa2: {  	_ =	swait.ge [sflag:s23], $0x1  }
0xa3: {  	[sflag:s23] =	ssyncset.done $0x0  }
0xa4: {  	s25 =	simm.s32 $0x1B8E;
	s24 =	sld [smem:$0x3FFE];
	[sflag:s23] =	ssyncadd.s32 $0xFFFFFFFF  }
0xa5: {  	s26 =	simm.s32 $execute0_lowered;
	[smem:$0x3FD2] =	sst s25  }
0xa6: {  	s5 =	sshll.u32 s26, $0x1;
	_ =	strace $0x80000046;
	[dreg:$0x1] =	wrdreg $0xFFFFFFFF  }
0xa7: {  	s28 =	simm.s32 $_size_execute0_lowered;
	s3 =	sadd.s32 s3, s5;
	[dreg:$0x0] =	wrdreg $0x0  }
0xa8: {  	s5 =	sshll.u32 s28, $0x1;
	[dreg:$0x2] =	wrdreg s3  }
0xa9: {  	[dreg:$0x3] =	wrdreg s5  }
0xaa: {  	[dreg:$0x4] =	wrdreg $0xC0  }
0xab: {  	_ =	task [dreg:s7], $0x5FFFF  }
0xac: {  	[dreg:$0x1] =	wrdreg $0xFFFFFFFF  }
0xad: {  	[dreg:$0x0] =	wrdreg $0x60  }
0xae: {  	[dreg:$0x2] =	wrdreg s2  }
0xaf: {  	[dreg:$0x3] =	wrdreg s24  }
0xb0: {  	[dreg:$0x4] =	wrdreg $0x9  }
0xb1: {  	_ =	task.clear_ibuf [dreg:s7], $0x5FFFF;
	_ =	strace $0x90000046  }
0xb2: {  	s29 =	simm.s32 $0x9;
	_ =	strace $0x80000048  }
0xb3: {  	_ =	swait.ge [sflag:s29], $0x1  }
0xb4: {  	[sflag:s29] =	ssyncadd.s32 $0xFFFFFFFF  }
0xb5: {  	_ =	strace $0x90000048  }
0xb6: {  	_ =	sfence  }
0xb7: {  	s30 =	sld [smem:$0x0];
	_ =	sdelay $0x2  }
0xb8: {  	s31 =	sshll.u32 s1, $0xD;
	s1 =	sshrl.u32 s1, $0x2  }
0xb9: {  	s3 =	sand.u32 $0x4000, s31;
	s1 =	sadd.s32 s1, s30  }
0xba: {  	s0 =	sor.u32 s3, s0;
	s1 =	sshll.u32 s1, $0x11  }
0xbb: {  	s0 =	sor.u32 s1, s0  }
0xbc: {  	s0 =	sadd.s32 $0x8F2B, s0  }
0xbd: {  	[sflag:s0] =	ssyncadd.remote.s32 $0x1  }
0xbe: {  	_ =	sfence.sel $0xFFFF  }
0xbf: {  	[dreg:$0x0] =	wrdreg $0xFFFFFFFF;
	(pc) =	sbr.abs _section_cstart, $3  }
0xc0: {  	[dreg:$0x1] =	wrdreg $0xFFFFFFFF  }
0xc1: {  	_ =	task.clear_ibuf [dreg:s7], $0x2FFFF;
	_ =	strace $0x9FFFFFFF  }
0xc2: {  	(tm) =	ssettm $0x7FFFFFFF  }
0xc3: {  	_ =	shalt  }
tec
execute0_lowered:
.L_overlay_start_1:
0x0: {  	(tag) =	ssettag $0x1  }
0x1: {  	s3 =	rddreg [dreg:$0x0]  }
0x2: {  	s4 =	rddreg [dreg:$0x1];
	s2 =	srdreg.scid  }
0x3: {  	s0 =	rddreg [dreg:$0x2];
	s1 =	stileid.u32;
	s5 =	sand.u32 $0x1, s2  }
0x4: {  	s2 =	simm.s32 $0x0;
	s6 =	sshll.u32 s1, $0x8;
	s7 =	sshll.u32 s5, $0x7  }
0x5: {  	[smem:$0x7FF] =	sst s2;
	s5 =	ssub.s32 $0x2, s5;
	s6 =	sor.u32 s7, s6  }
0x6: {  	_ =	strace $0x80000047;
	s31 =	sshrl.u32 s5, $0x1;
	s7 =	simm.s32 $0x400  }
0x7: {  	s4 =	sadd.s32 s6, s4;
	s5 =	ssub.s32 s5, s31;
	s3 =	sadd.s32 s3, s6  }
0x8: {  	v52 =	vimm.s32 $0x3;
	s6 =	simm.s32 $0x1;
	s4 =	sadd.s32 $0x3400, s4;
	s5 =	smax.u32 s5, $0x1  }
.LBB2_1:
0x9: {  	[tilespmem:s2], [sflag:$0x1] =	stream.linear.gather [hbm4b:s3+s2], $0x400, $0x38;
	[tilespmem:$0x800] =	vst v63  }
0xa: {  	_ =	swait.ge [sflag:s6], $0x400  }
0xb: {  	[sflag:s6] =	ssyncset.done $0x0  }
0xc: {  	[sflag:s6] =	ssyncadd.s32 $0xFFFFFC00  }
0xd: {  	v20 =	vld [tilespmem:$0x0]  }
0xe: {  	v4 =	vld [tilespmem:$0x80];
	_ =	sdelay $0x4  }
0xf: {  	v0 =	vmax.f32 v20, v4  }
0x10: {  	v1 =	vsub.f32 v20, v0  }
0x11: {  	v0 =	vsub.f32 v4, v0  }
0x12: {  	v1 =	vmul.f32 $1.442695020e+00, v1  }
0x13: {  	v0 =	vmul.f32 $1.442695020e+00, v0  }
0x14: {  	v2 =	vld [tilespmem:$0x100];
	(erf) = vpow2.f32 v1  }
0x15: {  	v25 =	vld [tilespmem:$0x180];
	(erf) = vpow2.f32 v0  }
0x16: {  	v26 =	vld [tilespmem:$0x200]  }
0x17: {  	v6 =	vld [tilespmem:$0x280];
	_ =	sdelay $0x4  }
0x18: {  	v5 =	vmax.f32 v2, v25;
	v7 =	vmax.f32 v26, v6  }
0x19: {  	v7 =	vmax.f32 v5, v7;
	v35 =	vpop (erf)  }
0x1a: {  	v2 =	vsub.f32 v2, v7;
	v36 =	vpop (erf)  }
0x1b: {  	v1 =	vsub.f32 v25, v7;
	v8 =	vadd.f32 v36, v35  }
0x1c: {  	v2 =	vmul.f32 $1.442695020e+00, v2;
	v0 =	vsub.f32 v26, v7  }
0x1d: {  	v6 =	vsub.f32 v6, v7;
	v1 =	vmul.f32 $1.442695020e+00, v1;
	(erf) = vrcp.f32 v8  }
0x1e: {  	v0 =	vmul.f32 $1.442695020e+00, v0;
	(erf) = vpow2.f32 v2  }
0x1f: {  	v27 =	vmul.f32 $1.442695020e+00, v6;
	(erf) = vpow2.f32 v1  }
0x20: {  	(erf) = vpow2.f32 v0  }
0x21: {  	(erf) = vpow2.f32 v27;
	_ =	sdelay $0x4  }
0x22: {  	v37 =	vpop (erf)  }
0x23: {  	v28 =	vpop (erf)  }
0x24: {  	v29 =	vpop (erf)  }
0x25: {  	v30 =	vpop (erf)  }
0x26: {  	v31 =	vpop (erf)  }
0x27: {  	v32 =	vadd.f32 v29, v28;
	v33 =	vadd.f32 v31, v30;
	_ =	sdelay $0x1  }
0x28: {  	v7 =	vadd.f32 v33, v32;
	_ =	sdelay $0x1  }
0x29: {  	(erf) = vrcp.f32 v7;
	_ =	sdelay $0x8  }
0x2a: {  	v7 =	vpop (erf)  }
0x2b: {  	v0 =	vmul.f32 v7, v28;
	v1 =	vmul.f32 v7, v29  }
0x2c: {  	v34 =	vmul.f32 v7, v30;
	v6 =	vmul.f32 v7, v31;
	_ =	sdelay $0x1  }
0x2d: {  	v38 =	vmax.f32 v0, v1;
	v7 =	vmax.f32 v34, v6  }
0x2e: {  	v19 =	vmax.f32 v38, v7  }
0x2f: {  	v41 =	vimm.s32 $0x0;
	vm0 =	veq.f32 v34, v19  }
0x30: {  	vm1 =	veq.f32 v1, v19;
	vm3 =	vne.f32 v0, v19;
	v39 =	vsel vm0, $0x2, v52  }
0x31: {  	v42 =	vimm.s32 $0x0;
	v3 =	vld [tilespmem:$0x10];
	v2 =	vsel vm1, $0x1, v39;
	vm1 =	vmand vm3, vm1  }
0x32: {  	v10 =	vld [tilespmem:$0x90];
	v9 =	vnsel vm3, $0xBF800000, v0;
	v40 =	vnsel vm3, $0x0, v2;
	v0 =	vsel vm1, $0xFFFFFFFF, v41  }
0x33: {  	v5 =	vsel vm1, $0xBF800000, v1;
	vm10 =	veq.s32 v40, $0x2;
	vm11 =	veq.s32 v40, $0x3  }
0x34: {  	[tilespmem:$0x1FE40] =	vst v0;
	v0 =	vsel vm11, $0xFFFFFFFF, v42;
	v24 =	vsel vm10, $0xBF800000, v34;
	v43 =	vsel vm11, $0xBF800000, v6  }
0x35: {  	v1 =	vmax.f32 v9, v5;
	[tilespmem:$0x1FE50] =	vst v0;
	v0 =	vmax.f32 v24, v43  }
0x36: {  	v21 =	vmax.f32 v1, v0  }
0x37: {  	v44 =	vmax.f32 v3, v10;
	v0 =	vadd.f32 v21, v19  }
0x38: {  	v45 =	vsub.f32 v3, v44  }
0x39: {  	v1 =	vsub.f32 v10, v44;
	v0 =	vadd.f32 $1.000000010e-07, v0  }
0x3a: {  	v6 =	vmul.f32 $1.442695020e+00, v45  }
0x3b: {  	v46 =	vmul.f32 $1.442695020e+00, v1;
	(erf) = vrcp.f32 v0  }
0x3c: {  	v47 =	vld [tilespmem:$0x110];
	(erf) = vpow2.f32 v6  }
0x3d: {  	v48 =	vld [tilespmem:$0x190];
	(erf) = vpow2.f32 v46  }
0x3e: {  	v49 =	vld [tilespmem:$0x210]  }
0x3f: {  	v50 =	vld [tilespmem:$0x290];
	_ =	sdelay $0x4  }
0x40: {  	v51 =	vmax.f32 v47, v48;
	v53 =	vmax.f32 v49, v50;
	v27 =	vpop (erf)  }
0x41: {  	v8 =	vmax.f32 v51, v53;
	v22 =	vpop (erf)  }
0x42: {  	v1 =	vsub.f32 v47, v8;
	v23 =	vpop (erf)  }
0x43: {  	v6 =	vsub.f32 v48, v8;
	v54 =	vadd.f32 v23, v22  }
0x44: {  	v1 =	vmul.f32 $1.442695020e+00, v1;
	v0 =	vsub.f32 v49, v8  }
0x45: {  	v7 =	vsub.f32 v50, v8;
	v6 =	vmul.f32 $1.442695020e+00, v6;
	(erf) = vrcp.f32 v54  }
0x46: {  	v0 =	vmul.f32 $1.442695020e+00, v0;
	(erf) = vpow2.f32 v1  }
0x47: {  	v55 =	vmul.f32 $1.442695020e+00, v7;
	(erf) = vpow2.f32 v6  }
0x48: {  	(erf) = vpow2.f32 v0  }
0x49: {  	(erf) = vpow2.f32 v55;
	_ =	sdelay $0x4  }
0x4a: {  	v56 =	vpop (erf)  }
0x4b: {  	v57 =	vpop (erf)  }
0x4c: {  	v58 =	vpop (erf)  }
0x4d: {  	v59 =	vpop (erf)  }
0x4e: {  	v60 =	vpop (erf)  }
0x4f: {  	v61 =	vadd.f32 v58, v57;
	v62 =	vadd.f32 v60, v59;
	_ =	sdelay $0x1  }
0x50: {  	v8 =	vadd.f32 v62, v61;
	_ =	sdelay $0x1  }
0x51: {  	(erf) = vrcp.f32 v8;
	_ =	sdelay $0x8  }
0x52: {  	v8 =	vpop (erf)  }
0x53: {  	v0 =	vmul.f32 v8, v57;
	v1 =	vmul.f32 v8, v58  }
0x54: {  	v63 =	vmul.f32 v8, v59;
	v7 =	vmul.f32 v8, v60;
	_ =	sdelay $0x1  }
0x55: {  	[tilespmem:$0x1FEE0] =	vst v3;
	v3 =	vmax.f32 v0, v1;
	v8 =	vmax.f32 v63, v7  }
0x56: {  	v28 =	vmax.f32 v3, v8  }
0x57: {  	vm12 =	veq.f32 v63, v28  }
0x58: {  	v16 =	vimm.s32 $0x0;
	vm13 =	veq.f32 v1, v28;
	v12 =	vsel vm12, $0x2, v52  }
0x59: {  	v17 =	vimm.s32 $0x0;
	vm8 =	vne.f32 v0, v28;
	v13 =	vsel vm13, $0x1, v12  }
0x5a: {  	v18 =	vimm.s32 $0x0;
	v14 =	vld [tilespmem:$0x20];
	vm2 =	vmand vm8, vm13;
	v11 =	vnsel vm8, $0x0, v13  }
0x5b: {  	v15 =	vld [tilespmem:$0xA0];
	v42 =	vnsel vm8, $0xBF800000, v0;
	v0 =	vsel vm2, $0xFFFFFFFF, v16;
	vm14 =	veq.s32 v11, $0x2  }
0x5c: {  	v44 =	vsel vm2, $0xBF800000, v1;
	[tilespmem:$0x1FE70] =	vst v0;
	vm15 =	veq.s32 v11, $0x3;
	v0 =	vsel vm14, $0xFFFFFFFF, v17  }
0x5d: {  	v38 =	vsel vm14, $0xBF800000, v63;
	v25 =	vsel vm15, $0xBF800000, v7;
	[tilespmem:$0x1FE90] =	vst v0;
	v0 =	vsel vm15, $0xFFFFFFFF, v18  }
0x5e: {  	v26 =	vmax.f32 v42, v44;
	[tilespmem:$0x1FEA0] =	vst v0;
	v0 =	vmax.f32 v38, v25  }
0x5f: {  	v30 =	vmax.f32 v26, v0  }
0x60: {  	v29 =	vmax.f32 v14, v15;
	v0 =	vadd.f32 v30, v28  }
0x61: {  	v31 =	vsub.f32 v14, v29  }
0x62: {  	v7 =	vsub.f32 v15, v29;
	v0 =	vadd.f32 $1.000000010e-07, v0  }
0x63: {  	[tilespmem:$0x1FEF0] =	vst v10;
	v10 =	vmul.f32 $1.442695020e+00, v31  }
0x64: {  	v32 =	vmul.f32 $1.442695020e+00, v7;
	(erf) = vrcp.f32 v0  }
0x65: {  	v33 =	vld [tilespmem:$0x120];
	(erf) = vpow2.f32 v10  }
0x66: {  	v39 =	vld [tilespmem:$0x220];
	(erf) = vpow2.f32 v32  }
0x67: {  	v40 =	vld [tilespmem:$0x2A0]  }
0x68: {  	v34 =	vld [tilespmem:$0x1A0];
	_ =	sdelay $0x4  }
0x69: {  	v12 =	vmax.f32 v33, v34;
	v13 =	vmax.f32 v39, v40;
	v2 =	vpop (erf)  }
0x6a: {  	v12 =	vmax.f32 v12, v13;
	v3 =	vpop (erf)  }
0x6b: {  	v7 =	vsub.f32 v33, v12;
	v1 =	vpop (erf)  }
0x6c: {  	v10 =	vsub.f32 v34, v12;
	v41 =	vadd.f32 v1, v3  }
0x6d: {  	v7 =	vmul.f32 $1.442695020e+00, v7;
	v0 =	vsub.f32 v39, v12  }
0x6e: {  	v11 =	vsub.f32 v40, v12;
	v10 =	vmul.f32 $1.442695020e+00, v10;
	(erf) = vrcp.f32 v41  }
0x6f: {  	v0 =	vmul.f32 $1.442695020e+00, v0;
	(erf) = vpow2.f32 v7  }
0x70: {  	v43 =	vmul.f32 $1.442695020e+00, v11;
	(erf) = vpow2.f32 v10  }
0x71: {  	(erf) = vpow2.f32 v0  }
0x72: {  	(erf) = vpow2.f32 v43;
	_ =	sdelay $0x4  }
0x73: {  	v45 =	vpop (erf)  }
0x74: {  	v46 =	vpop (erf)  }
0x75: {  	v47 =	vpop (erf)  }
0x76: {  	v48 =	vpop (erf)  }
0x77: {  	v49 =	vpop (erf)  }
0x78: {  	v50 =	vadd.f32 v47, v46;
	v51 =	vadd.f32 v49, v48;
	_ =	sdelay $0x1  }
0x79: {  	v12 =	vadd.f32 v51, v50;
	_ =	sdelay $0x1  }
0x7a: {  	(erf) = vrcp.f32 v12;
	_ =	sdelay $0x8  }
0x7b: {  	v12 =	vpop (erf)  }
0x7c: {  	v0 =	vmul.f32 v12, v46;
	v7 =	vmul.f32 v12, v47  }
0x7d: {  	v10 =	vmul.f32 v12, v48;
	v11 =	vmul.f32 v12, v49;
	_ =	sdelay $0x1  }
0x7e: {  	v53 =	vmax.f32 v0, v7;
	v54 =	vmax.f32 v10, v11  }
0x7f: {  	v49 =	vmax.f32 v53, v54  }
0x80: {  	vm4 =	veq.f32 v10, v49  }
0x81: {  	vm5 =	veq.f32 v7, v49;
	v55 =	vsel vm4, $0x2, v52  }
0x82: {  	vm0 =	vne.f32 v0, v49;
	v12 =	vsel vm5, $0x1, v55  }
0x83: {  	[tilespmem:$0x1FE60] =	vst v56;
	v56 =	vimm.s32 $0x0;
	v57 =	vimm.s32 $0x0;
	v13 =	vld [tilespmem:$0x30];
	v12 =	vnsel vm0, $0x0, v12  }
0x84: {  	[tilespmem:$0x1FF10] =	vst v15;
	v15 =	vld [tilespmem:$0xB0];
	v17 =	vnsel vm0, $0xBF800000, v0;
	vm12 =	vmand vm0, vm5;
	vm6 =	veq.s32 v12, $0x2  }
0x85: {  	v43 =	vsel vm12, $0xBF800000, v7;
	vm7 =	veq.s32 v12, $0x3;
	v0 =	vsel vm6, $0xFFFFFFFF, v56  }
0x86: {  	v50 =	vsel vm6, $0xBF800000, v10;
	v58 =	vsel vm7, $0xBF800000, v11;
	[tilespmem:$0x1FEB0] =	vst v0;
	v0 =	vsel vm7, $0xFFFFFFFF, v57  }
0x87: {  	v7 =	vmax.f32 v17, v43;
	[tilespmem:$0x1FED0] =	vst v0;
	v0 =	vmax.f32 v50, v58  }
0x88: {  	v39 =	vmax.f32 v7, v0  }
0x89: {  	v59 =	vmax.f32 v13, v15;
	v0 =	vadd.f32 v39, v49  }
0x8a: {  	v60 =	vsub.f32 v13, v59  }
0x8b: {  	v7 =	vsub.f32 v15, v59;
	v0 =	vadd.f32 $1.000000010e-07, v0  }
0x8c: {  	v10 =	vmul.f32 $1.442695020e+00, v60  }
0x8d: {  	v61 =	vmul.f32 $1.442695020e+00, v7;
	(erf) = vrcp.f32 v0  }
0x8e: {  	v62 =	vld [tilespmem:$0x130];
	(erf) = vpow2.f32 v10  }
0x8f: {  	v63 =	vld [tilespmem:$0x1B0];
	(erf) = vpow2.f32 v61  }
0x90: {  	v25 =	vld [tilespmem:$0x230]  }
0x91: {  	v26 =	vld [tilespmem:$0x2B0];
	_ =	sdelay $0x4  }
0x92: {  	[tilespmem:$0x1FF00] =	vst v14;
	v14 =	vmax.f32 v62, v63;
	v16 =	vmax.f32 v25, v26;
	v0 =	vpop (erf)  }
0x93: {  	v14 =	vmax.f32 v14, v16;
	v8 =	vpop (erf)  }
0x94: {  	v7 =	vsub.f32 v62, v14;
	v6 =	vpop (erf)  }
0x95: {  	v10 =	vsub.f32 v63, v14;
	v29 =	vadd.f32 v6, v8  }
0x96: {  	v11 =	vsub.f32 v25, v14;
	v7 =	vmul.f32 $1.442695020e+00, v7  }
0x97: {  	v12 =	vsub.f32 v26, v14;
	v10 =	vmul.f32 $1.442695020e+00, v10;
	(erf) = vrcp.f32 v29  }
0x98: {  	v31 =	vmul.f32 $1.442695020e+00, v11;
	(erf) = vpow2.f32 v7  }
0x99: {  	v32 =	vmul.f32 $1.442695020e+00, v12;
	(erf) = vpow2.f32 v10  }
0x9a: {  	(erf) = vpow2.f32 v31  }
0x9b: {  	(erf) = vpow2.f32 v32;
	_ =	sdelay $0x4  }
0x9c: {  	v33 =	vpop (erf)  }
0x9d: {  	v34 =	vpop (erf)  }
0x9e: {  	v40 =	vpop (erf)  }
0x9f: {  	v41 =	vpop (erf)  }
0xa0: {  	[tilespmem:$0x1FE80] =	vst v45;
	v45 =	vpop (erf)  }
0xa1: {  	v46 =	vadd.f32 v40, v34;
	v47 =	vadd.f32 v45, v41;
	_ =	sdelay $0x1  }
0xa2: {  	v14 =	vadd.f32 v47, v46;
	_ =	sdelay $0x1  }
0xa3: {  	(erf) = vrcp.f32 v14;
	_ =	sdelay $0x8  }
0xa4: {  	v14 =	vpop (erf)  }
0xa5: {  	v7 =	vmul.f32 v14, v34;
	v48 =	vmul.f32 v14, v40  }
0xa6: {  	v11 =	vmul.f32 v14, v41;
	v14 =	vmul.f32 v14, v45;
	_ =	sdelay $0x1  }
0xa7: {  	v10 =	vmax.f32 v7, v48;
	v12 =	vmax.f32 v11, v14  }
0xa8: {  	v59 =	vmax.f32 v10, v12  }
0xa9: {  	vm9 =	veq.f32 v11, v59  }
0xaa: {  	vm11 =	veq.f32 v48, v59;
	vm5 =	vne.f32 v7, v59;
	v63 =	vsel vm9, $0x2, v52  }
0xab: {  	v54 =	vld [tilespmem:$0xC0];
	vm6 =	vmand vm5, vm11;
	v10 =	vsel vm11, $0x1, v63  }
0xac: {  	v61 =	vld [tilespmem:$0x40];
	v53 =	vnsel vm5, $0xBF800000, v7;
	v60 =	vsel vm6, $0xBF800000, v48;
	v18 =	vnsel vm5, $0x0, v10  }
0xad: {  	vm7 =	veq.s32 v18, $0x2;
	vm13 =	veq.s32 v18, $0x3;
	v18 =	vimm.s32 $0x0  }
0xae: {  	v7 =	vsel vm13, $0xFFFFFFFF, v18;
	v46 =	vsel vm7, $0xBF800000, v11;
	v25 =	vsel vm13, $0xBF800000, v14  }
0xaf: {  	v26 =	vmax.f32 v53, v60;
	[tilespmem:$0x1FF50] =	vst v7;
	v7 =	vmax.f32 v46, v25  }
0xb0: {  	v62 =	vmax.f32 v26, v7  }
0xb1: {  	v29 =	vmax.f32 v61, v54;
	v7 =	vadd.f32 v62, v59  }
0xb2: {  	v31 =	vsub.f32 v61, v29  }
0xb3: {  	v11 =	vsub.f32 v54, v29;
	v7 =	vadd.f32 $1.000000010e-07, v7  }
0xb4: {  	v14 =	vmul.f32 $1.442695020e+00, v31  }
0xb5: {  	v32 =	vmul.f32 $1.442695020e+00, v11;
	(erf) = vrcp.f32 v7  }
0xb6: {  	[tilespmem:$0x1FEC0] =	vst v33;
	v33 =	vld [tilespmem:$0x140];
	(erf) = vpow2.f32 v14  }
0xb7: {  	v34 =	vld [tilespmem:$0x1C0];
	(erf) = vpow2.f32 v32  }
0xb8: {  	v40 =	vld [tilespmem:$0x240]  }
0xb9: {  	v41 =	vld [tilespmem:$0x2C0];
	_ =	sdelay $0x4  }
0xba: {  	v45 =	vmax.f32 v33, v34;
	v25 =	vmax.f32 v40, v41;
	v51 =	vpop (erf)  }
0xbb: {  	v18 =	vmax.f32 v45, v25;
	v47 =	vpop (erf)  }
0xbc: {  	v11 =	vsub.f32 v33, v18;
	v48 =	vpop (erf)  }
0xbd: {  	v14 =	vsub.f32 v34, v18;
	v55 =	vadd.f32 v48, v47  }
0xbe: {  	v11 =	vmul.f32 $1.442695020e+00, v11;
	v7 =	vsub.f32 v40, v18  }
0xbf: {  	v16 =	vsub.f32 v41, v18;
	v14 =	vmul.f32 $1.442695020e+00, v14;
	(erf) = vrcp.f32 v55  }
0xc0: {  	v7 =	vmul.f32 $1.442695020e+00, v7;
	(erf) = vpow2.f32 v11  }
0xc1: {  	v56 =	vmul.f32 $1.442695020e+00, v16;
	(erf) = vpow2.f32 v14  }
0xc2: {  	(erf) = vpow2.f32 v7  }
0xc3: {  	(erf) = vpow2.f32 v56;
	_ =	sdelay $0x4  }
0xc4: {  	v57 =	vpop (erf)  }
0xc5: {  	v58 =	vpop (erf)  }
0xc6: {  	v63 =	vpop (erf)  }
0xc7: {  	v10 =	vpop (erf)  }
0xc8: {  	v29 =	vpop (erf)  }
0xc9: {  	v31 =	vadd.f32 v63, v58;
	v32 =	vadd.f32 v29, v10;
	_ =	sdelay $0x1  }
0xca: {  	v18 =	vadd.f32 v32, v31;
	_ =	sdelay $0x1  }
0xcb: {  	(erf) = vrcp.f32 v18;
	_ =	sdelay $0x8  }
0xcc: {  	v18 =	vpop (erf)  }
0xcd: {  	v7 =	vmul.f32 v18, v58;
	v33 =	vmul.f32 v18, v63  }
0xce: {  	v14 =	vmul.f32 v18, v10;
	v16 =	vmul.f32 v18, v29;
	_ =	sdelay $0x1  }
0xcf: {  	v11 =	vmax.f32 v7, v33;
	v18 =	vmax.f32 v14, v16  }
0xd0: {  	[tilespmem:$0x1FF30] =	vst v47;
	v47 =	vmax.f32 v11, v18  }
0xd1: {  	vm14 =	veq.f32 v14, v47  }
0xd2: {  	vm4 =	veq.f32 v33, v47;
	v34 =	vsel vm14, $0x2, v52  }
0xd3: {  	v45 =	vld [tilespmem:$0xD0];
	vm2 =	vne.f32 v7, v47;
	v40 =	vsel vm4, $0x1, v34  }
0xd4: {  	v41 =	vld [tilespmem:$0x50];
	v55 =	vnsel vm2, $0xBF800000, v7;
	v18 =	vnsel vm2, $0x0, v40  }
0xd5: {  	vm9 =	vmand vm2, vm4;
	vm11 =	veq.s32 v18, $0x2;
	vm13 =	veq.s32 v18, $0x3  }
0xd6: {  	[tilespmem:$0x1FF20] =	vst v48;
	v48 =	vsel vm9, $0xBF800000, v33;
	v58 =	vsel vm11, $0xBF800000, v14;
	v63 =	vsel vm13, $0xBF800000, v16  }
0xd7: {  	v25 =	vmax.f32 v55, v48;
	v14 =	vmax.f32 v58, v63  }
0xd8: {  	[tilespmem:$0x1FF40] =	vst v57;
	v57 =	vmax.f32 v25, v14  }
0xd9: {  	v26 =	vmax.f32 v41, v45;
	v14 =	vadd.f32 v57, v47  }
0xda: {  	v29 =	vsub.f32 v41, v26  }
0xdb: {  	v16 =	vsub.f32 v45, v26;
	v14 =	vadd.f32 $1.000000010e-07, v14  }
0xdc: {  	v18 =	vmul.f32 $1.442695020e+00, v29  }
0xdd: {  	v31 =	vmul.f32 $1.442695020e+00, v16;
	(erf) = vrcp.f32 v14  }
0xde: {  	v32 =	vld [tilespmem:$0x150];
	(erf) = vpow2.f32 v18  }
0xdf: {  	v33 =	vld [tilespmem:$0x1D0];
	(erf) = vpow2.f32 v31  }
0xe0: {  	v34 =	vld [tilespmem:$0x250]  }
0xe1: {  	v26 =	vld [tilespmem:$0x2D0];
	_ =	sdelay $0x4  }
0xe2: {  	[tilespmem:$0x1FFE0] =	vst v41;
	v40 =	vmax.f32 v32, v33;
	v41 =	vmax.f32 v34, v26;
	v25 =	vpop (erf)  }
0xe3: {  	[tilespmem:$0x1FFF0] =	vst v45;
	v41 =	vmax.f32 v40, v41;
	v45 =	vpop (erf)  }
0xe4: {  	[tilespmem:$0x1FF60] =	vst v48;
	v16 =	vsub.f32 v32, v41;
	v48 =	vpop (erf)  }
0xe5: {  	v18 =	vsub.f32 v33, v41;
	[tilespmem:$0x1FF80] =	vst v45;
	v45 =	vadd.f32 v48, v45  }
0xe6: {  	v14 =	vsub.f32 v34, v41;
	v16 =	vmul.f32 $1.442695020e+00, v16  }
0xe7: {  	v26 =	vsub.f32 v26, v41;
	v18 =	vmul.f32 $1.442695020e+00, v18;
	(erf) = vrcp.f32 v45  }
0xe8: {  	v14 =	vmul.f32 $1.442695020e+00, v14;
	(erf) = vpow2.f32 v16  }
0xe9: {  	v56 =	vmul.f32 $1.442695020e+00, v26;
	(erf) = vpow2.f32 v18  }
0xea: {  	(erf) = vpow2.f32 v14  }
0xeb: {  	(erf) = vpow2.f32 v56;
	_ =	sdelay $0x4  }
0xec: {  	v63 =	vpop (erf)  }
0xed: {  	v10 =	vpop (erf)  }
0xee: {  	v11 =	vpop (erf)  }
0xef: {  	v29 =	vpop (erf)  }
0xf0: {  	v31 =	vpop (erf)  }
0xf1: {  	v32 =	vadd.f32 v11, v10;
	v33 =	vadd.f32 v31, v29;
	_ =	sdelay $0x1  }
0xf2: {  	v41 =	vadd.f32 v33, v32;
	_ =	sdelay $0x1  }
0xf3: {  	(erf) = vrcp.f32 v41;
	_ =	sdelay $0x8  }
0xf4: {  	v41 =	vpop (erf)  }
0xf5: {  	v14 =	vmul.f32 v41, v10;
	v34 =	vmul.f32 v41, v11  }
0xf6: {  	v56 =	vmul.f32 v41, v29;
	v26 =	vmul.f32 v41, v31;
	_ =	sdelay $0x1  }
0xf7: {  	v16 =	vmax.f32 v14, v34;
	v18 =	vmax.f32 v56, v26  }
0xf8: {  	[tilespmem:$0x1FF70] =	vst v48;
	v48 =	vmax.f32 v16, v18  }
0xf9: {  	vm15 =	veq.f32 v56, v48  }
0xfa: {  	vm1 =	veq.f32 v34, v48;
	v10 =	vsel vm15, $0x2, v52  }
0xfb: {  	v16 =	vld [tilespmem:$0x60];
	vm15 =	vne.f32 v14, v48;
	v11 =	vsel vm1, $0x1, v10  }
0xfc: {  	[tilespmem:$0x1FF90] =	vst v63;
	v18 =	vld [tilespmem:$0xE0];
	v63 =	vnsel vm15, $0xBF800000, v14;
	vm14 =	vmand vm15, vm1;
	v12 =	vnsel vm15, $0x0, v11  }
0xfd: {  	v14 =	vimm.s32 $0x0;
	vm4 =	veq.s32 v12, $0x2;
	vm1 =	veq.s32 v12, $0x3  }
0xfe: {  	v31 =	vsel vm14, $0xBF800000, v34;
	v40 =	vsel vm4, $0xBF800000, v56;
	v32 =	vsel vm1, $0xBF800000, v26  }
0xff: {  	v33 =	vmax.f32 v63, v31;
	v7 =	vsel vm4, $0xFFFFFFFF, v14;
	v14 =	vmax.f32 v40, v32  }
0x100: {  	v56 =	vmax.f32 v33, v14  }
0x101: {  	v34 =	vmax.f32 v16, v18;
	v14 =	vadd.f32 v56, v48  }
0x102: {  	v45 =	vsub.f32 v16, v34  }
0x103: {  	v29 =	vimm.s32 $0x0;
	v26 =	vsub.f32 v18, v34;
	v14 =	vadd.f32 $1.000000010e-07, v14  }
0x104: {  	[tilespmem:$0x1FFC0] =	vst v7;
	v7 =	vsel vm1, $0xFFFFFFFF, v29;
	v41 =	vmul.f32 $1.442695020e+00, v45  }
0x105: {  	[tilespmem:$0x1FFD0] =	vst v7;
	v7 =	vmul.f32 $1.442695020e+00, v26;
	(erf) = vrcp.f32 v14  }
0x106: {  	v10 =	vld [tilespmem:$0x160];
	(erf) = vpow2.f32 v41  }
0x107: {  	[tilespmem:$0x1FFA0] =	vst v31;
	v31 =	vld [tilespmem:$0x260];
	(erf) = vpow2.f32 v7  }
0x108: {  	v29 =	vld [tilespmem:$0x1E0]  }
0x109: {  	v32 =	vld [tilespmem:$0x2E0];
	_ =	sdelay $0x4  }
0x10a: {  	v11 =	vmax.f32 v10, v29;
	v12 =	vmax.f32 v31, v32;
	v14 =	vpop (erf)  }
0x10b: {  	v33 =	vmax.f32 v11, v12;
	v41 =	vpop (erf)  }
0x10c: {  	v26 =	vsub.f32 v10, v33;
	v29 =	vsub.f32 v29, v33;
	v45 =	vpop (erf)  }
0x10d: {  	v31 =	vsub.f32 v31, v33;
	v34 =	vadd.f32 v45, v41  }
0x10e: {  	v35 =	vmax.f32 v35, v36;
	v26 =	vmul.f32 $1.442695020e+00, v26;
	v29 =	vmul.f32 $1.442695020e+00, v29  }
0x10f: {  	v32 =	vsub.f32 v32, v33;
	v33 =	vmul.f32 $1.442695020e+00, v31;
	(erf) = vrcp.f32 v34  }
0x110: {  	(erf) = vpow2.f32 v26;
	v26 =	vmul.f32 v37, v35  }
0x111: {  	v34 =	vmul.f32 $1.442695020e+00, v32;
	v37 =	vld [tilespmem:$0x1FE40];
	(erf) = vpow2.f32 v29  }
0x112: {  	(erf) = vpow2.f32 v33;
	v19 =	vmul.f32 v19, v26  }
0x113: {  	v26 =	vmul.f32 v21, v26;
	(erf) = vpow2.f32 v34  }
0x114: {  	v22 =	vmax.f32 v22, v23;
	v11 =	vld [tilespmem:$0x1FE50]  }
0x115: {  	vm1 =	veq.f32 v24, v21;
	v19 =	vmul.f32 v27, v19;
	v26 =	vmul.f32 v27, v26  }
0x116: {  	v24 =	vsel vm1, $0x2, v52;
	vm1 =	vne.f32 v9, v21;
	vm4 =	vnez.u8 v37  }
0x117: {  	v31 =	vsel vm3, $0x0, v19;
	vm3 =	veq.f32 v5, v21;
	v21 =	vsel vm1, $0x0, v26  }
0x118: {  	v5 =	vnsel vm4, $0x0, v19;
	v24 =	vsel vm3, $0x1, v24;
	v21 =	vadd.f32 v21, v31;
	v31 =	vld [tilespmem:$0x1FE60];
	v36 =	vpop (erf)  }
0x119: {  	vm4 =	vnez.u8 v11;
	vm3 =	vmand vm1, vm3;
	v9 =	vnsel vm1, $0x0, v24;
	v29 =	vpop (erf)  }
0x11a: {  	v24 =	vnsel vm3, $0x0, v26;
	[tilespmem:$0x1FFB0] =	vst v36;
	v36 =	vnsel vm10, $0x0, v19;
	vm10 =	veq.s32 v9, $0x2;
	v32 =	vpop (erf)  }
0x11b: {  	v19 =	vnsel vm4, $0x0, v19;
	v12 =	vnsel vm10, $0x0, v26;
	vm10 =	veq.s32 v9, $0x3;
	v33 =	vpop (erf)  }
0x11c: {  	v5 =	vadd.f32 v24, v5;
	v27 =	vadd.f32 v32, v29;
	v9 =	vnsel vm10, $0x0, v26;
	v34 =	vpop (erf)  }
0x11d: {  	vm10 =	vgt.f32 v4, v20;
	v35 =	vmul.f32 v31, v22;
	v10 =	vadd.f32 v34, v33  }
0x11e: {  	v37 =	vadd.f32 v12, v36;
	v19 =	vadd.f32 v9, v19;
	v26 =	vsel vm10, $0x0, v21  }
0x11f: {  	v24 =	vnsel vm10, $0x0, v5;
	v28 =	vmul.f32 v28, v35;
	v27 =	vadd.f32 v10, v27  }
0x120: {  	v12 =	vsel vm10, $0x0, v37;
	v23 =	vnsel vm10, $0x0, v37;
	v22 =	vnsel vm10, $0x0, v19  }
0x121: {  	v9 =	vld [tilespmem:$0x1FE90];
	v10 =	vsel vm10, $0x0, v5;
	v4 =	vmul.f32 v2, v28;
	(erf) = vrcp.f32 v27  }
0x122: {  	v28 =	vsel vm10, $0x0, v19;
	v27 =	vnsel vm10, $0x0, v21;
	vm10 =	veq.f32 v38, v30;
	v38 =	vld [tilespmem:$0x1FE70]  }
0x123: {  	v35 =	vmul.f32 v30, v35;
	v31 =	vsel vm8, $0x0, v4;
	vm8 =	vne.f32 v42, v30;
	v42 =	vld [tilespmem:$0x1FE80]  }
0x124: {  	v1 =	vmax.f32 v3, v1;
	v6 =	vmax.f32 v8, v6  }
0x125: {  	vm3 =	veq.f32 v44, v30;
	v2 =	vmul.f32 v2, v35;
	v36 =	vsel vm10, $0x2, v52  }
0x126: {  	vm1 =	veq.f32 v43, v39;
	vm4 =	vnez.u8 v9;
	v37 =	vsel vm3, $0x1, v36  }
0x127: {  	v35 =	vsel vm8, $0x0, v2;
	vm3 =	vmand vm8, vm3;
	v3 =	vnsel vm8, $0x0, v37  }
0x128: {  	v36 =	vnsel vm3, $0x0, v2;
	vm10 =	vnez.u8 v38;
	v1 =	vmul.f32 v42, v1  }
0x129: {  	vm8 =	veq.s32 v3, $0x2;
	v30 =	vnsel vm10, $0x0, v4;
	vm10 =	veq.s32 v3, $0x3  }
0x12a: {  	v38 =	vld [tilespmem:$0x1FEA0];
	v11 =	vmul.f32 v49, v1;
	v49 =	vnsel vm10, $0x0, v2;
	v1 =	vmul.f32 v39, v1;
	v44 =	vpop (erf)  }
0x12b: {  	vm10 =	veq.f32 v50, v39;
	v20 =	vmul.f32 v44, v29;
	v21 =	vmul.f32 v44, v32  }
0x12c: {  	v7 =	vsel vm10, $0x2, v52;
	v32 =	vmul.f32 v44, v33;
	v33 =	vmul.f32 v44, v34  }
0x12d: {  	v9 =	vld [tilespmem:$0x70];
	v29 =	vnsel vm4, $0x0, v4;
	v34 =	vnsel vm8, $0x0, v2;
	v2 =	vmul.f32 v0, v11  }
0x12e: {  	v43 =	vsel vm1, $0x1, v7;
	v7 =	vld [tilespmem:$0xF0];
	v42 =	vmax.f32 v20, v21;
	v44 =	vmax.f32 v32, v33  }
0x12f: {  	vm8 =	vnez.u8 v38;
	v1 =	vmul.f32 v0, v1;
	v11 =	vld [tilespmem:$0x1FEC0];
	v5 =	vmax.f32 v42, v44  }
0x130: {  	v37 =	vnsel vm8, $0x0, v4;
	v50 =	vsel vm0, $0x0, v2;
	vm8 =	veq.f32 v32, v5  }
0x131: {  	vm10 =	veq.f32 v21, v5;
	vm4 =	vne.f32 v20, v5;
	v19 =	vsel vm8, $0x2, v52  }
0x132: {  	vm0 =	vne.f32 v17, v39;
	v20 =	vnsel vm4, $0xBF800000, v20;
	v38 =	vsel vm10, $0x1, v19  }
0x133: {  	vm8 =	vmand vm4, vm10;
	v3 =	vmax.f32 v9, v7;
	v19 =	vnsel vm4, $0x0, v38  }
0x134: {  	v6 =	vmul.f32 v11, v6;
	vm3 =	veq.s32 v19, $0x2;
	vm10 =	veq.s32 v19, $0x3  }
0x135: {  	v21 =	vsel vm8, $0xBF800000, v21;
	v19 =	vsel vm3, $0xBF800000, v32;
	v42 =	vsel vm10, $0xBF800000, v33  }
0x136: {  	v4 =	vld [tilespmem:$0x1FEB0];
	v44 =	vmax.f32 v20, v21;
	v33 =	vsel vm0, $0x0, v1;
	v32 =	vmax.f32 v19, v42  }
0x137: {  	v17 =	vmax.f32 v44, v32;
	v32 =	vnsel vm0, $0x0, v43;
	vm0 =	vmand vm0, vm1  }
0x138: {  	v0 =	vadd.f32 v17, v5;
	v42 =	vnsel vm0, $0x0, v1;
	vm0 =	veq.f32 v46, v62;
	v46 =	vld [tilespmem:$0x1FED0]  }
0x139: {  	v39 =	vsub.f32 v7, v3;
	v44 =	vsub.f32 v9, v3  }
0x13a: {  	v38 =	vnsel vm12, $0x0, v2;
	v11 =	vmul.f32 v59, v6;
	v8 =	vadd.f32 $1.000000010e-07, v0  }
0x13b: {  	vm12 =	vnez.u8 v4;
	v4 =	vmul.f32 $1.442695020e+00, v39;
	v44 =	vmul.f32 $1.442695020e+00, v44  }
0x13c: {  	v43 =	vnsel vm12, $0x0, v2;
	vm12 =	veq.s32 v32, $0x2;
	(erf) = vrcp.f32 v8  }
0x13d: {  	v39 =	vnsel vm12, $0x0, v1;
	(erf) = vpow2.f32 v44;
	vm12 =	vnez.u8 v46  }
0x13e: {  	v44 =	vmul.f32 v51, v11;
	v11 =	vld [tilespmem:$0x1FEF0];
	v46 =	vnsel vm12, $0x0, v2;
	vm12 =	veq.s32 v32, $0x3  }
0x13f: {  	v6 =	vmul.f32 v62, v6;
	v32 =	vnsel vm12, $0x0, v1;
	v1 =	vld [tilespmem:$0x1FEE0]  }
0x140: {  	v59 =	vld [tilespmem:$0x170]  }
0x141: {  	vm1 =	veq.f32 v60, v62;
	v0 =	vld [tilespmem:$0x1F0];
	v51 =	vmul.f32 v51, v6;
	v2 =	vsel vm0, $0x2, v52  }
0x142: {  	v8 =	vld [tilespmem:$0x270];
	(erf) = vpow2.f32 v4;
	v4 =	vsel vm1, $0x1, v2;
	vm12 =	vne.f32 v53, v62  }
0x143: {  	v6 =	vld [tilespmem:$0x2F0];
	v60 =	vnsel vm12, $0x0, v4  }
0x144: {  	v62 =	vsel vm12, $0x0, v51;
	vm0 =	vmand vm12, vm1;
	vm12 =	vgt.f32 v11, v1;
	v1 =	vld [tilespmem:$0x1FF00]  }
0x145: {  	v11 =	vld [tilespmem:$0x1FF10]  }
0x146: {  	v35 =	vadd.f32 v35, v31;
	v36 =	vadd.f32 v36, v30  }
0x147: {  	v34 =	vadd.f32 v34, v29;
	v53 =	vsel vm5, $0x0, v44;
	v4 =	vnsel vm6, $0x0, v44  }
0x148: {  	vm1 =	vgt.f32 v15, v13;
	v15 =	vadd.f32 v49, v37;
	v32 =	vadd.f32 v32, v46  }
0x149: {  	v3 =	vnsel vm0, $0x0, v51;
	v37 =	vadd.f32 v62, v53;
	vm0 =	veq.s32 v60, $0x3  }
0x14a: {  	v2 =	vmax.f32 v8, v6;
	v30 =	vpop (erf);
	vm5 =	vgt.f32 v11, v1;
	v1 =	vmax.f32 v59, v0  }
0x14b: {  	[tilespmem:$0x600] =	vst v27;
	v3 =	vadd.f32 v3, v4;
	v27 =	vnsel vm1, $0x0, v37;
	v31 =	vpop (erf);
	v11 =	vmax.f32 v1, v2  }
0x14c: {  	v4 =	vsel vm12, $0x0, v15;
	v15 =	vnsel vm12, $0x0, v15;
	v29 =	vpop (erf);
	v59 =	vsub.f32 v59, v11  }
0x14d: {  	v13 =	vadd.f32 v29, v31;
	v2 =	vnsel vm7, $0x0, v44;
	v0 =	vsub.f32 v0, v11  }
0x14e: {  	vm7 =	veq.s32 v60, $0x2;
	v8 =	vsub.f32 v8, v11;
	v49 =	vmul.f32 $1.442695020e+00, v59  }
0x14f: {  	(erf) = vrcp.f32 v13;
	v6 =	vsub.f32 v6, v11;
	v0 =	vmul.f32 $1.442695020e+00, v0  }
0x150: {  	v13 =	vadd.f32 v42, v38;
	v8 =	vmul.f32 $1.442695020e+00, v8;
	(erf) = vpow2.f32 v49  }
0x151: {  	v53 =	vld [tilespmem:$0x1FF40];
	v11 =	vadd.f32 v33, v50;
	v50 =	vmul.f32 $1.442695020e+00, v6;
	(erf) = vpow2.f32 v0  }
0x152: {  	v38 =	vsel vm12, $0x0, v34;
	v59 =	vadd.f32 v39, v43;
	v49 =	vld [tilespmem:$0x1FF20];
	(erf) = vpow2.f32 v8  }
0x153: {  	v34 =	vnsel vm12, $0x0, v34;
	v1 =	vnsel vm7, $0x0, v51;
	(erf) = vpow2.f32 v50;
	v50 =	vld [tilespmem:$0x1FF30]  }
0x154: {  	vm7 =	vne.f32 v20, v17;
	v43 =	vsel vm5, $0x0, v59;
	v33 =	vnsel vm5, $0x0, v59;
	v59 =	vld [tilespmem:$0x1FF50]  }
0x155: {  	v1 =	vadd.f32 v1, v2;
	v42 =	vsel vm5, $0x0, v13;
	v13 =	vnsel vm5, $0x0, v13  }
0x156: {  	v2 =	vsel vm5, $0x0, v11;
	v11 =	vnsel vm5, $0x0, v11;
	v0 =	vsel vm12, $0x0, v36  }
0x157: {  	v60 =	vld [tilespmem:$0x1FF60];
	v36 =	vnsel vm12, $0x0, v36;
	v8 =	vsel vm12, $0x0, v35;
	v35 =	vnsel vm12, $0x0, v35  }
0x158: {  	[tilespmem:$0x490] =	vst v0;
	v0 =	vsel vm1, $0x0, v1;
	v1 =	vnsel vm1, $0x0, v1;
	v39 =	vmax.f32 v50, v49  }
0x159: {  	[tilespmem:$0x410] =	vst v8;
	v8 =	vsel vm1, $0x0, v37;
	v6 =	vpop (erf);
	vm12 =	vnez.u8 v59;
	v39 =	vmul.f32 v53, v39  }
0x15a: {  	v44 =	vnsel vm12, $0x0, v44;
	vm12 =	veq.f32 v58, v57;
	v49 =	vsel vm5, $0x0, v32;
	v46 =	vpop (erf)  }
0x15b: {  	v32 =	vnsel vm5, $0x0, v32;
	vm5 =	vne.f32 v55, v57;
	v50 =	vpop (erf);
	v47 =	vmul.f32 v47, v39  }
0x15c: {  	v55 =	vsel vm12, $0x2, v52;
	vm12 =	veq.f32 v60, v57;
	v53 =	vpop (erf);
	v39 =	vmul.f32 v57, v39  }
0x15d: {  	[tilespmem:$0x400] =	vst v26;
	v60 =	vsel vm12, $0x1, v55;
	v57 =	vpop (erf);
	v26 =	vmul.f32 v25, v47;
	v47 =	vadd.f32 v50, v46  }
0x15e: {  	[tilespmem:$0x480] =	vst v10;
	v62 =	vadd.f32 v57, v53;
	v10 =	vmul.f32 v25, v39;
	v39 =	vnsel vm5, $0x0, v60  }
0x15f: {  	v25 =	vnsel vm0, $0x0, v51;
	vm0 =	vmand vm5, vm12;
	vm12 =	veq.s32 v39, $0x3  }
0x160: {  	[tilespmem:$0x500] =	vst v12;
	v60 =	vadd.f32 v25, v44;
	v25 =	vsel vm1, $0x0, v3;
	v3 =	vnsel vm1, $0x0, v3  }
0x161: {  	[tilespmem:$0x580] =	vst v28;
	v12 =	vadd.f32 v62, v47;
	v47 =	vsel vm2, $0x0, v26;
	v28 =	vsel vm5, $0x0, v10  }
0x162: {  	[tilespmem:$0x680] =	vst v24;
	v62 =	vnsel vm9, $0x0, v26;
	vm9 =	veq.s32 v39, $0x2;
	v55 =	vnsel vm0, $0x0, v10  }
0x163: {  	[tilespmem:$0x520] =	vst v43;
	v43 =	vld [tilespmem:$0x1FFC0];
	v58 =	vnsel vm11, $0x0, v26;
	v26 =	vnsel vm13, $0x0, v26;
	vm11 =	vne.f32 v63, v56  }
0x164: {  	[tilespmem:$0x510] =	vst v38;
	v38 =	vld [tilespmem:$0x1FF70];
	v59 =	vnsel vm9, $0x0, v10;
	v10 =	vnsel vm12, $0x0, v10;
	vm9 =	vgt.f32 v54, v61  }
0x165: {  	[tilespmem:$0x590] =	vst v4;
	v39 =	vld [tilespmem:$0x1FF80];
	v61 =	vadd.f32 v28, v47;
	v62 =	vadd.f32 v55, v62;
	v4 =	vnsel vm1, $0x0, v60  }
0x166: {  	[tilespmem:$0x700] =	vst v23;
	v63 =	vld [tilespmem:$0x1FFB0];
	vm12 =	veq.f32 v40, v56;
	(erf) = vrcp.f32 v12;
	v24 =	vadd.f32 v59, v58  }
0x167: {  	[tilespmem:$0x780] =	vst v22;
	v44 =	vld [tilespmem:$0x1FF90];
	v10 =	vadd.f32 v10, v26;
	v26 =	vsel vm1, $0x0, v60;
	v51 =	vsel vm12, $0x2, v52  }
0x168: {  	[tilespmem:$0x620] =	vst v11;
	v60 =	vmax.f32 v41, v45;
	vm12 =	vnez.u8 v43;
	v28 =	vsel vm9, $0x0, v61  }
0x169: {  	[tilespmem:$0x610] =	vst v35;
	v58 =	vld [tilespmem:$0x1FFA0];
	v35 =	vsel vm9, $0x0, v62;
	v12 =	vnsel vm9, $0x0, v61;
	v22 =	vnsel vm9, $0x0, v62  }
0x16a: {  	[tilespmem:$0x690] =	vst v36;
	v37 =	vsel vm9, $0x0, v24;
	v36 =	vsel vm9, $0x0, v10;
	v24 =	vnsel vm9, $0x0, v24  }
0x16b: {  	v23 =	vmax.f32 v39, v38;
	v11 =	vmul.f32 v63, v60;
	[tilespmem:$0x540] =	vst v37;
	v37 =	vmax.f32 v31, v29  }
0x16c: {  	v10 =	vnsel vm9, $0x0, v10;
	v23 =	vmul.f32 v44, v23;
	v6 =	vmul.f32 v6, v37  }
0x16d: {  	[tilespmem:$0x630] =	vst v27;
	vm9 =	vgt.f32 v7, v9;
	v5 =	vmul.f32 v5, v11;
	v11 =	vmul.f32 v17, v11  }
0x16e: {  	[tilespmem:$0x790] =	vst v15;
	vm13 =	veq.f32 v58, v56;
	v47 =	vmul.f32 v48, v23;
	v23 =	vmul.f32 v56, v23  }
0x16f: {  	[tilespmem:$0x420] =	vst v2;
	v2 =	vsel vm13, $0x1, v51;
	vm0 =	vmand vm11, vm13;
	vm13 =	veq.f32 v21, v17  }
0x170: {  	[tilespmem:$0x710] =	vst v34;
	v2 =	vnsel vm11, $0x0, v2;
	v11 =	vmul.f32 v30, v11;
	v15 =	vmul.f32 v14, v47;
	v48 =	vpop (erf)  }
0x171: {  	[tilespmem:$0x4A0] =	vst v42;
	v14 =	vmul.f32 v14, v23;
	vm2 =	veq.s32 v2, $0x3;
	v54 =	vmul.f32 v48, v46  }
0x172: {  	[tilespmem:$0x6A0] =	vst v13;
	v58 =	vsel vm7, $0x0, v11;
	v55 =	vmul.f32 v48, v50;
	v59 =	vmul.f32 v48, v53  }
0x173: {  	[tilespmem:$0x720] =	vst v33;
	v34 =	vmul.f32 v48, v57;
	v13 =	vsel vm15, $0x0, v15;
	v41 =	vsel vm11, $0x0, v14  }
0x174: {  	[tilespmem:$0x530] =	vst v0;
	vm15 =	veq.s32 v2, $0x2;
	v2 =	vnsel vm14, $0x0, v15;
	v42 =	vnsel vm0, $0x0, v14  }
0x175: {  	[tilespmem:$0x730] =	vst v1;
	v20 =	vnsel vm12, $0x0, v15;
	v46 =	vld [tilespmem:$0x1FFD0];
	v44 =	vnsel vm15, $0x0, v14;
	vm15 =	veq.f32 v19, v17  }
0x176: {  	[tilespmem:$0x430] =	vst v8;
	v14 =	vnsel vm2, $0x0, v14;
	v61 =	vmax.f32 v54, v55;
	v62 =	vmax.f32 v59, v34  }
0x177: {  	[tilespmem:$0x5A0] =	vst v49;
	v13 =	vadd.f32 v41, v13;
	v2 =	vadd.f32 v42, v2;
	v23 =	vmax.f32 v61, v62  }
0x178: {  	[tilespmem:$0x7A0] =	vst v32;
	v48 =	vsel vm15, $0x2, v52;
	vm15 =	vgt.f32 v18, v16;
	vm14 =	veq.f32 v59, v23  }
0x179: {  	[tilespmem:$0x440] =	vst v28;
	v28 =	vadd.f32 v44, v20;
	vm11 =	veq.f32 v55, v23;
	v45 =	vsel vm14, $0x2, v52  }
0x17a: {  	[tilespmem:$0x4B0] =	vst v25;
	vm5 =	vne.f32 v54, v23;
	vm12 =	vnez.u8 v46;
	v47 =	vsel vm11, $0x1, v45  }
0x17b: {  	[tilespmem:$0x6B0] =	vst v3;
	v49 =	vnsel vm5, $0xBF800000, v54;
	v0 =	vnsel vm12, $0x0, v15;
	v15 =	vnsel vm5, $0x0, v47  }
0x17c: {  	[tilespmem:$0x7B0] =	vst v4;
	v60 =	vld [tilespmem:$0x1FFE0];
	vm6 =	vmand vm5, vm11;
	vm2 =	veq.s32 v15, $0x2;
	vm1 =	veq.s32 v15, $0x3  }
0x17d: {  	[tilespmem:$0x5B0] =	vst v26;
	v61 =	vld [tilespmem:$0x1FFF0];
	v50 =	vsel vm6, $0xBF800000, v55;
	v51 =	vsel vm2, $0xBF800000, v59;
	v53 =	vsel vm1, $0xBF800000, v34  }
0x17e: {  	[tilespmem:$0x4C0] =	vst v35;
	v17 =	vsel vm13, $0x1, v48;
	v55 =	vmax.f32 v49, v50;
	v19 =	vmax.f32 v51, v53  }
0x17f: {  	[tilespmem:$0x640] =	vst v12;
	vm13 =	vmand vm7, vm13;
	v54 =	vmul.f32 v30, v5;
	v5 =	vmax.f32 v55, v19  }
0x180: {  	[tilespmem:$0x6C0] =	vst v22;
	v17 =	vnsel vm7, $0x0, v17;
	v62 =	vnsel vm13, $0x0, v11;
	v57 =	vadd.f32 v5, v23  }
0x181: {  	[tilespmem:$0x5C0] =	vst v36;
	v40 =	vmul.f32 v23, v6;
	vm11 =	veq.s32 v17, $0x3;
	v56 =	vsel vm4, $0x0, v54  }
0x182: {  	[tilespmem:$0x740] =	vst v24;
	v63 =	vnsel vm3, $0x0, v54;
	vm14 =	vgt.f32 v61, v60;
	v21 =	vadd.f32 $1.000000010e-07, v57  }
0x183: {  	[tilespmem:$0x7C0] =	vst v10;
	vm4 =	veq.s32 v17, $0x2;
	v0 =	vadd.f32 v14, v0;
	v32 =	vsel vm14, $0x0, v13  }
0x184: {  	v4 =	vnsel vm10, $0x0, v54;
	v35 =	vsel vm14, $0x0, v2;
	[tilespmem:$0x450] =	vst v32;
	(erf) = vrcp.f32 v21  }
0x185: {  	v22 =	vnsel vm4, $0x0, v11;
	v30 =	vadd.f32 v58, v56;
	v36 =	vsel vm14, $0x0, v28;
	[tilespmem:$0x4D0] =	vst v35  }
0x186: {  	v11 =	vnsel vm11, $0x0, v11;
	v59 =	vnsel vm8, $0x0, v54;
	v14 =	vsel vm14, $0x0, v0;
	[tilespmem:$0x550] =	vst v36  }
0x187: {  	v34 =	vadd.f32 v22, v63;
	v4 =	vadd.f32 v11, v4;
	v38 =	vnsel vm14, $0x0, v13;
	[tilespmem:$0x5D0] =	vst v14  }
0x188: {  	v2 =	vnsel vm14, $0x0, v2;
	v7 =	vnsel vm14, $0x0, v28;
	v0 =	vnsel vm14, $0x0, v0;
	[tilespmem:$0x650] =	vst v38  }
0x189: {  	v33 =	vadd.f32 v62, v59;
	[tilespmem:$0x6D0] =	vst v2;
	v39 =	vsel vm15, $0x0, v30;
	v46 =	vnsel vm15, $0x0, v30  }
0x18a: {  	[tilespmem:$0x750] =	vst v7;
	v44 =	vsel vm15, $0x0, v34;
	v45 =	vsel vm15, $0x0, v4;
	v48 =	vnsel vm15, $0x0, v34  }
0x18b: {  	[tilespmem:$0x7D0] =	vst v0;
	v4 =	vnsel vm15, $0x0, v4;
	v6 =	vmul.f32 v5, v6;
	vm14 =	veq.f32 v51, v5  }
0x18c: {  	[tilespmem:$0x460] =	vst v39;
	vm12 =	vne.f32 v49, v5;
	vm13 =	veq.f32 v50, v5;
	v5 =	vsel vm14, $0x2, v52  }
0x18d: {  	[tilespmem:$0x660] =	vst v46;
	v41 =	vsel vm15, $0x0, v33;
	v47 =	vnsel vm15, $0x0, v33;
	v5 =	vsel vm13, $0x1, v5;
	v42 =	vpop (erf)  }
0x18e: {  	[tilespmem:$0x560] =	vst v44;
	v5 =	vnsel vm12, $0x0, v5;
	v43 =	vmul.f32 v42, v40;
	v1 =	vmul.f32 v42, v6  }
0x18f: {  	[tilespmem:$0x5E0] =	vst v45;
	vm4 =	vmand vm12, vm13;
	vm3 =	veq.s32 v5, $0x2;
	vm15 =	veq.s32 v5, $0x3  }
0x190: {  	[tilespmem:$0x760] =	vst v48;
	v49 =	vsel vm5, $0x0, v43;
	v50 =	vsel vm12, $0x0, v1;
	v53 =	vnsel vm6, $0x0, v43  }
0x191: {  	[tilespmem:$0x7E0] =	vst v4;
	v54 =	vnsel vm4, $0x0, v1;
	v56 =	vnsel vm2, $0x0, v43;
	v51 =	vadd.f32 v50, v49  }
0x192: {  	[tilespmem:$0x4E0] =	vst v41;
	v57 =	vnsel vm3, $0x0, v1;
	v0 =	vnsel vm1, $0x0, v43;
	v6 =	vadd.f32 v54, v53  }
0x193: {  	[tilespmem:$0x6E0] =	vst v47;
	v1 =	vnsel vm15, $0x0, v1;
	v3 =	vadd.f32 v57, v56;
	v55 =	vsel vm9, $0x0, v51  }
0x194: {  	v0 =	vadd.f32 v1, v0;
	v58 =	vsel vm9, $0x0, v6;
	[tilespmem:$0x470] =	vst v55  }
0x195: {  	v59 =	vsel vm9, $0x0, v3;
	[tilespmem:$0x4F0] =	vst v58  }
0x196: {  	v60 =	vsel vm9, $0x0, v0;
	[tilespmem:$0x570] =	vst v59  }
0x197: {  	v61 =	vnsel vm9, $0x0, v51;
	[tilespmem:$0x5F0] =	vst v60  }
0x198: {  	v62 =	vnsel vm9, $0x0, v6;
	[tilespmem:$0x670] =	vst v61  }
0x199: {  	v63 =	vnsel vm9, $0x0, v3;
	[tilespmem:$0x6F0] =	vst v62  }
0x19a: {  	p0 =	sne.s32 s5, $0x1;
	v0 =	vnsel vm9, $0x0, v0;
	[tilespmem:$0x770] =	vst v63  }
.Ltmp0:
0x19b: {  	[tilespmem:$0x7F0] =	vst v0;
	(pc) =	sbr.rel @p0 .LBB2_1-.Ltmp0, $4  }
0x19c: {  	[hbm4b:s4+s2] =	stream.linear.scatter [tilespmem:s7], [sflag:$0x1], $0x400, $0x38;
	[tilespmem:$0x800] =	vst v63  }
0x19d: {  	_ =	swait.ge [sflag:s6], $0x400  }
0x19e: {  	[sflag:s6] =	ssyncset.done $0x0  }
0x19f: {  	s5 =	sadd.s32 $0xFFFFFFFF, s5;
	[sflag:s6] =	ssyncadd.s32 $0xFFFFFC00  }
0x1a0: {  	_ =	sfence.sel $0x180000  }
0x1a1: {  	[bflag:$0x0] =	sbarrier.arrive $0xFFFF  }
0x1a2: {  	p0 =	sne.s32 s1, $0x0;
	_ =	strace $0x90000047  }
0x1a3: {  	s0 =	sadd.s32 @!p0 $0x100000, s0;
	[bflag:$0x2] =	sbarrier.arrive $0xFFFF  }
0x1a4: {  	[sflag:s0] =	ssyncadd.tile.s32 @!p0 $0x1;
	_ =	shalt  }
.Lfunc_end2:
_tile_overlayer_lowered:
.L_overlay_start_2:
0x1a5: {  	(tag) =	ssettag $0x2  }
0x1a6: {  	s0 =	rddreg [dreg:$0x0];
	s2 =	stileid.u32  }
0x1a7: {  	s1 =	rddreg [dreg:$0x1];
	p0 =	sne.s32 s2, $0x0  }
0x1a8: {  	s3 =	rddreg [dreg:$0x2];
	[bflag:$0x3] =	sbarrier.arrive $0xFFFF;
	s2 =	simm.s32 @!p0 $0x1C01  }
0x1a9: {  	[timem:s3], [sflag:s2] =	dma.local @!p0 [hbm:s0], s1  }
0x1aa: {  	s0 =	simm.s32 @!p0 $0x1  }
0x1ab: {  	_ =	swait.ge @!p0 [sflag:s0], s1  }
0x1ac: {  	s1 =	ssub.s32 @!p0 $0x0, s1;
	[sflag:s0] =	ssyncset.done @!p0 $0x0  }
0x1ad: {  	[sflag:s0] =	ssyncadd.s32 @!p0 s1  }
0x1ae: {  	[bflag:$0x3] =	sbarrier.arrive $0xFFFF  }
0x1af: {  	_ =	shalt  }

</sc_bundles>
